<compile_context>
chip_gen: v7x
topology: tpu7x:2x2x1
jax: 0.10.2.dev20260603
libtpu: 0.0.44.dev20260713+nightly
codegen_flags: <defaults>
</compile_context>

<pallas_src>
import functools

import jax
import jax.numpy as jnp
from jax import lax
from jax.experimental import pallas as pl
from jax.experimental.pallas import tpu as pltpu
from jax.experimental.pallas import tpu_sc as plsc

SUP_B = 16
HIST_PAD = 56


@functools.cache
def _make_gather(batch: int, hist: int, vocab: int, dim: int):
    info = plsc.get_sparse_core_info()
    nw = info.num_cores * info.num_subcores
    nb = batch // nw
    sup_b = SUP_B
    n_sup = nb // sup_b
    assert nb * nw == batch
    assert n_sup * sup_b == nb and n_sup % 2 == 0

    mesh = plsc.VectorSubcoreMesh(core_axis_name="c", subcore_axis_name="s")

    @functools.partial(
        pl.kernel,
        mesh=mesh,
        out_type=jax.ShapeDtypeStruct((batch, hist, dim), jnp.float32),
        scratch_types=[
            pltpu.VMEM((nb * HIST_PAD,), jnp.int32),
            pltpu.VMEM((sup_b, hist, dim), jnp.float32),
            pltpu.VMEM((sup_b, hist, dim), jnp.float32),
            pltpu.SemaphoreType.DMA,
            pltpu.SemaphoreType.DMA,
            pltpu.SemaphoreType.DMA,
            pltpu.SemaphoreType.DMA,
        ],
        compiler_params=pltpu.CompilerParams(use_tc_tiling_on_sc=False),
    )
    def gather_kernel(x_hbm, table_hbm, out_hbm, idx_v, buf0, buf1,
                      gsem0, gsem1, wsem0, wsem1):
        wid = lax.axis_index("s") * info.num_cores + lax.axis_index("c")
        batch0 = wid * nb
        pltpu.sync_copy(x_hbm.at[wid], idx_v)

        bufs = (buf0, buf1)
        gsems = (gsem0, gsem1)
        wsems = (wsem0, wsem1)

        def fire(j, buf, gsem):
            for t in range(sup_b):
                pltpu.make_async_copy(
                    table_hbm.at[
                        idx_v.at[pl.ds((j * sup_b + t) * HIST_PAD, hist)]
                    ],
                    buf.at[t],
                    gsem,
                ).start()

        def drain(buf, gsem):
            for t in range(sup_b):
                pltpu.make_async_copy(
                    table_hbm.at[idx_v.at[pl.ds(0, hist)]],
                    buf.at[t],
                    gsem,
                ).wait()

        def wb_copy(j, buf, wsem):
            return pltpu.make_async_copy(
                buf,
                out_hbm.at[pl.ds(batch0 + j * sup_b, sup_b)],
                wsem,
            )

        fire(0, buf0, gsem0)

        def pair(i, carry):
            for parity in range(2):
                j = 2 * i + parity
                cur, oth = bufs[parity], bufs[1 - parity]
                gcur, goth = gsems[parity], gsems[1 - parity]
                wcur, woth = wsems[parity], wsems[1 - parity]

                @pl.when(j + 1 < n_sup)
                def _():
                    @pl.when(j >= 1)
                    def _():
                        wb_copy(0, oth, woth).wait()

                    fire(j + 1, oth, goth)

                drain(cur, gcur)
                wb_copy(j, cur, wcur).start()
            return carry

        lax.fori_loop(0, n_sup // 2, pair, 0)
        wb_copy(0, buf0, wsem0).wait()
        wb_copy(0, buf1, wsem1).wait()

    return gather_kernel


def kernel(x, word_vectors):
    b, h = x.shape
    vocab, dim = word_vectors.shape
    info = plsc.get_sparse_core_info()
    nw = info.num_cores * info.num_subcores
    xi = x.astype(jnp.int32)
    z = jnp.minimum(xi[0, 0], 0)
    x_pad = jnp.pad(xi ^ z, ((0, 0), (0, HIST_PAD - h)))
    x_by_w = x_pad.reshape(nw, (b // nw) * HIST_PAD)
    wv_bits = lax.bitcast_convert_type(word_vectors, jnp.int32) ^ z
    wv = lax.bitcast_convert_type(wv_bits, jnp.float32)
    return _make_gather(b, h, vocab, dim)(x_by_w, wv)

# --- scband reference (transcript-rebuilt; emitter-appended) ---
"""Pipeline reference for scband-input-embedding-layer-22454089023826 (READ-ONLY COPY).

The authoritative reference and input builder live on the scoring server;
editing this copy changes nothing except your own understanding.
"""

import jax, jax.numpy as jnp
import numpy as np

VOCAB = 1000000
EMBED_DIM = 32
BATCH = 16384
HIST_LEN = 50


def setup_inputs(seed: int = 0) -> dict:
    key = jax.random.key(seed)
    k_idx, k_tab = jax.random.split(key)
    x = jax.random.randint(k_idx, (BATCH, HIST_LEN), 0, VOCAB, dtype=jnp.int64 if jax.config.jax_enable_x64 else jnp.int32)
    word_vectors = jax.random.normal(k_tab, (VOCAB, EMBED_DIM), dtype=jnp.float32)
    return {"x": x, "word_vectors": word_vectors}


def reference(x, word_vectors):
    # nn.Embedding.from_pretrained(word_vectors)(x) == word_vectors[x]
    emb = jnp.take(word_vectors, x, axis=0)
    return emb

if __name__ == "__main__":
    import jax
    _d = setup_inputs()
    print(jax.jit(kernel)(*tuple(_d.values())))

</pallas_src>

<mosaic_0001>
#map = affine_map<(d0, d1) -> (0, 0)>
#map1 = affine_map<(d0, d1) -> (0, 0, 0)>
module attributes {stable_mosaic.version = 14 : i64} {
  func.func @gather_kernel(%arg0: i32, %arg1: i32, %arg2: memref<32x28672xi32, #tpu.memory_space<hbm>>, %arg3: memref<1000000x32xf32, #tpu.memory_space<hbm>>, %arg4: memref<16384x50x32xf32, #tpu.memory_space<hbm>>, %arg5: memref<28672xi32, #tpu.memory_space<vmem>>, %arg6: memref<16x50x32xf32, #tpu.memory_space<vmem>>, %arg7: memref<16x50x32xf32, #tpu.memory_space<vmem>>, %arg8: memref<!tpu.dma_semaphore, #tpu.memory_space<semaphore_mem>>, %arg9: memref<!tpu.dma_semaphore, #tpu.memory_space<semaphore_mem>>, %arg10: memref<!tpu.dma_semaphore, #tpu.memory_space<semaphore_mem>>, %arg11: memref<!tpu.dma_semaphore, #tpu.memory_space<semaphore_mem>>) attributes {dimension_semantics = [#tpu.dimension_semantics<core_parallel>, #tpu.dimension_semantics<subcore_parallel>], iteration_bounds = array<i64: 2, 16>, scalar_prefetch = 0 : i64, scratch_operands = 7 : i64, tpu.core_type = #tpu.core_type<sc_vector_subcore>, window_params = [{transform_indices = #map}, {transform_indices = #map}, {transform_indices = #map1}]} {
    %mul3A = arith.constant 2 : i32
    %mul3A_0 = arith.muli %arg1, %mul3A : i32
    %add3A = arith.addi %mul3A_0, %arg0 : i32
    %mul3A_1 = arith.constant 512 : i32
    %mul3A_2 = arith.muli %add3A, %mul3A_1 : i32
    "tpu.region"() ({
      %run_scoped3A = tpu.sem_alloc : memref<!tpu.dma_semaphore, #tpu.memory_space<semaphore_mem>>
      %dma_start3A_182 = arith.constant 0 : i32
      %dma_start3A_183 = tpu.memref_slice %arg2[%add3A, %dma_start3A_182] : memref<32x28672xi32, #tpu.memory_space<hbm>> -> memref<1x28672xi32, #tpu.memory_space<hbm>>
      %dma_start3A_184 = tpu.memref_squeeze %dma_start3A_183 : memref<1x28672xi32, #tpu.memory_space<hbm>> -> memref<28672xi32, #tpu.memory_space<hbm>>
      %dma_start3A_185 = arith.constant 0 : i32
      %dma_start3A_186 = tpu.memref_slice %arg2[%add3A, %dma_start3A_185] : memref<32x28672xi32, #tpu.memory_space<hbm>> -> memref<1x28672xi32, #tpu.memory_space<hbm>>
      %dma_start3A_187 = tpu.memref_squeeze %dma_start3A_186 : memref<1x28672xi32, #tpu.memory_space<hbm>> -> memref<28672xi32, #tpu.memory_space<hbm>>
      tpu.enqueue_dma source(%dma_start3A_187 : memref<28672xi32, #tpu.memory_space<hbm>>) target(%arg5 : memref<28672xi32, #tpu.memory_space<vmem>>) target_semaphore(%run_scoped3A : memref<!tpu.dma_semaphore, #tpu.memory_space<semaphore_mem>>)
      %dma_wait3A_188 = arith.constant 0 : i32
      %dma_wait3A_189 = tpu.memref_slice %arg2[%add3A, %dma_wait3A_188] : memref<32x28672xi32, #tpu.memory_space<hbm>> -> memref<1x28672xi32, #tpu.memory_space<hbm>>
      %dma_wait3A_190 = tpu.memref_squeeze %dma_wait3A_189 : memref<1x28672xi32, #tpu.memory_space<hbm>> -> memref<28672xi32, #tpu.memory_space<hbm>>
      %dma_wait3A_191 = arith.constant 0 : i32
      %dma_wait3A_192 = tpu.memref_slice %arg2[%add3A, %dma_wait3A_191] : memref<32x28672xi32, #tpu.memory_space<hbm>> -> memref<1x28672xi32, #tpu.memory_space<hbm>>
      %dma_wait3A_193 = tpu.memref_squeeze %dma_wait3A_192 : memref<1x28672xi32, #tpu.memory_space<hbm>> -> memref<28672xi32, #tpu.memory_space<hbm>>
      tpu.wait_dma2 semaphore(%run_scoped3A : memref<!tpu.dma_semaphore, #tpu.memory_space<semaphore_mem>>) src(%dma_wait3A_193 : memref<28672xi32, #tpu.memory_space<hbm>>) dst(%arg5 : memref<28672xi32, #tpu.memory_space<vmem>>)
      tpu.yield
    }) : () -> ()
    %dma_start3A = arith.constant 0 : i32
    %dma_start3A_3 = arith.constant 0 : i32
    %dma_start3A_4 = arith.constant 0 : i32
    %dma_start3A_5 = tpu.memref_slice %arg6[%dma_start3A, %dma_start3A_3, %dma_start3A_4] : memref<16x50x32xf32, #tpu.memory_space<vmem>> -> memref<1x50x32xf32, #tpu.memory_space<vmem>>
    %dma_start3A_6 = tpu.memref_squeeze %dma_start3A_5 : memref<1x50x32xf32, #tpu.memory_space<vmem>> -> memref<50x32xf32, #tpu.memory_space<vmem>>
    %dma_start3A_7 = arith.constant 0 : i32
    %dma_start3A_8 = tpu.memref_slice %arg5[%dma_start3A_7] : memref<28672xi32, #tpu.memory_space<vmem>> -> memref<50xi32, #tpu.memory_space<vmem>>
    %dma_start3A_9 = arith.constant 0 : i32
    %dma_start3A_10 = arith.constant 0 : i32
    %dma_start3A_11 = tpu.memref_slice %arg3[%dma_start3A_9, %dma_start3A_10] : memref<1000000x32xf32, #tpu.memory_space<hbm>> -> memref<1000000x32xf32, #tpu.memory_space<hbm>>
    tpu.enqueue_indirect_dma source(%dma_start3A_11 : memref<1000000x32xf32, #tpu.memory_space<hbm>>) target(%dma_start3A_6 : memref<50x32xf32, #tpu.memory_space<vmem>>) offsets(%dma_start3A_8 : memref<50xi32, #tpu.memory_space<vmem>>) semaphore(%arg8 : memref<!tpu.dma_semaphore, #tpu.memory_space<semaphore_mem>>)
    %dma_start3A_12 = arith.constant 1 : i32
    %dma_start3A_13 = arith.constant 0 : i32
    %dma_start3A_14 = arith.constant 0 : i32
    %dma_start3A_15 = tpu.memref_slice %arg6[%dma_start3A_12, %dma_start3A_13, %dma_start3A_14] : memref<16x50x32xf32, #tpu.memory_space<vmem>> -> memref<1x50x32xf32, #tpu.memory_space<vmem>>
    %dma_start3A_16 = tpu.memref_squeeze %dma_start3A_15 : memref<1x50x32xf32, #tpu.memory_space<vmem>> -> memref<50x32xf32, #tpu.memory_space<vmem>>
    %dma_start3A_17 = arith.constant 56 : i32
    %dma_start3A_18 = tpu.memref_slice %arg5[%dma_start3A_17] : memref<28672xi32, #tpu.memory_space<vmem>> -> memref<50xi32, #tpu.memory_space<vmem>>
    %dma_start3A_19 = arith.constant 0 : i32
    %dma_start3A_20 = arith.constant 0 : i32
    %dma_start3A_21 = tpu.memref_slice %arg3[%dma_start3A_19, %dma_start3A_20] : memref<1000000x32xf32, #tpu.memory_space<hbm>> -> memref<1000000x32xf32, #tpu.memory_space<hbm>>
    tpu.enqueue_indirect_dma source(%dma_start3A_21 : memref<1000000x32xf32, #tpu.memory_space<hbm>>) target(%dma_start3A_16 : memref<50x32xf32, #tpu.memory_space<vmem>>) offsets(%dma_start3A_18 : memref<50xi32, #tpu.memory_space<vmem>>) semaphore(%arg8 : memref<!tpu.dma_semaphore, #tpu.memory_space<semaphore_mem>>)
    %dma_start3A_22 = arith.constant 2 : i32
    %dma_start3A_23 = arith.constant 0 : i32
    %dma_start3A_24 = arith.constant 0 : i32
    %dma_start3A_25 = tpu.memref_slice %arg6[%dma_start3A_22, %dma_start3A_23, %dma_start3A_24] : memref<16x50x32xf32, #tpu.memory_space<vmem>> -> memref<1x50x32xf32, #tpu.memory_space<vmem>>
    %dma_start3A_26 = tpu.memref_squeeze %dma_start3A_25 : memref<1x50x32xf32, #tpu.memory_space<vmem>> -> memref<50x32xf32, #tpu.memory_space<vmem>>
    %dma_start3A_27 = arith.constant 112 : i32
    %dma_start3A_28 = tpu.memref_slice %arg5[%dma_start3A_27] : memref<28672xi32, #tpu.memory_space<vmem>> -> memref<50xi32, #tpu.memory_space<vmem>>
    %dma_start3A_29 = arith.constant 0 : i32
    %dma_start3A_30 = arith.constant 0 : i32
    %dma_start3A_31 = tpu.memref_slice %arg3[%dma_start3A_29, %dma_start3A_30] : memref<1000000x32xf32, #tpu.memory_space<hbm>> -> memref<1000000x32xf32, #tpu.memory_space<hbm>>
    tpu.enqueue_indirect_dma source(%dma_start3A_31 : memref<1000000x32xf32, #tpu.memory_space<hbm>>) target(%dma_start3A_26 : memref<50x32xf32, #tpu.memory_space<vmem>>) offsets(%dma_start3A_28 : memref<50xi32, #tpu.memory_space<vmem>>) semaphore(%arg8 : memref<!tpu.dma_semaphore, #tpu.memory_space<semaphore_mem>>)
    %dma_start3A_32 = arith.constant 3 : i32
    %dma_start3A_33 = arith.constant 0 : i32
    %dma_start3A_34 = arith.constant 0 : i32
    %dma_start3A_35 = tpu.memref_slice %arg6[%dma_start3A_32, %dma_start3A_33, %dma_start3A_34] : memref<16x50x32xf32, #tpu.memory_space<vmem>> -> memref<1x50x32xf32, #tpu.memory_space<vmem>>
    %dma_start3A_36 = tpu.memref_squeeze %dma_start3A_35 : memref<1x50x32xf32, #tpu.memory_space<vmem>> -> memref<50x32xf32, #tpu.memory_space<vmem>>
    %dma_start3A_37 = arith.constant 168 : i32
    %dma_start3A_38 = tpu.memref_slice %arg5[%dma_start3A_37] : memref<28672xi32, #tpu.memory_space<vmem>> -> memref<50xi32, #tpu.memory_space<vmem>>
    %dma_start3A_39 = arith.constant 0 : i32
    %dma_start3A_40 = arith.constant 0 : i32
    %dma_start3A_41 = tpu.memref_slice %arg3[%dma_start3A_39, %dma_start3A_40] : memref<1000000x32xf32, #tpu.memory_space<hbm>> -> memref<1000000x32xf32, #tpu.memory_space<hbm>>
    tpu.enqueue_indirect_dma source(%dma_start3A_41 : memref<1000000x32xf32, #tpu.memory_space<hbm>>) target(%dma_start3A_36 : memref<50x32xf32, #tpu.memory_space<vmem>>) offsets(%dma_start3A_38 : memref<50xi32, #tpu.memory_space<vmem>>) semaphore(%arg8 : memref<!tpu.dma_semaphore, #tpu.memory_space<semaphore_mem>>)
    %dma_start3A_42 = arith.constant 4 : i32
    %dma_start3A_43 = arith.constant 0 : i32
    %dma_start3A_44 = arith.constant 0 : i32
    %dma_start3A_45 = tpu.memref_slice %arg6[%dma_start3A_42, %dma_start3A_43, %dma_start3A_44] : memref<16x50x32xf32, #tpu.memory_space<vmem>> -> memref<1x50x32xf32, #tpu.memory_space<vmem>>
    %dma_start3A_46 = tpu.memref_squeeze %dma_start3A_45 : memref<1x50x32xf32, #tpu.memory_space<vmem>> -> memref<50x32xf32, #tpu.memory_space<vmem>>
    %dma_start3A_47 = arith.constant 224 : i32
    %dma_start3A_48 = tpu.memref_slice %arg5[%dma_start3A_47] : memref<28672xi32, #tpu.memory_space<vmem>> -> memref<50xi32, #tpu.memory_space<vmem>>
    %dma_start3A_49 = arith.constant 0 : i32
    %dma_start3A_50 = arith.constant 0 : i32
    %dma_start3A_51 = tpu.memref_slice %arg3[%dma_start3A_49, %dma_start3A_50] : memref<1000000x32xf32, #tpu.memory_space<hbm>> -> memref<1000000x32xf32, #tpu.memory_space<hbm>>
    tpu.enqueue_indirect_dma source(%dma_start3A_51 : memref<1000000x32xf32, #tpu.memory_space<hbm>>) target(%dma_start3A_46 : memref<50x32xf32, #tpu.memory_space<vmem>>) offsets(%dma_start3A_48 : memref<50xi32, #tpu.memory_space<vmem>>) semaphore(%arg8 : memref<!tpu.dma_semaphore, #tpu.memory_space<semaphore_mem>>)
    %dma_start3A_52 = arith.constant 5 : i32
    %dma_start3A_53 = arith.constant 0 : i32
    %dma_start3A_54 = arith.constant 0 : i32
    %dma_start3A_55 = tpu.memref_slice %arg6[%dma_start3A_52, %dma_start3A_53, %dma_start3A_54] : memref<16x50x32xf32, #tpu.memory_space<vmem>> -> memref<1x50x32xf32, #tpu.memory_space<vmem>>
    %dma_start3A_56 = tpu.memref_squeeze %dma_start3A_55 : memref<1x50x32xf32, #tpu.memory_space<vmem>> -> memref<50x32xf32, #tpu.memory_space<vmem>>
    %dma_start3A_57 = arith.constant 280 : i32
    %dma_start3A_58 = tpu.memref_slice %arg5[%dma_start3A_57] : memref<28672xi32, #tpu.memory_space<vmem>> -> memref<50xi32, #tpu.memory_space<vmem>>
    %dma_start3A_59 = arith.constant 0 : i32
    %dma_start3A_60 = arith.constant 0 : i32
    %dma_start3A_61 = tpu.memref_slice %arg3[%dma_start3A_59, %dma_start3A_60] : memref<1000000x32xf32, #tpu.memory_space<hbm>> -> memref<1000000x32xf32, #tpu.memory_space<hbm>>
    tpu.enqueue_indirect_dma source(%dma_start3A_61 : memref<1000000x32xf32, #tpu.memory_space<hbm>>) target(%dma_start3A_56 : memref<50x32xf32, #tpu.memory_space<vmem>>) offsets(%dma_start3A_58 : memref<50xi32, #tpu.memory_space<vmem>>) semaphore(%arg8 : memref<!tpu.dma_semaphore, #tpu.memory_space<semaphore_mem>>)
    %dma_start3A_62 = arith.constant 6 : i32
    %dma_start3A_63 = arith.constant 0 : i32
    %dma_start3A_64 = arith.constant 0 : i32
    %dma_start3A_65 = tpu.memref_slice %arg6[%dma_start3A_62, %dma_start3A_63, %dma_start3A_64] : memref<16x50x32xf32, #tpu.memory_space<vmem>> -> memref<1x50x32xf32, #tpu.memory_space<vmem>>
    %dma_start3A_66 = tpu.memref_squeeze %dma_start3A_65 : memref<1x50x32xf32, #tpu.memory_space<vmem>> -> memref<50x32xf32, #tpu.memory_space<vmem>>
    %dma_start3A_67 = arith.constant 336 : i32
    %dma_start3A_68 = tpu.memref_slice %arg5[%dma_start3A_67] : memref<28672xi32, #tpu.memory_space<vmem>> -> memref<50xi32, #tpu.memory_space<vmem>>
    %dma_start3A_69 = arith.constant 0 : i32
    %dma_start3A_70 = arith.constant 0 : i32
    %dma_start3A_71 = tpu.memref_slice %arg3[%dma_start3A_69, %dma_start3A_70] : memref<1000000x32xf32, #tpu.memory_space<hbm>> -> memref<1000000x32xf32, #tpu.memory_space<hbm>>
    tpu.enqueue_indirect_dma source(%dma_start3A_71 : memref<1000000x32xf32, #tpu.memory_space<hbm>>) target(%dma_start3A_66 : memref<50x32xf32, #tpu.memory_space<vmem>>) offsets(%dma_start3A_68 : memref<50xi32, #tpu.memory_space<vmem>>) semaphore(%arg8 : memref<!tpu.dma_semaphore, #tpu.memory_space<semaphore_mem>>)
    %dma_start3A_72 = arith.constant 7 : i32
    %dma_start3A_73 = arith.constant 0 : i32
    %dma_start3A_74 = arith.constant 0 : i32
    %dma_start3A_75 = tpu.memref_slice %arg6[%dma_start3A_72, %dma_start3A_73, %dma_start3A_74] : memref<16x50x32xf32, #tpu.memory_space<vmem>> -> memref<1x50x32xf32, #tpu.memory_space<vmem>>
    %dma_start3A_76 = tpu.memref_squeeze %dma_start3A_75 : memref<1x50x32xf32, #tpu.memory_space<vmem>> -> memref<50x32xf32, #tpu.memory_space<vmem>>
    %dma_start3A_77 = arith.constant 392 : i32
    %dma_start3A_78 = tpu.memref_slice %arg5[%dma_start3A_77] : memref<28672xi32, #tpu.memory_space<vmem>> -> memref<50xi32, #tpu.memory_space<vmem>>
    %dma_start3A_79 = arith.constant 0 : i32
    %dma_start3A_80 = arith.constant 0 : i32
    %dma_start3A_81 = tpu.memref_slice %arg3[%dma_start3A_79, %dma_start3A_80] : memref<1000000x32xf32, #tpu.memory_space<hbm>> -> memref<1000000x32xf32, #tpu.memory_space<hbm>>
    tpu.enqueue_indirect_dma source(%dma_start3A_81 : memref<1000000x32xf32, #tpu.memory_space<hbm>>) target(%dma_start3A_76 : memref<50x32xf32, #tpu.memory_space<vmem>>) offsets(%dma_start3A_78 : memref<50xi32, #tpu.memory_space<vmem>>) semaphore(%arg8 : memref<!tpu.dma_semaphore, #tpu.memory_space<semaphore_mem>>)
    %dma_start3A_82 = arith.constant 8 : i32
    %dma_start3A_83 = arith.constant 0 : i32
    %dma_start3A_84 = arith.constant 0 : i32
    %dma_start3A_85 = tpu.memref_slice %arg6[%dma_start3A_82, %dma_start3A_83, %dma_start3A_84] : memref<16x50x32xf32, #tpu.memory_space<vmem>> -> memref<1x50x32xf32, #tpu.memory_space<vmem>>
    %dma_start3A_86 = tpu.memref_squeeze %dma_start3A_85 : memref<1x50x32xf32, #tpu.memory_space<vmem>> -> memref<50x32xf32, #tpu.memory_space<vmem>>
    %dma_start3A_87 = arith.constant 448 : i32
    %dma_start3A_88 = tpu.memref_slice %arg5[%dma_start3A_87] : memref<28672xi32, #tpu.memory_space<vmem>> -> memref<50xi32, #tpu.memory_space<vmem>>
    %dma_start3A_89 = arith.constant 0 : i32
    %dma_start3A_90 = arith.constant 0 : i32
    %dma_start3A_91 = tpu.memref_slice %arg3[%dma_start3A_89, %dma_start3A_90] : memref<1000000x32xf32, #tpu.memory_space<hbm>> -> memref<1000000x32xf32, #tpu.memory_space<hbm>>
    tpu.enqueue_indirect_dma source(%dma_start3A_91 : memref<1000000x32xf32, #tpu.memory_space<hbm>>) target(%dma_start3A_86 : memref<50x32xf32, #tpu.memory_space<vmem>>) offsets(%dma_start3A_88 : memref<50xi32, #tpu.memory_space<vmem>>) semaphore(%arg8 : memref<!tpu.dma_semaphore, #tpu.memory_space<semaphore_mem>>)
    %dma_start3A_92 = arith.constant 9 : i32
    %dma_start3A_93 = arith.constant 0 : i32
    %dma_start3A_94 = arith.constant 0 : i32
    %dma_start3A_95 = tpu.memref_slice %arg6[%dma_start3A_92, %dma_start3A_93, %dma_start3A_94] : memref<16x50x32xf32, #tpu.memory_space<vmem>> -> memref<1x50x32xf32, #tpu.memory_space<vmem>>
    %dma_start3A_96 = tpu.memref_squeeze %dma_start3A_95 : memref<1x50x32xf32, #tpu.memory_space<vmem>> -> memref<50x32xf32, #tpu.memory_space<vmem>>
    %dma_start3A_97 = arith.constant 504 : i32
    %dma_start3A_98 = tpu.memref_slice %arg5[%dma_start3A_97] : memref<28672xi32, #tpu.memory_space<vmem>> -> memref<50xi32, #tpu.memory_space<vmem>>
    %dma_start3A_99 = arith.constant 0 : i32
    %dma_start3A_100 = arith.constant 0 : i32
    %dma_start3A_101 = tpu.memref_slice %arg3[%dma_start3A_99, %dma_start3A_100] : memref<1000000x32xf32, #tpu.memory_space<hbm>> -> memref<1000000x32xf32, #tpu.memory_space<hbm>>
    tpu.enqueue_indirect_dma source(%dma_start3A_101 : memref<1000000x32xf32, #tpu.memory_space<hbm>>) target(%dma_start3A_96 : memref<50x32xf32, #tpu.memory_space<vmem>>) offsets(%dma_start3A_98 : memref<50xi32, #tpu.memory_space<vmem>>) semaphore(%arg8 : memref<!tpu.dma_semaphore, #tpu.memory_space<semaphore_mem>>)
    %dma_start3A_102 = arith.constant 10 : i32
    %dma_start3A_103 = arith.constant 0 : i32
    %dma_start3A_104 = arith.constant 0 : i32
    %dma_start3A_105 = tpu.memref_slice %arg6[%dma_start3A_102, %dma_start3A_103, %dma_start3A_104] : memref<16x50x32xf32, #tpu.memory_space<vmem>> -> memref<1x50x32xf32, #tpu.memory_space<vmem>>
    %dma_start3A_106 = tpu.memref_squeeze %dma_start3A_105 : memref<1x50x32xf32, #tpu.memory_space<vmem>> -> memref<50x32xf32, #tpu.memory_space<vmem>>
    %dma_start3A_107 = arith.constant 560 : i32
    %dma_start3A_108 = tpu.memref_slice %arg5[%dma_start3A_107] : memref<28672xi32, #tpu.memory_space<vmem>> -> memref<50xi32, #tpu.memory_space<vmem>>
    %dma_start3A_109 = arith.constant 0 : i32
    %dma_start3A_110 = arith.constant 0 : i32
    %dma_start3A_111 = tpu.memref_slice %arg3[%dma_start3A_109, %dma_start3A_110] : memref<1000000x32xf32, #tpu.memory_space<hbm>> -> memref<1000000x32xf32, #tpu.memory_space<hbm>>
    tpu.enqueue_indirect_dma source(%dma_start3A_111 : memref<1000000x32xf32, #tpu.memory_space<hbm>>) target(%dma_start3A_106 : memref<50x32xf32, #tpu.memory_space<vmem>>) offsets(%dma_start3A_108 : memref<50xi32, #tpu.memory_space<vmem>>) semaphore(%arg8 : memref<!tpu.dma_semaphore, #tpu.memory_space<semaphore_mem>>)
    %dma_start3A_112 = arith.constant 11 : i32
    %dma_start3A_113 = arith.constant 0 : i32
    %dma_start3A_114 = arith.constant 0 : i32
    %dma_start3A_115 = tpu.memref_slice %arg6[%dma_start3A_112, %dma_start3A_113, %dma_start3A_114] : memref<16x50x32xf32, #tpu.memory_space<vmem>> -> memref<1x50x32xf32, #tpu.memory_space<vmem>>
    %dma_start3A_116 = tpu.memref_squeeze %dma_start3A_115 : memref<1x50x32xf32, #tpu.memory_space<vmem>> -> memref<50x32xf32, #tpu.memory_space<vmem>>
    %dma_start3A_117 = arith.constant 616 : i32
    %dma_start3A_118 = tpu.memref_slice %arg5[%dma_start3A_117] : memref<28672xi32, #tpu.memory_space<vmem>> -> memref<50xi32, #tpu.memory_space<vmem>>
    %dma_start3A_119 = arith.constant 0 : i32
    %dma_start3A_120 = arith.constant 0 : i32
    %dma_start3A_121 = tpu.memref_slice %arg3[%dma_start3A_119, %dma_start3A_120] : memref<1000000x32xf32, #tpu.memory_space<hbm>> -> memref<1000000x32xf32, #tpu.memory_space<hbm>>
    tpu.enqueue_indirect_dma source(%dma_start3A_121 : memref<1000000x32xf32, #tpu.memory_space<hbm>>) target(%dma_start3A_116 : memref<50x32xf32, #tpu.memory_space<vmem>>) offsets(%dma_start3A_118 : memref<50xi32, #tpu.memory_space<vmem>>) semaphore(%arg8 : memref<!tpu.dma_semaphore, #tpu.memory_space<semaphore_mem>>)
    %dma_start3A_122 = arith.constant 12 : i32
    %dma_start3A_123 = arith.constant 0 : i32
    %dma_start3A_124 = arith.constant 0 : i32
    %dma_start3A_125 = tpu.memref_slice %arg6[%dma_start3A_122, %dma_start3A_123, %dma_start3A_124] : memref<16x50x32xf32, #tpu.memory_space<vmem>> -> memref<1x50x32xf32, #tpu.memory_space<vmem>>
    %dma_start3A_126 = tpu.memref_squeeze %dma_start3A_125 : memref<1x50x32xf32, #tpu.memory_space<vmem>> -> memref<50x32xf32, #tpu.memory_space<vmem>>
    %dma_start3A_127 = arith.constant 672 : i32
    %dma_start3A_128 = tpu.memref_slice %arg5[%dma_start3A_127] : memref<28672xi32, #tpu.memory_space<vmem>> -> memref<50xi32, #tpu.memory_space<vmem>>
    %dma_start3A_129 = arith.constant 0 : i32
    %dma_start3A_130 = arith.constant 0 : i32
    %dma_start3A_131 = tpu.memref_slice %arg3[%dma_start3A_129, %dma_start3A_130] : memref<1000000x32xf32, #tpu.memory_space<hbm>> -> memref<1000000x32xf32, #tpu.memory_space<hbm>>
    tpu.enqueue_indirect_dma source(%dma_start3A_131 : memref<1000000x32xf32, #tpu.memory_space<hbm>>) target(%dma_start3A_126 : memref<50x32xf32, #tpu.memory_space<vmem>>) offsets(%dma_start3A_128 : memref<50xi32, #tpu.memory_space<vmem>>) semaphore(%arg8 : memref<!tpu.dma_semaphore, #tpu.memory_space<semaphore_mem>>)
    %dma_start3A_132 = arith.constant 13 : i32
    %dma_start3A_133 = arith.constant 0 : i32
    %dma_start3A_134 = arith.constant 0 : i32
    %dma_start3A_135 = tpu.memref_slice %arg6[%dma_start3A_132, %dma_start3A_133, %dma_start3A_134] : memref<16x50x32xf32, #tpu.memory_space<vmem>> -> memref<1x50x32xf32, #tpu.memory_space<vmem>>
    %dma_start3A_136 = tpu.memref_squeeze %dma_start3A_135 : memref<1x50x32xf32, #tpu.memory_space<vmem>> -> memref<50x32xf32, #tpu.memory_space<vmem>>
    %dma_start3A_137 = arith.constant 728 : i32
    %dma_start3A_138 = tpu.memref_slice %arg5[%dma_start3A_137] : memref<28672xi32, #tpu.memory_space<vmem>> -> memref<50xi32, #tpu.memory_space<vmem>>
    %dma_start3A_139 = arith.constant 0 : i32
    %dma_start3A_140 = arith.constant 0 : i32
    %dma_start3A_141 = tpu.memref_slice %arg3[%dma_start3A_139, %dma_start3A_140] : memref<1000000x32xf32, #tpu.memory_space<hbm>> -> memref<1000000x32xf32, #tpu.memory_space<hbm>>
    tpu.enqueue_indirect_dma source(%dma_start3A_141 : memref<1000000x32xf32, #tpu.memory_space<hbm>>) target(%dma_start3A_136 : memref<50x32xf32, #tpu.memory_space<vmem>>) offsets(%dma_start3A_138 : memref<50xi32, #tpu.memory_space<vmem>>) semaphore(%arg8 : memref<!tpu.dma_semaphore, #tpu.memory_space<semaphore_mem>>)
    %dma_start3A_142 = arith.constant 14 : i32
    %dma_start3A_143 = arith.constant 0 : i32
    %dma_start3A_144 = arith.constant 0 : i32
    %dma_start3A_145 = tpu.memref_slice %arg6[%dma_start3A_142, %dma_start3A_143, %dma_start3A_144] : memref<16x50x32xf32, #tpu.memory_space<vmem>> -> memref<1x50x32xf32, #tpu.memory_space<vmem>>
    %dma_start3A_146 = tpu.memref_squeeze %dma_start3A_145 : memref<1x50x32xf32, #tpu.memory_space<vmem>> -> memref<50x32xf32, #tpu.memory_space<vmem>>
    %dma_start3A_147 = arith.constant 784 : i32
    %dma_start3A_148 = tpu.memref_slice %arg5[%dma_start3A_147] : memref<28672xi32, #tpu.memory_space<vmem>> -> memref<50xi32, #tpu.memory_space<vmem>>
    %dma_start3A_149 = arith.constant 0 : i32
    %dma_start3A_150 = arith.constant 0 : i32
    %dma_start3A_151 = tpu.memref_slice %arg3[%dma_start3A_149, %dma_start3A_150] : memref<1000000x32xf32, #tpu.memory_space<hbm>> -> memref<1000000x32xf32, #tpu.memory_space<hbm>>
    tpu.enqueue_indirect_dma source(%dma_start3A_151 : memref<1000000x32xf32, #tpu.memory_space<hbm>>) target(%dma_start3A_146 : memref<50x32xf32, #tpu.memory_space<vmem>>) offsets(%dma_start3A_148 : memref<50xi32, #tpu.memory_space<vmem>>) semaphore(%arg8 : memref<!tpu.dma_semaphore, #tpu.memory_space<semaphore_mem>>)
    %dma_start3A_152 = arith.constant 15 : i32
    %dma_start3A_153 = arith.constant 0 : i32
    %dma_start3A_154 = arith.constant 0 : i32
    %dma_start3A_155 = tpu.memref_slice %arg6[%dma_start3A_152, %dma_start3A_153, %dma_start3A_154] : memref<16x50x32xf32, #tpu.memory_space<vmem>> -> memref<1x50x32xf32, #tpu.memory_space<vmem>>
    %dma_start3A_156 = tpu.memref_squeeze %dma_start3A_155 : memref<1x50x32xf32, #tpu.memory_space<vmem>> -> memref<50x32xf32, #tpu.memory_space<vmem>>
    %dma_start3A_157 = arith.constant 840 : i32
    %dma_start3A_158 = tpu.memref_slice %arg5[%dma_start3A_157] : memref<28672xi32, #tpu.memory_space<vmem>> -> memref<50xi32, #tpu.memory_space<vmem>>
    %dma_start3A_159 = arith.constant 0 : i32
    %dma_start3A_160 = arith.constant 0 : i32
    %dma_start3A_161 = tpu.memref_slice %arg3[%dma_start3A_159, %dma_start3A_160] : memref<1000000x32xf32, #tpu.memory_space<hbm>> -> memref<1000000x32xf32, #tpu.memory_space<hbm>>
    tpu.enqueue_indirect_dma source(%dma_start3A_161 : memref<1000000x32xf32, #tpu.memory_space<hbm>>) target(%dma_start3A_156 : memref<50x32xf32, #tpu.memory_space<vmem>>) offsets(%dma_start3A_158 : memref<50xi32, #tpu.memory_space<vmem>>) semaphore(%arg8 : memref<!tpu.dma_semaphore, #tpu.memory_space<semaphore_mem>>)
    %scan3A = arith.constant 0 : i32
    %scan3A_162 = arith.constant 0 : i32
    %scan3A_163 = arith.constant 16 : i32
    %scan3A_164 = arith.addi %scan3A_162, %scan3A_163 : i32
    %scan3A_165 = arith.constant 1 : i32
    scf.for %scan3A_182 = %scan3A_162 to %scan3A_164 step %scan3A_165  : i32 {
      %mul3A_183 = arith.constant 2 : i32
      %mul3A_184 = arith.muli %mul3A_183, %scan3A_182 : i32
      %add3A_185 = arith.constant 0 : i32
      %add3A_186 = arith.addi %mul3A_184, %add3A_185 : i32
      %add3A_187 = arith.constant 1 : i32
      %add3A_188 = arith.addi %add3A_186, %add3A_187 : i32
      %lt3A = arith.constant 32 : i32
      %lt3A_189 = arith.cmpi slt, %add3A_188, %lt3A : i32
      %convert_element_type3A = arith.extui %lt3A_189 : i1 to i32
      %cond3A = arith.constant 0 : i32
      %cond3A_190 = arith.cmpi ne, %convert_element_type3A, %cond3A : i32
      scf.if %cond3A_190 {
        %ge3A = arith.constant 1 : i32
        %ge3A_540 = arith.cmpi sge, %add3A_186, %ge3A : i32
        %convert_element_type3A_541 = arith.extui %ge3A_540 : i1 to i32
        %cond3A_542 = arith.constant 0 : i32
        %cond3A_543 = arith.cmpi ne, %convert_element_type3A_541, %cond3A_542 : i32
        scf.if %cond3A_543 {
          %add3A_786 = arith.constant 0 : i32
          %add3A_787 = arith.addi %mul3A_2, %add3A_786 : i32
          %dma_wait3A_788 = arith.constant 0 : i32
          %dma_wait3A_789 = arith.constant 0 : i32
          %dma_wait3A_790 = tpu.memref_slice %arg4[%add3A_787, %dma_wait3A_788, %dma_wait3A_789] : memref<16384x50x32xf32, #tpu.memory_space<hbm>> -> memref<16x50x32xf32, #tpu.memory_space<hbm>>
          %dma_wait3A_791 = arith.constant 0 : i32
          %dma_wait3A_792 = arith.constant 0 : i32
          %dma_wait3A_793 = tpu.memref_slice %arg4[%add3A_787, %dma_wait3A_791, %dma_wait3A_792] : memref<16384x50x32xf32, #tpu.memory_space<hbm>> -> memref<16x50x32xf32, #tpu.memory_space<hbm>>
          tpu.wait_dma2 semaphore(%arg11 : memref<!tpu.dma_semaphore, #tpu.memory_space<semaphore_mem>>) src(%arg7 : memref<16x50x32xf32, #tpu.memory_space<vmem>>) dst(%dma_wait3A_793 : memref<16x50x32xf32, #tpu.memory_space<hbm>>)
        } else {
        }
        %add3A_544 = arith.constant 1 : i32
        %add3A_545 = arith.addi %add3A_186, %add3A_544 : i32
        %mul3A_546 = arith.constant 16 : i32
        %mul3A_547 = arith.muli %add3A_545, %mul3A_546 : i32
        %add3A_548 = arith.constant 0 : i32
        %add3A_549 = arith.addi %mul3A_547, %add3A_548 : i32
        %mul3A_550 = arith.constant 56 : i32
        %mul3A_551 = arith.muli %add3A_549, %mul3A_550 : i32
        %dma_start3A_552 = arith.constant 0 : i32
        %dma_start3A_553 = arith.constant 0 : i32
        %dma_start3A_554 = arith.constant 0 : i32
        %dma_start3A_555 = tpu.memref_slice %arg7[%dma_start3A_552, %dma_start3A_553, %dma_start3A_554] : memref<16x50x32xf32, #tpu.memory_space<vmem>> -> memref<1x50x32xf32, #tpu.memory_space<vmem>>
        %dma_start3A_556 = tpu.memref_squeeze %dma_start3A_555 : memref<1x50x32xf32, #tpu.memory_space<vmem>> -> memref<50x32xf32, #tpu.memory_space<vmem>>
        %dma_start3A_557 = tpu.memref_slice %arg5[%mul3A_551] : memref<28672xi32, #tpu.memory_space<vmem>> -> memref<50xi32, #tpu.memory_space<vmem>>
        %dma_start3A_558 = arith.constant 0 : i32
        %dma_start3A_559 = arith.constant 0 : i32
        %dma_start3A_560 = tpu.memref_slice %arg3[%dma_start3A_558, %dma_start3A_559] : memref<1000000x32xf32, #tpu.memory_space<hbm>> -> memref<1000000x32xf32, #tpu.memory_space<hbm>>
        tpu.enqueue_indirect_dma source(%dma_start3A_560 : memref<1000000x32xf32, #tpu.memory_space<hbm>>) target(%dma_start3A_556 : memref<50x32xf32, #tpu.memory_space<vmem>>) offsets(%dma_start3A_557 : memref<50xi32, #tpu.memory_space<vmem>>) semaphore(%arg9 : memref<!tpu.dma_semaphore, #tpu.memory_space<semaphore_mem>>)
        %mul3A_561 = arith.constant 16 : i32
        %mul3A_562 = arith.muli %add3A_545, %mul3A_561 : i32
        %add3A_563 = arith.constant 1 : i32
        %add3A_564 = arith.addi %mul3A_562, %add3A_563 : i32
        %mul3A_565 = arith.constant 56 : i32
        %mul3A_566 = arith.muli %add3A_564, %mul3A_565 : i32
        %dma_start3A_567 = arith.constant 1 : i32
        %dma_start3A_568 = arith.constant 0 : i32
        %dma_start3A_569 = arith.constant 0 : i32
        %dma_start3A_570 = tpu.memref_slice %arg7[%dma_start3A_567, %dma_start3A_568, %dma_start3A_569] : memref<16x50x32xf32, #tpu.memory_space<vmem>> -> memref<1x50x32xf32, #tpu.memory_space<vmem>>
        %dma_start3A_571 = tpu.memref_squeeze %dma_start3A_570 : memref<1x50x32xf32, #tpu.memory_space<vmem>> -> memref<50x32xf32, #tpu.memory_space<vmem>>
        %dma_start3A_572 = tpu.memref_slice %arg5[%mul3A_566] : memref<28672xi32, #tpu.memory_space<vmem>> -> memref<50xi32, #tpu.memory_space<vmem>>
        %dma_start3A_573 = arith.constant 0 : i32
        %dma_start3A_574 = arith.constant 0 : i32
        %dma_start3A_575 = tpu.memref_slice %arg3[%dma_start3A_573, %dma_start3A_574] : memref<1000000x32xf32, #tpu.memory_space<hbm>> -> memref<1000000x32xf32, #tpu.memory_space<hbm>>
        tpu.enqueue_indirect_dma source(%dma_start3A_575 : memref<1000000x32xf32, #tpu.memory_space<hbm>>) target(%dma_start3A_571 : memref<50x32xf32, #tpu.memory_space<vmem>>) offsets(%dma_start3A_572 : memref<50xi32, #tpu.memory_space<vmem>>) semaphore(%arg9 : memref<!tpu.dma_semaphore, #tpu.memory_space<semaphore_mem>>)
        %mul3A_576 = arith.constant 16 : i32
        %mul3A_577 = arith.muli %add3A_545, %mul3A_576 : i32
        %add3A_578 = arith.constant 2 : i32
        %add3A_579 = arith.addi %mul3A_577, %add3A_578 : i32
        %mul3A_580 = arith.constant 56 : i32
        %mul3A_581 = arith.muli %add3A_579, %mul3A_580 : i32
        %dma_start3A_582 = arith.constant 2 : i32
        %dma_start3A_583 = arith.constant 0 : i32
        %dma_start3A_584 = arith.constant 0 : i32
        %dma_start3A_585 = tpu.memref_slice %arg7[%dma_start3A_582, %dma_start3A_583, %dma_start3A_584] : memref<16x50x32xf32, #tpu.memory_space<vmem>> -> memref<1x50x32xf32, #tpu.memory_space<vmem>>
        %dma_start3A_586 = tpu.memref_squeeze %dma_start3A_585 : memref<1x50x32xf32, #tpu.memory_space<vmem>> -> memref<50x32xf32, #tpu.memory_space<vmem>>
        %dma_start3A_587 = tpu.memref_slice %arg5[%mul3A_581] : memref<28672xi32, #tpu.memory_space<vmem>> -> memref<50xi32, #tpu.memory_space<vmem>>
        %dma_start3A_588 = arith.constant 0 : i32
        %dma_start3A_589 = arith.constant 0 : i32
        %dma_start3A_590 = tpu.memref_slice %arg3[%dma_start3A_588, %dma_start3A_589] : memref<1000000x32xf32, #tpu.memory_space<hbm>> -> memref<1000000x32xf32, #tpu.memory_space<hbm>>
        tpu.enqueue_indirect_dma source(%dma_start3A_590 : memref<1000000x32xf32, #tpu.memory_space<hbm>>) target(%dma_start3A_586 : memref<50x32xf32, #tpu.memory_space<vmem>>) offsets(%dma_start3A_587 : memref<50xi32, #tpu.memory_space<vmem>>) semaphore(%arg9 : memref<!tpu.dma_semaphore, #tpu.memory_space<semaphore_mem>>)
        %mul3A_591 = arith.constant 16 : i32
        %mul3A_592 = arith.muli %add3A_545, %mul3A_591 : i32
        %add3A_593 = arith.constant 3 : i32
        %add3A_594 = arith.addi %mul3A_592, %add3A_593 : i32
        %mul3A_595 = arith.constant 56 : i32
        %mul3A_596 = arith.muli %add3A_594, %mul3A_595 : i32
        %dma_start3A_597 = arith.constant 3 : i32
        %dma_start3A_598 = arith.constant 0 : i32
        %dma_start3A_599 = arith.constant 0 : i32
        %dma_start3A_600 = tpu.memref_slice %arg7[%dma_start3A_597, %dma_start3A_598, %dma_start3A_599] : memref<16x50x32xf32, #tpu.memory_space<vmem>> -> memref<1x50x32xf32, #tpu.memory_space<vmem>>
        %dma_start3A_601 = tpu.memref_squeeze %dma_start3A_600 : memref<1x50x32xf32, #tpu.memory_space<vmem>> -> memref<50x32xf32, #tpu.memory_space<vmem>>
        %dma_start3A_602 = tpu.memref_slice %arg5[%mul3A_596] : memref<28672xi32, #tpu.memory_space<vmem>> -> memref<50xi32, #tpu.memory_space<vmem>>
        %dma_start3A_603 = arith.constant 0 : i32
        %dma_start3A_604 = arith.constant 0 : i32
        %dma_start3A_605 = tpu.memref_slice %arg3[%dma_start3A_603, %dma_start3A_604] : memref<1000000x32xf32, #tpu.memory_space<hbm>> -> memref<1000000x32xf32, #tpu.memory_space<hbm>>
        tpu.enqueue_indirect_dma source(%dma_start3A_605 : memref<1000000x32xf32, #tpu.memory_space<hbm>>) target(%dma_start3A_601 : memref<50x32xf32, #tpu.memory_space<vmem>>) offsets(%dma_start3A_602 : memref<50xi32, #tpu.memory_space<vmem>>) semaphore(%arg9 : memref<!tpu.dma_semaphore, #tpu.memory_space<semaphore_mem>>)
        %mul3A_606 = arith.constant 16 : i32
        %mul3A_607 = arith.muli %add3A_545, %mul3A_606 : i32
        %add3A_608 = arith.constant 4 : i32
        %add3A_609 = arith.addi %mul3A_607, %add3A_608 : i32
        %mul3A_610 = arith.constant 56 : i32
        %mul3A_611 = arith.muli %add3A_609, %mul3A_610 : i32
        %dma_start3A_612 = arith.constant 4 : i32
        %dma_start3A_613 = arith.constant 0 : i32
        %dma_start3A_614 = arith.constant 0 : i32
        %dma_start3A_615 = tpu.memref_slice %arg7[%dma_start3A_612, %dma_start3A_613, %dma_start3A_614] : memref<16x50x32xf32, #tpu.memory_space<vmem>> -> memref<1x50x32xf32, #tpu.memory_space<vmem>>
        %dma_start3A_616 = tpu.memref_squeeze %dma_start3A_615 : memref<1x50x32xf32, #tpu.memory_space<vmem>> -> memref<50x32xf32, #tpu.memory_space<vmem>>
        %dma_start3A_617 = tpu.memref_slice %arg5[%mul3A_611] : memref<28672xi32, #tpu.memory_space<vmem>> -> memref<50xi32, #tpu.memory_space<vmem>>
        %dma_start3A_618 = arith.constant 0 : i32
        %dma_start3A_619 = arith.constant 0 : i32
        %dma_start3A_620 = tpu.memref_slice %arg3[%dma_start3A_618, %dma_start3A_619] : memref<1000000x32xf32, #tpu.memory_space<hbm>> -> memref<1000000x32xf32, #tpu.memory_space<hbm>>
        tpu.enqueue_indirect_dma source(%dma_start3A_620 : memref<1000000x32xf32, #tpu.memory_space<hbm>>) target(%dma_start3A_616 : memref<50x32xf32, #tpu.memory_space<vmem>>) offsets(%dma_start3A_617 : memref<50xi32, #tpu.memory_space<vmem>>) semaphore(%arg9 : memref<!tpu.dma_semaphore, #tpu.memory_space<semaphore_mem>>)
        %mul3A_621 = arith.constant 16 : i32
        %mul3A_622 = arith.muli %add3A_545, %mul3A_621 : i32
        %add3A_623 = arith.constant 5 : i32
        %add3A_624 = arith.addi %mul3A_622, %add3A_623 : i32
        %mul3A_625 = arith.constant 56 : i32
        %mul3A_626 = arith.muli %add3A_624, %mul3A_625 : i32
        %dma_start3A_627 = arith.constant 5 : i32
        %dma_start3A_628 = arith.constant 0 : i32
        %dma_start3A_629 = arith.constant 0 : i32
        %dma_start3A_630 = tpu.memref_slice %arg7[%dma_start3A_627, %dma_start3A_628, %dma_start3A_629] : memref<16x50x32xf32, #tpu.memory_space<vmem>> -> memref<1x50x32xf32, #tpu.memory_space<vmem>>
        %dma_start3A_631 = tpu.memref_squeeze %dma_start3A_630 : memref<1x50x32xf32, #tpu.memory_space<vmem>> -> memref<50x32xf32, #tpu.memory_space<vmem>>
        %dma_start3A_632 = tpu.memref_slice %arg5[%mul3A_626] : memref<28672xi32, #tpu.memory_space<vmem>> -> memref<50xi32, #tpu.memory_space<vmem>>
        %dma_start3A_633 = arith.constant 0 : i32
        %dma_start3A_634 = arith.constant 0 : i32
        %dma_start3A_635 = tpu.memref_slice %arg3[%dma_start3A_633, %dma_start3A_634] : memref<1000000x32xf32, #tpu.memory_space<hbm>> -> memref<1000000x32xf32, #tpu.memory_space<hbm>>
        tpu.enqueue_indirect_dma source(%dma_start3A_635 : memref<1000000x32xf32, #tpu.memory_space<hbm>>) target(%dma_start3A_631 : memref<50x32xf32, #tpu.memory_space<vmem>>) offsets(%dma_start3A_632 : memref<50xi32, #tpu.memory_space<vmem>>) semaphore(%arg9 : memref<!tpu.dma_semaphore, #tpu.memory_space<semaphore_mem>>)
        %mul3A_636 = arith.constant 16 : i32
        %mul3A_637 = arith.muli %add3A_545, %mul3A_636 : i32
        %add3A_638 = arith.constant 6 : i32
        %add3A_639 = arith.addi %mul3A_637, %add3A_638 : i32
        %mul3A_640 = arith.constant 56 : i32
        %mul3A_641 = arith.muli %add3A_639, %mul3A_640 : i32
        %dma_start3A_642 = arith.constant 6 : i32
        %dma_start3A_643 = arith.constant 0 : i32
        %dma_start3A_644 = arith.constant 0 : i32
        %dma_start3A_645 = tpu.memref_slice %arg7[%dma_start3A_642, %dma_start3A_643, %dma_start3A_644] : memref<16x50x32xf32, #tpu.memory_space<vmem>> -> memref<1x50x32xf32, #tpu.memory_space<vmem>>
        %dma_start3A_646 = tpu.memref_squeeze %dma_start3A_645 : memref<1x50x32xf32, #tpu.memory_space<vmem>> -> memref<50x32xf32, #tpu.memory_space<vmem>>
        %dma_start3A_647 = tpu.memref_slice %arg5[%mul3A_641] : memref<28672xi32, #tpu.memory_space<vmem>> -> memref<50xi32, #tpu.memory_space<vmem>>
        %dma_start3A_648 = arith.constant 0 : i32
        %dma_start3A_649 = arith.constant 0 : i32
        %dma_start3A_650 = tpu.memref_slice %arg3[%dma_start3A_648, %dma_start3A_649] : memref<1000000x32xf32, #tpu.memory_space<hbm>> -> memref<1000000x32xf32, #tpu.memory_space<hbm>>
        tpu.enqueue_indirect_dma source(%dma_start3A_650 : memref<1000000x32xf32, #tpu.memory_space<hbm>>) target(%dma_start3A_646 : memref<50x32xf32, #tpu.memory_space<vmem>>) offsets(%dma_start3A_647 : memref<50xi32, #tpu.memory_space<vmem>>) semaphore(%arg9 : memref<!tpu.dma_semaphore, #tpu.memory_space<semaphore_mem>>)
        %mul3A_651 = arith.constant 16 : i32
        %mul3A_652 = arith.muli %add3A_545, %mul3A_651 : i32
        %add3A_653 = arith.constant 7 : i32
        %add3A_654 = arith.addi %mul3A_652, %add3A_653 : i32
        %mul3A_655 = arith.constant 56 : i32
        %mul3A_656 = arith.muli %add3A_654, %mul3A_655 : i32
        %dma_start3A_657 = arith.constant 7 : i32
        %dma_start3A_658 = arith.constant 0 : i32
        %dma_start3A_659 = arith.constant 0 : i32
        %dma_start3A_660 = tpu.memref_slice %arg7[%dma_start3A_657, %dma_start3A_658, %dma_start3A_659] : memref<16x50x32xf32, #tpu.memory_space<vmem>> -> memref<1x50x32xf32, #tpu.memory_space<vmem>>
        %dma_start3A_661 = tpu.memref_squeeze %dma_start3A_660 : memref<1x50x32xf32, #tpu.memory_space<vmem>> -> memref<50x32xf32, #tpu.memory_space<vmem>>
        %dma_start3A_662 = tpu.memref_slice %arg5[%mul3A_656] : memref<28672xi32, #tpu.memory_space<vmem>> -> memref<50xi32, #tpu.memory_space<vmem>>
        %dma_start3A_663 = arith.constant 0 : i32
        %dma_start3A_664 = arith.constant 0 : i32
        %dma_start3A_665 = tpu.memref_slice %arg3[%dma_start3A_663, %dma_start3A_664] : memref<1000000x32xf32, #tpu.memory_space<hbm>> -> memref<1000000x32xf32, #tpu.memory_space<hbm>>
        tpu.enqueue_indirect_dma source(%dma_start3A_665 : memref<1000000x32xf32, #tpu.memory_space<hbm>>) target(%dma_start3A_661 : memref<50x32xf32, #tpu.memory_space<vmem>>) offsets(%dma_start3A_662 : memref<50xi32, #tpu.memory_space<vmem>>) semaphore(%arg9 : memref<!tpu.dma_semaphore, #tpu.memory_space<semaphore_mem>>)
        %mul3A_666 = arith.constant 16 : i32
        %mul3A_667 = arith.muli %add3A_545, %mul3A_666 : i32
        %add3A_668 = arith.constant 8 : i32
        %add3A_669 = arith.addi %mul3A_667, %add3A_668 : i32
        %mul3A_670 = arith.constant 56 : i32
        %mul3A_671 = arith.muli %add3A_669, %mul3A_670 : i32
        %dma_start3A_672 = arith.constant 8 : i32
        %dma_start3A_673 = arith.constant 0 : i32
        %dma_start3A_674 = arith.constant 0 : i32
        %dma_start3A_675 = tpu.memref_slice %arg7[%dma_start3A_672, %dma_start3A_673, %dma_start3A_674] : memref<16x50x32xf32, #tpu.memory_space<vmem>> -> memref<1x50x32xf32, #tpu.memory_space<vmem>>
        %dma_start3A_676 = tpu.memref_squeeze %dma_start3A_675 : memref<1x50x32xf32, #tpu.memory_space<vmem>> -> memref<50x32xf32, #tpu.memory_space<vmem>>
        %dma_start3A_677 = tpu.memref_slice %arg5[%mul3A_671] : memref<28672xi32, #tpu.memory_space<vmem>> -> memref<50xi32, #tpu.memory_space<vmem>>
        %dma_start3A_678 = arith.constant 0 : i32
        %dma_start3A_679 = arith.constant 0 : i32
        %dma_start3A_680 = tpu.memref_slice %arg3[%dma_start3A_678, %dma_start3A_679] : memref<1000000x32xf32, #tpu.memory_space<hbm>> -> memref<1000000x32xf32, #tpu.memory_space<hbm>>
        tpu.enqueue_indirect_dma source(%dma_start3A_680 : memref<1000000x32xf32, #tpu.memory_space<hbm>>) target(%dma_start3A_676 : memref<50x32xf32, #tpu.memory_space<vmem>>) offsets(%dma_start3A_677 : memref<50xi32, #tpu.memory_space<vmem>>) semaphore(%arg9 : memref<!tpu.dma_semaphore, #tpu.memory_space<semaphore_mem>>)
        %mul3A_681 = arith.constant 16 : i32
        %mul3A_682 = arith.muli %add3A_545, %mul3A_681 : i32
        %add3A_683 = arith.constant 9 : i32
        %add3A_684 = arith.addi %mul3A_682, %add3A_683 : i32
        %mul3A_685 = arith.constant 56 : i32
        %mul3A_686 = arith.muli %add3A_684, %mul3A_685 : i32
        %dma_start3A_687 = arith.constant 9 : i32
        %dma_start3A_688 = arith.constant 0 : i32
        %dma_start3A_689 = arith.constant 0 : i32
        %dma_start3A_690 = tpu.memref_slice %arg7[%dma_start3A_687, %dma_start3A_688, %dma_start3A_689] : memref<16x50x32xf32, #tpu.memory_space<vmem>> -> memref<1x50x32xf32, #tpu.memory_space<vmem>>
        %dma_start3A_691 = tpu.memref_squeeze %dma_start3A_690 : memref<1x50x32xf32, #tpu.memory_space<vmem>> -> memref<50x32xf32, #tpu.memory_space<vmem>>
        %dma_start3A_692 = tpu.memref_slice %arg5[%mul3A_686] : memref<28672xi32, #tpu.memory_space<vmem>> -> memref<50xi32, #tpu.memory_space<vmem>>
        %dma_start3A_693 = arith.constant 0 : i32
        %dma_start3A_694 = arith.constant 0 : i32
        %dma_start3A_695 = tpu.memref_slice %arg3[%dma_start3A_693, %dma_start3A_694] : memref<1000000x32xf32, #tpu.memory_space<hbm>> -> memref<1000000x32xf32, #tpu.memory_space<hbm>>
        tpu.enqueue_indirect_dma source(%dma_start3A_695 : memref<1000000x32xf32, #tpu.memory_space<hbm>>) target(%dma_start3A_691 : memref<50x32xf32, #tpu.memory_space<vmem>>) offsets(%dma_start3A_692 : memref<50xi32, #tpu.memory_space<vmem>>) semaphore(%arg9 : memref<!tpu.dma_semaphore, #tpu.memory_space<semaphore_mem>>)
        %mul3A_696 = arith.constant 16 : i32
        %mul3A_697 = arith.muli %add3A_545, %mul3A_696 : i32
        %add3A_698 = arith.constant 10 : i32
        %add3A_699 = arith.addi %mul3A_697, %add3A_698 : i32
        %mul3A_700 = arith.constant 56 : i32
        %mul3A_701 = arith.muli %add3A_699, %mul3A_700 : i32
        %dma_start3A_702 = arith.constant 10 : i32
        %dma_start3A_703 = arith.constant 0 : i32
        %dma_start3A_704 = arith.constant 0 : i32
        %dma_start3A_705 = tpu.memref_slice %arg7[%dma_start3A_702, %dma_start3A_703, %dma_start3A_704] : memref<16x50x32xf32, #tpu.memory_space<vmem>> -> memref<1x50x32xf32, #tpu.memory_space<vmem>>
        %dma_start3A_706 = tpu.memref_squeeze %dma_start3A_705 : memref<1x50x32xf32, #tpu.memory_space<vmem>> -> memref<50x32xf32, #tpu.memory_space<vmem>>
        %dma_start3A_707 = tpu.memref_slice %arg5[%mul3A_701] : memref<28672xi32, #tpu.memory_space<vmem>> -> memref<50xi32, #tpu.memory_space<vmem>>
        %dma_start3A_708 = arith.constant 0 : i32
        %dma_start3A_709 = arith.constant 0 : i32
        %dma_start3A_710 = tpu.memref_slice %arg3[%dma_start3A_708, %dma_start3A_709] : memref<1000000x32xf32, #tpu.memory_space<hbm>> -> memref<1000000x32xf32, #tpu.memory_space<hbm>>
        tpu.enqueue_indirect_dma source(%dma_start3A_710 : memref<1000000x32xf32, #tpu.memory_space<hbm>>) target(%dma_start3A_706 : memref<50x32xf32, #tpu.memory_space<vmem>>) offsets(%dma_start3A_707 : memref<50xi32, #tpu.memory_space<vmem>>) semaphore(%arg9 : memref<!tpu.dma_semaphore, #tpu.memory_space<semaphore_mem>>)
        %mul3A_711 = arith.constant 16 : i32
        %mul3A_712 = arith.muli %add3A_545, %mul3A_711 : i32
        %add3A_713 = arith.constant 11 : i32
        %add3A_714 = arith.addi %mul3A_712, %add3A_713 : i32
        %mul3A_715 = arith.constant 56 : i32
        %mul3A_716 = arith.muli %add3A_714, %mul3A_715 : i32
        %dma_start3A_717 = arith.constant 11 : i32
        %dma_start3A_718 = arith.constant 0 : i32
        %dma_start3A_719 = arith.constant 0 : i32
        %dma_start3A_720 = tpu.memref_slice %arg7[%dma_start3A_717, %dma_start3A_718, %dma_start3A_719] : memref<16x50x32xf32, #tpu.memory_space<vmem>> -> memref<1x50x32xf32, #tpu.memory_space<vmem>>
        %dma_start3A_721 = tpu.memref_squeeze %dma_start3A_720 : memref<1x50x32xf32, #tpu.memory_space<vmem>> -> memref<50x32xf32, #tpu.memory_space<vmem>>
        %dma_start3A_722 = tpu.memref_slice %arg5[%mul3A_716] : memref<28672xi32, #tpu.memory_space<vmem>> -> memref<50xi32, #tpu.memory_space<vmem>>
        %dma_start3A_723 = arith.constant 0 : i32
        %dma_start3A_724 = arith.constant 0 : i32
        %dma_start3A_725 = tpu.memref_slice %arg3[%dma_start3A_723, %dma_start3A_724] : memref<1000000x32xf32, #tpu.memory_space<hbm>> -> memref<1000000x32xf32, #tpu.memory_space<hbm>>
        tpu.enqueue_indirect_dma source(%dma_start3A_725 : memref<1000000x32xf32, #tpu.memory_space<hbm>>) target(%dma_start3A_721 : memref<50x32xf32, #tpu.memory_space<vmem>>) offsets(%dma_start3A_722 : memref<50xi32, #tpu.memory_space<vmem>>) semaphore(%arg9 : memref<!tpu.dma_semaphore, #tpu.memory_space<semaphore_mem>>)
        %mul3A_726 = arith.constant 16 : i32
        %mul3A_727 = arith.muli %add3A_545, %mul3A_726 : i32
        %add3A_728 = arith.constant 12 : i32
        %add3A_729 = arith.addi %mul3A_727, %add3A_728 : i32
        %mul3A_730 = arith.constant 56 : i32
        %mul3A_731 = arith.muli %add3A_729, %mul3A_730 : i32
        %dma_start3A_732 = arith.constant 12 : i32
        %dma_start3A_733 = arith.constant 0 : i32
        %dma_start3A_734 = arith.constant 0 : i32
        %dma_start3A_735 = tpu.memref_slice %arg7[%dma_start3A_732, %dma_start3A_733, %dma_start3A_734] : memref<16x50x32xf32, #tpu.memory_space<vmem>> -> memref<1x50x32xf32, #tpu.memory_space<vmem>>
        %dma_start3A_736 = tpu.memref_squeeze %dma_start3A_735 : memref<1x50x32xf32, #tpu.memory_space<vmem>> -> memref<50x32xf32, #tpu.memory_space<vmem>>
        %dma_start3A_737 = tpu.memref_slice %arg5[%mul3A_731] : memref<28672xi32, #tpu.memory_space<vmem>> -> memref<50xi32, #tpu.memory_space<vmem>>
        %dma_start3A_738 = arith.constant 0 : i32
        %dma_start3A_739 = arith.constant 0 : i32
        %dma_start3A_740 = tpu.memref_slice %arg3[%dma_start3A_738, %dma_start3A_739] : memref<1000000x32xf32, #tpu.memory_space<hbm>> -> memref<1000000x32xf32, #tpu.memory_space<hbm>>
        tpu.enqueue_indirect_dma source(%dma_start3A_740 : memref<1000000x32xf32, #tpu.memory_space<hbm>>) target(%dma_start3A_736 : memref<50x32xf32, #tpu.memory_space<vmem>>) offsets(%dma_start3A_737 : memref<50xi32, #tpu.memory_space<vmem>>) semaphore(%arg9 : memref<!tpu.dma_semaphore, #tpu.memory_space<semaphore_mem>>)
        %mul3A_741 = arith.constant 16 : i32
        %mul3A_742 = arith.muli %add3A_545, %mul3A_741 : i32
        %add3A_743 = arith.constant 13 : i32
        %add3A_744 = arith.addi %mul3A_742, %add3A_743 : i32
        %mul3A_745 = arith.constant 56 : i32
        %mul3A_746 = arith.muli %add3A_744, %mul3A_745 : i32
        %dma_start3A_747 = arith.constant 13 : i32
        %dma_start3A_748 = arith.constant 0 : i32
        %dma_start3A_749 = arith.constant 0 : i32
        %dma_start3A_750 = tpu.memref_slice %arg7[%dma_start3A_747, %dma_start3A_748, %dma_start3A_749] : memref<16x50x32xf32, #tpu.memory_space<vmem>> -> memref<1x50x32xf32, #tpu.memory_space<vmem>>
        %dma_start3A_751 = tpu.memref_squeeze %dma_start3A_750 : memref<1x50x32xf32, #tpu.memory_space<vmem>> -> memref<50x32xf32, #tpu.memory_space<vmem>>
        %dma_start3A_752 = tpu.memref_slice %arg5[%mul3A_746] : memref<28672xi32, #tpu.memory_space<vmem>> -> memref<50xi32, #tpu.memory_space<vmem>>
        %dma_start3A_753 = arith.constant 0 : i32
        %dma_start3A_754 = arith.constant 0 : i32
        %dma_start3A_755 = tpu.memref_slice %arg3[%dma_start3A_753, %dma_start3A_754] : memref<1000000x32xf32, #tpu.memory_space<hbm>> -> memref<1000000x32xf32, #tpu.memory_space<hbm>>
        tpu.enqueue_indirect_dma source(%dma_start3A_755 : memref<1000000x32xf32, #tpu.memory_space<hbm>>) target(%dma_start3A_751 : memref<50x32xf32, #tpu.memory_space<vmem>>) offsets(%dma_start3A_752 : memref<50xi32, #tpu.memory_space<vmem>>) semaphore(%arg9 : memref<!tpu.dma_semaphore, #tpu.memory_space<semaphore_mem>>)
        %mul3A_756 = arith.constant 16 : i32
        %mul3A_757 = arith.muli %add3A_545, %mul3A_756 : i32
        %add3A_758 = arith.constant 14 : i32
        %add3A_759 = arith.addi %mul3A_757, %add3A_758 : i32
        %mul3A_760 = arith.constant 56 : i32
        %mul3A_761 = arith.muli %add3A_759, %mul3A_760 : i32
        %dma_start3A_762 = arith.constant 14 : i32
        %dma_start3A_763 = arith.constant 0 : i32
        %dma_start3A_764 = arith.constant 0 : i32
        %dma_start3A_765 = tpu.memref_slice %arg7[%dma_start3A_762, %dma_start3A_763, %dma_start3A_764] : memref<16x50x32xf32, #tpu.memory_space<vmem>> -> memref<1x50x32xf32, #tpu.memory_space<vmem>>
        %dma_start3A_766 = tpu.memref_squeeze %dma_start3A_765 : memref<1x50x32xf32, #tpu.memory_space<vmem>> -> memref<50x32xf32, #tpu.memory_space<vmem>>
        %dma_start3A_767 = tpu.memref_slice %arg5[%mul3A_761] : memref<28672xi32, #tpu.memory_space<vmem>> -> memref<50xi32, #tpu.memory_space<vmem>>
        %dma_start3A_768 = arith.constant 0 : i32
        %dma_start3A_769 = arith.constant 0 : i32
        %dma_start3A_770 = tpu.memref_slice %arg3[%dma_start3A_768, %dma_start3A_769] : memref<1000000x32xf32, #tpu.memory_space<hbm>> -> memref<1000000x32xf32, #tpu.memory_space<hbm>>
        tpu.enqueue_indirect_dma source(%dma_start3A_770 : memref<1000000x32xf32, #tpu.memory_space<hbm>>) target(%dma_start3A_766 : memref<50x32xf32, #tpu.memory_space<vmem>>) offsets(%dma_start3A_767 : memref<50xi32, #tpu.memory_space<vmem>>) semaphore(%arg9 : memref<!tpu.dma_semaphore, #tpu.memory_space<semaphore_mem>>)
        %mul3A_771 = arith.constant 16 : i32
        %mul3A_772 = arith.muli %add3A_545, %mul3A_771 : i32
        %add3A_773 = arith.constant 15 : i32
        %add3A_774 = arith.addi %mul3A_772, %add3A_773 : i32
        %mul3A_775 = arith.constant 56 : i32
        %mul3A_776 = arith.muli %add3A_774, %mul3A_775 : i32
        %dma_start3A_777 = arith.constant 15 : i32
        %dma_start3A_778 = arith.constant 0 : i32
        %dma_start3A_779 = arith.constant 0 : i32
        %dma_start3A_780 = tpu.memref_slice %arg7[%dma_start3A_777, %dma_start3A_778, %dma_start3A_779] : memref<16x50x32xf32, #tpu.memory_space<vmem>> -> memref<1x50x32xf32, #tpu.memory_space<vmem>>
        %dma_start3A_781 = tpu.memref_squeeze %dma_start3A_780 : memref<1x50x32xf32, #tpu.memory_space<vmem>> -> memref<50x32xf32, #tpu.memory_space<vmem>>
        %dma_start3A_782 = tpu.memref_slice %arg5[%mul3A_776] : memref<28672xi32, #tpu.memory_space<vmem>> -> memref<50xi32, #tpu.memory_space<vmem>>
        %dma_start3A_783 = arith.constant 0 : i32
        %dma_start3A_784 = arith.constant 0 : i32
        %dma_start3A_785 = tpu.memref_slice %arg3[%dma_start3A_783, %dma_start3A_784] : memref<1000000x32xf32, #tpu.memory_space<hbm>> -> memref<1000000x32xf32, #tpu.memory_space<hbm>>
        tpu.enqueue_indirect_dma source(%dma_start3A_785 : memref<1000000x32xf32, #tpu.memory_space<hbm>>) target(%dma_start3A_781 : memref<50x32xf32, #tpu.memory_space<vmem>>) offsets(%dma_start3A_782 : memref<50xi32, #tpu.memory_space<vmem>>) semaphore(%arg9 : memref<!tpu.dma_semaphore, #tpu.memory_space<semaphore_mem>>)
      } else {
      }
      %dma_wait3A_191 = arith.constant 0 : i32
      %dma_wait3A_192 = arith.constant 0 : i32
      %dma_wait3A_193 = arith.constant 0 : i32
      %dma_wait3A_194 = tpu.memref_slice %arg6[%dma_wait3A_191, %dma_wait3A_192, %dma_wait3A_193] : memref<16x50x32xf32, #tpu.memory_space<vmem>> -> memref<1x50x32xf32, #tpu.memory_space<vmem>>
      %dma_wait3A_195 = tpu.memref_squeeze %dma_wait3A_194 : memref<1x50x32xf32, #tpu.memory_space<vmem>> -> memref<50x32xf32, #tpu.memory_space<vmem>>
      %dma_wait3A_196 = arith.constant 0 : i32
      %dma_wait3A_197 = tpu.memref_slice %arg5[%dma_wait3A_196] : memref<28672xi32, #tpu.memory_space<vmem>> -> memref<50xi32, #tpu.memory_space<vmem>>
      %dma_wait3A_198 = arith.constant 0 : i32
      %dma_wait3A_199 = arith.constant 0 : i32
      %dma_wait3A_200 = tpu.memref_slice %arg3[%dma_wait3A_198, %dma_wait3A_199] : memref<1000000x32xf32, #tpu.memory_space<hbm>> -> memref<1000000x32xf32, #tpu.memory_space<hbm>>
      tpu.wait_indirect_dma semaphore(%arg8 : memref<!tpu.dma_semaphore, #tpu.memory_space<semaphore_mem>>) src(%dma_wait3A_200 : memref<1000000x32xf32, #tpu.memory_space<hbm>>) dst(%dma_wait3A_195 : memref<50x32xf32, #tpu.memory_space<vmem>>)
      %dma_wait3A_201 = arith.constant 1 : i32
      %dma_wait3A_202 = arith.constant 0 : i32
      %dma_wait3A_203 = arith.constant 0 : i32
      %dma_wait3A_204 = tpu.memref_slice %arg6[%dma_wait3A_201, %dma_wait3A_202, %dma_wait3A_203] : memref<16x50x32xf32, #tpu.memory_space<vmem>> -> memref<1x50x32xf32, #tpu.memory_space<vmem>>
      %dma_wait3A_205 = tpu.memref_squeeze %dma_wait3A_204 : memref<1x50x32xf32, #tpu.memory_space<vmem>> -> memref<50x32xf32, #tpu.memory_space<vmem>>
      %dma_wait3A_206 = arith.constant 0 : i32
      %dma_wait3A_207 = tpu.memref_slice %arg5[%dma_wait3A_206] : memref<28672xi32, #tpu.memory_space<vmem>> -> memref<50xi32, #tpu.memory_space<vmem>>
      %dma_wait3A_208 = arith.constant 0 : i32
      %dma_wait3A_209 = arith.constant 0 : i32
      %dma_wait3A_210 = tpu.memref_slice %arg3[%dma_wait3A_208, %dma_wait3A_209] : memref<1000000x32xf32, #tpu.memory_space<hbm>> -> memref<1000000x32xf32, #tpu.memory_space<hbm>>
      tpu.wait_indirect_dma semaphore(%arg8 : memref<!tpu.dma_semaphore, #tpu.memory_space<semaphore_mem>>) src(%dma_wait3A_210 : memref<1000000x32xf32, #tpu.memory_space<hbm>>) dst(%dma_wait3A_205 : memref<50x32xf32, #tpu.memory_space<vmem>>)
      %dma_wait3A_211 = arith.constant 2 : i32
      %dma_wait3A_212 = arith.constant 0 : i32
      %dma_wait3A_213 = arith.constant 0 : i32
      %dma_wait3A_214 = tpu.memref_slice %arg6[%dma_wait3A_211, %dma_wait3A_212, %dma_wait3A_213] : memref<16x50x32xf32, #tpu.memory_space<vmem>> -> memref<1x50x32xf32, #tpu.memory_space<vmem>>
      %dma_wait3A_215 = tpu.memref_squeeze %dma_wait3A_214 : memref<1x50x32xf32, #tpu.memory_space<vmem>> -> memref<50x32xf32, #tpu.memory_space<vmem>>
      %dma_wait3A_216 = arith.constant 0 : i32
      %dma_wait3A_217 = tpu.memref_slice %arg5[%dma_wait3A_216] : memref<28672xi32, #tpu.memory_space<vmem>> -> memref<50xi32, #tpu.memory_space<vmem>>
      %dma_wait3A_218 = arith.constant 0 : i32
      %dma_wait3A_219 = arith.constant 0 : i32
      %dma_wait3A_220 = tpu.memref_slice %arg3[%dma_wait3A_218, %dma_wait3A_219] : memref<1000000x32xf32, #tpu.memory_space<hbm>> -> memref<1000000x32xf32, #tpu.memory_space<hbm>>
      tpu.wait_indirect_dma semaphore(%arg8 : memref<!tpu.dma_semaphore, #tpu.memory_space<semaphore_mem>>) src(%dma_wait3A_220 : memref<1000000x32xf32, #tpu.memory_space<hbm>>) dst(%dma_wait3A_215 : memref<50x32xf32, #tpu.memory_space<vmem>>)
      %dma_wait3A_221 = arith.constant 3 : i32
      %dma_wait3A_222 = arith.constant 0 : i32
      %dma_wait3A_223 = arith.constant 0 : i32
      %dma_wait3A_224 = tpu.memref_slice %arg6[%dma_wait3A_221, %dma_wait3A_222, %dma_wait3A_223] : memref<16x50x32xf32, #tpu.memory_space<vmem>> -> memref<1x50x32xf32, #tpu.memory_space<vmem>>
      %dma_wait3A_225 = tpu.memref_squeeze %dma_wait3A_224 : memref<1x50x32xf32, #tpu.memory_space<vmem>> -> memref<50x32xf32, #tpu.memory_space<vmem>>
      %dma_wait3A_226 = arith.constant 0 : i32
      %dma_wait3A_227 = tpu.memref_slice %arg5[%dma_wait3A_226] : memref<28672xi32, #tpu.memory_space<vmem>> -> memref<50xi32, #tpu.memory_space<vmem>>
      %dma_wait3A_228 = arith.constant 0 : i32
      %dma_wait3A_229 = arith.constant 0 : i32
      %dma_wait3A_230 = tpu.memref_slice %arg3[%dma_wait3A_228, %dma_wait3A_229] : memref<1000000x32xf32, #tpu.memory_space<hbm>> -> memref<1000000x32xf32, #tpu.memory_space<hbm>>
      tpu.wait_indirect_dma semaphore(%arg8 : memref<!tpu.dma_semaphore, #tpu.memory_space<semaphore_mem>>) src(%dma_wait3A_230 : memref<1000000x32xf32, #tpu.memory_space<hbm>>) dst(%dma_wait3A_225 : memref<50x32xf32, #tpu.memory_space<vmem>>)
      %dma_wait3A_231 = arith.constant 4 : i32
      %dma_wait3A_232 = arith.constant 0 : i32
      %dma_wait3A_233 = arith.constant 0 : i32
      %dma_wait3A_234 = tpu.memref_slice %arg6[%dma_wait3A_231, %dma_wait3A_232, %dma_wait3A_233] : memref<16x50x32xf32, #tpu.memory_space<vmem>> -> memref<1x50x32xf32, #tpu.memory_space<vmem>>
      %dma_wait3A_235 = tpu.memref_squeeze %dma_wait3A_234 : memref<1x50x32xf32, #tpu.memory_space<vmem>> -> memref<50x32xf32, #tpu.memory_space<vmem>>
      %dma_wait3A_236 = arith.constant 0 : i32
      %dma_wait3A_237 = tpu.memref_slice %arg5[%dma_wait3A_236] : memref<28672xi32, #tpu.memory_space<vmem>> -> memref<50xi32, #tpu.memory_space<vmem>>
      %dma_wait3A_238 = arith.constant 0 : i32
      %dma_wait3A_239 = arith.constant 0 : i32
      %dma_wait3A_240 = tpu.memref_slice %arg3[%dma_wait3A_238, %dma_wait3A_239] : memref<1000000x32xf32, #tpu.memory_space<hbm>> -> memref<1000000x32xf32, #tpu.memory_space<hbm>>
      tpu.wait_indirect_dma semaphore(%arg8 : memref<!tpu.dma_semaphore, #tpu.memory_space<semaphore_mem>>) src(%dma_wait3A_240 : memref<1000000x32xf32, #tpu.memory_space<hbm>>) dst(%dma_wait3A_235 : memref<50x32xf32, #tpu.memory_space<vmem>>)
      %dma_wait3A_241 = arith.constant 5 : i32
      %dma_wait3A_242 = arith.constant 0 : i32
      %dma_wait3A_243 = arith.constant 0 : i32
      %dma_wait3A_244 = tpu.memref_slice %arg6[%dma_wait3A_241, %dma_wait3A_242, %dma_wait3A_243] : memref<16x50x32xf32, #tpu.memory_space<vmem>> -> memref<1x50x32xf32, #tpu.memory_space<vmem>>
      %dma_wait3A_245 = tpu.memref_squeeze %dma_wait3A_244 : memref<1x50x32xf32, #tpu.memory_space<vmem>> -> memref<50x32xf32, #tpu.memory_space<vmem>>
      %dma_wait3A_246 = arith.constant 0 : i32
      %dma_wait3A_247 = tpu.memref_slice %arg5[%dma_wait3A_246] : memref<28672xi32, #tpu.memory_space<vmem>> -> memref<50xi32, #tpu.memory_space<vmem>>
      %dma_wait3A_248 = arith.constant 0 : i32
      %dma_wait3A_249 = arith.constant 0 : i32
      %dma_wait3A_250 = tpu.memref_slice %arg3[%dma_wait3A_248, %dma_wait3A_249] : memref<1000000x32xf32, #tpu.memory_space<hbm>> -> memref<1000000x32xf32, #tpu.memory_space<hbm>>
      tpu.wait_indirect_dma semaphore(%arg8 : memref<!tpu.dma_semaphore, #tpu.memory_space<semaphore_mem>>) src(%dma_wait3A_250 : memref<1000000x32xf32, #tpu.memory_space<hbm>>) dst(%dma_wait3A_245 : memref<50x32xf32, #tpu.memory_space<vmem>>)
      %dma_wait3A_251 = arith.constant 6 : i32
      %dma_wait3A_252 = arith.constant 0 : i32
      %dma_wait3A_253 = arith.constant 0 : i32
      %dma_wait3A_254 = tpu.memref_slice %arg6[%dma_wait3A_251, %dma_wait3A_252, %dma_wait3A_253] : memref<16x50x32xf32, #tpu.memory_space<vmem>> -> memref<1x50x32xf32, #tpu.memory_space<vmem>>
      %dma_wait3A_255 = tpu.memref_squeeze %dma_wait3A_254 : memref<1x50x32xf32, #tpu.memory_space<vmem>> -> memref<50x32xf32, #tpu.memory_space<vmem>>
      %dma_wait3A_256 = arith.constant 0 : i32
      %dma_wait3A_257 = tpu.memref_slice %arg5[%dma_wait3A_256] : memref<28672xi32, #tpu.memory_space<vmem>> -> memref<50xi32, #tpu.memory_space<vmem>>
      %dma_wait3A_258 = arith.constant 0 : i32
      %dma_wait3A_259 = arith.constant 0 : i32
      %dma_wait3A_260 = tpu.memref_slice %arg3[%dma_wait3A_258, %dma_wait3A_259] : memref<1000000x32xf32, #tpu.memory_space<hbm>> -> memref<1000000x32xf32, #tpu.memory_space<hbm>>
      tpu.wait_indirect_dma semaphore(%arg8 : memref<!tpu.dma_semaphore, #tpu.memory_space<semaphore_mem>>) src(%dma_wait3A_260 : memref<1000000x32xf32, #tpu.memory_space<hbm>>) dst(%dma_wait3A_255 : memref<50x32xf32, #tpu.memory_space<vmem>>)
      %dma_wait3A_261 = arith.constant 7 : i32
      %dma_wait3A_262 = arith.constant 0 : i32
      %dma_wait3A_263 = arith.constant 0 : i32
      %dma_wait3A_264 = tpu.memref_slice %arg6[%dma_wait3A_261, %dma_wait3A_262, %dma_wait3A_263] : memref<16x50x32xf32, #tpu.memory_space<vmem>> -> memref<1x50x32xf32, #tpu.memory_space<vmem>>
      %dma_wait3A_265 = tpu.memref_squeeze %dma_wait3A_264 : memref<1x50x32xf32, #tpu.memory_space<vmem>> -> memref<50x32xf32, #tpu.memory_space<vmem>>
      %dma_wait3A_266 = arith.constant 0 : i32
      %dma_wait3A_267 = tpu.memref_slice %arg5[%dma_wait3A_266] : memref<28672xi32, #tpu.memory_space<vmem>> -> memref<50xi32, #tpu.memory_space<vmem>>
      %dma_wait3A_268 = arith.constant 0 : i32
      %dma_wait3A_269 = arith.constant 0 : i32
      %dma_wait3A_270 = tpu.memref_slice %arg3[%dma_wait3A_268, %dma_wait3A_269] : memref<1000000x32xf32, #tpu.memory_space<hbm>> -> memref<1000000x32xf32, #tpu.memory_space<hbm>>
      tpu.wait_indirect_dma semaphore(%arg8 : memref<!tpu.dma_semaphore, #tpu.memory_space<semaphore_mem>>) src(%dma_wait3A_270 : memref<1000000x32xf32, #tpu.memory_space<hbm>>) dst(%dma_wait3A_265 : memref<50x32xf32, #tpu.memory_space<vmem>>)
      %dma_wait3A_271 = arith.constant 8 : i32
      %dma_wait3A_272 = arith.constant 0 : i32
      %dma_wait3A_273 = arith.constant 0 : i32
      %dma_wait3A_274 = tpu.memref_slice %arg6[%dma_wait3A_271, %dma_wait3A_272, %dma_wait3A_273] : memref<16x50x32xf32, #tpu.memory_space<vmem>> -> memref<1x50x32xf32, #tpu.memory_space<vmem>>
      %dma_wait3A_275 = tpu.memref_squeeze %dma_wait3A_274 : memref<1x50x32xf32, #tpu.memory_space<vmem>> -> memref<50x32xf32, #tpu.memory_space<vmem>>
      %dma_wait3A_276 = arith.constant 0 : i32
      %dma_wait3A_277 = tpu.memref_slice %arg5[%dma_wait3A_276] : memref<28672xi32, #tpu.memory_space<vmem>> -> memref<50xi32, #tpu.memory_space<vmem>>
      %dma_wait3A_278 = arith.constant 0 : i32
      %dma_wait3A_279 = arith.constant 0 : i32
      %dma_wait3A_280 = tpu.memref_slice %arg3[%dma_wait3A_278, %dma_wait3A_279] : memref<1000000x32xf32, #tpu.memory_space<hbm>> -> memref<1000000x32xf32, #tpu.memory_space<hbm>>
      tpu.wait_indirect_dma semaphore(%arg8 : memref<!tpu.dma_semaphore, #tpu.memory_space<semaphore_mem>>) src(%dma_wait3A_280 : memref<1000000x32xf32, #tpu.memory_space<hbm>>) dst(%dma_wait3A_275 : memref<50x32xf32, #tpu.memory_space<vmem>>)
      %dma_wait3A_281 = arith.constant 9 : i32
      %dma_wait3A_282 = arith.constant 0 : i32
      %dma_wait3A_283 = arith.constant 0 : i32
      %dma_wait3A_284 = tpu.memref_slice %arg6[%dma_wait3A_281, %dma_wait3A_282, %dma_wait3A_283] : memref<16x50x32xf32, #tpu.memory_space<vmem>> -> memref<1x50x32xf32, #tpu.memory_space<vmem>>
      %dma_wait3A_285 = tpu.memref_squeeze %dma_wait3A_284 : memref<1x50x32xf32, #tpu.memory_space<vmem>> -> memref<50x32xf32, #tpu.memory_space<vmem>>
      %dma_wait3A_286 = arith.constant 0 : i32
      %dma_wait3A_287 = tpu.memref_slice %arg5[%dma_wait3A_286] : memref<28672xi32, #tpu.memory_space<vmem>> -> memref<50xi32, #tpu.memory_space<vmem>>
      %dma_wait3A_288 = arith.constant 0 : i32
      %dma_wait3A_289 = arith.constant 0 : i32
      %dma_wait3A_290 = tpu.memref_slice %arg3[%dma_wait3A_288, %dma_wait3A_289] : memref<1000000x32xf32, #tpu.memory_space<hbm>> -> memref<1000000x32xf32, #tpu.memory_space<hbm>>
      tpu.wait_indirect_dma semaphore(%arg8 : memref<!tpu.dma_semaphore, #tpu.memory_space<semaphore_mem>>) src(%dma_wait3A_290 : memref<1000000x32xf32, #tpu.memory_space<hbm>>) dst(%dma_wait3A_285 : memref<50x32xf32, #tpu.memory_space<vmem>>)
      %dma_wait3A_291 = arith.constant 10 : i32
      %dma_wait3A_292 = arith.constant 0 : i32
      %dma_wait3A_293 = arith.constant 0 : i32
      %dma_wait3A_294 = tpu.memref_slice %arg6[%dma_wait3A_291, %dma_wait3A_292, %dma_wait3A_293] : memref<16x50x32xf32, #tpu.memory_space<vmem>> -> memref<1x50x32xf32, #tpu.memory_space<vmem>>
      %dma_wait3A_295 = tpu.memref_squeeze %dma_wait3A_294 : memref<1x50x32xf32, #tpu.memory_space<vmem>> -> memref<50x32xf32, #tpu.memory_space<vmem>>
      %dma_wait3A_296 = arith.constant 0 : i32
      %dma_wait3A_297 = tpu.memref_slice %arg5[%dma_wait3A_296] : memref<28672xi32, #tpu.memory_space<vmem>> -> memref<50xi32, #tpu.memory_space<vmem>>
      %dma_wait3A_298 = arith.constant 0 : i32
      %dma_wait3A_299 = arith.constant 0 : i32
      %dma_wait3A_300 = tpu.memref_slice %arg3[%dma_wait3A_298, %dma_wait3A_299] : memref<1000000x32xf32, #tpu.memory_space<hbm>> -> memref<1000000x32xf32, #tpu.memory_space<hbm>>
      tpu.wait_indirect_dma semaphore(%arg8 : memref<!tpu.dma_semaphore, #tpu.memory_space<semaphore_mem>>) src(%dma_wait3A_300 : memref<1000000x32xf32, #tpu.memory_space<hbm>>) dst(%dma_wait3A_295 : memref<50x32xf32, #tpu.memory_space<vmem>>)
      %dma_wait3A_301 = arith.constant 11 : i32
      %dma_wait3A_302 = arith.constant 0 : i32
      %dma_wait3A_303 = arith.constant 0 : i32
      %dma_wait3A_304 = tpu.memref_slice %arg6[%dma_wait3A_301, %dma_wait3A_302, %dma_wait3A_303] : memref<16x50x32xf32, #tpu.memory_space<vmem>> -> memref<1x50x32xf32, #tpu.memory_space<vmem>>
      %dma_wait3A_305 = tpu.memref_squeeze %dma_wait3A_304 : memref<1x50x32xf32, #tpu.memory_space<vmem>> -> memref<50x32xf32, #tpu.memory_space<vmem>>
      %dma_wait3A_306 = arith.constant 0 : i32
      %dma_wait3A_307 = tpu.memref_slice %arg5[%dma_wait3A_306] : memref<28672xi32, #tpu.memory_space<vmem>> -> memref<50xi32, #tpu.memory_space<vmem>>
      %dma_wait3A_308 = arith.constant 0 : i32
      %dma_wait3A_309 = arith.constant 0 : i32
      %dma_wait3A_310 = tpu.memref_slice %arg3[%dma_wait3A_308, %dma_wait3A_309] : memref<1000000x32xf32, #tpu.memory_space<hbm>> -> memref<1000000x32xf32, #tpu.memory_space<hbm>>
      tpu.wait_indirect_dma semaphore(%arg8 : memref<!tpu.dma_semaphore, #tpu.memory_space<semaphore_mem>>) src(%dma_wait3A_310 : memref<1000000x32xf32, #tpu.memory_space<hbm>>) dst(%dma_wait3A_305 : memref<50x32xf32, #tpu.memory_space<vmem>>)
      %dma_wait3A_311 = arith.constant 12 : i32
      %dma_wait3A_312 = arith.constant 0 : i32
      %dma_wait3A_313 = arith.constant 0 : i32
      %dma_wait3A_314 = tpu.memref_slice %arg6[%dma_wait3A_311, %dma_wait3A_312, %dma_wait3A_313] : memref<16x50x32xf32, #tpu.memory_space<vmem>> -> memref<1x50x32xf32, #tpu.memory_space<vmem>>
      %dma_wait3A_315 = tpu.memref_squeeze %dma_wait3A_314 : memref<1x50x32xf32, #tpu.memory_space<vmem>> -> memref<50x32xf32, #tpu.memory_space<vmem>>
      %dma_wait3A_316 = arith.constant 0 : i32
      %dma_wait3A_317 = tpu.memref_slice %arg5[%dma_wait3A_316] : memref<28672xi32, #tpu.memory_space<vmem>> -> memref<50xi32, #tpu.memory_space<vmem>>
      %dma_wait3A_318 = arith.constant 0 : i32
      %dma_wait3A_319 = arith.constant 0 : i32
      %dma_wait3A_320 = tpu.memref_slice %arg3[%dma_wait3A_318, %dma_wait3A_319] : memref<1000000x32xf32, #tpu.memory_space<hbm>> -> memref<1000000x32xf32, #tpu.memory_space<hbm>>
      tpu.wait_indirect_dma semaphore(%arg8 : memref<!tpu.dma_semaphore, #tpu.memory_space<semaphore_mem>>) src(%dma_wait3A_320 : memref<1000000x32xf32, #tpu.memory_space<hbm>>) dst(%dma_wait3A_315 : memref<50x32xf32, #tpu.memory_space<vmem>>)
      %dma_wait3A_321 = arith.constant 13 : i32
      %dma_wait3A_322 = arith.constant 0 : i32
      %dma_wait3A_323 = arith.constant 0 : i32
      %dma_wait3A_324 = tpu.memref_slice %arg6[%dma_wait3A_321, %dma_wait3A_322, %dma_wait3A_323] : memref<16x50x32xf32, #tpu.memory_space<vmem>> -> memref<1x50x32xf32, #tpu.memory_space<vmem>>
      %dma_wait3A_325 = tpu.memref_squeeze %dma_wait3A_324 : memref<1x50x32xf32, #tpu.memory_space<vmem>> -> memref<50x32xf32, #tpu.memory_space<vmem>>
      %dma_wait3A_326 = arith.constant 0 : i32
      %dma_wait3A_327 = tpu.memref_slice %arg5[%dma_wait3A_326] : memref<28672xi32, #tpu.memory_space<vmem>> -> memref<50xi32, #tpu.memory_space<vmem>>
      %dma_wait3A_328 = arith.constant 0 : i32
      %dma_wait3A_329 = arith.constant 0 : i32
      %dma_wait3A_330 = tpu.memref_slice %arg3[%dma_wait3A_328, %dma_wait3A_329] : memref<1000000x32xf32, #tpu.memory_space<hbm>> -> memref<1000000x32xf32, #tpu.memory_space<hbm>>
      tpu.wait_indirect_dma semaphore(%arg8 : memref<!tpu.dma_semaphore, #tpu.memory_space<semaphore_mem>>) src(%dma_wait3A_330 : memref<1000000x32xf32, #tpu.memory_space<hbm>>) dst(%dma_wait3A_325 : memref<50x32xf32, #tpu.memory_space<vmem>>)
      %dma_wait3A_331 = arith.constant 14 : i32
      %dma_wait3A_332 = arith.constant 0 : i32
      %dma_wait3A_333 = arith.constant 0 : i32
      %dma_wait3A_334 = tpu.memref_slice %arg6[%dma_wait3A_331, %dma_wait3A_332, %dma_wait3A_333] : memref<16x50x32xf32, #tpu.memory_space<vmem>> -> memref<1x50x32xf32, #tpu.memory_space<vmem>>
      %dma_wait3A_335 = tpu.memref_squeeze %dma_wait3A_334 : memref<1x50x32xf32, #tpu.memory_space<vmem>> -> memref<50x32xf32, #tpu.memory_space<vmem>>
      %dma_wait3A_336 = arith.constant 0 : i32
      %dma_wait3A_337 = tpu.memref_slice %arg5[%dma_wait3A_336] : memref<28672xi32, #tpu.memory_space<vmem>> -> memref<50xi32, #tpu.memory_space<vmem>>
      %dma_wait3A_338 = arith.constant 0 : i32
      %dma_wait3A_339 = arith.constant 0 : i32
      %dma_wait3A_340 = tpu.memref_slice %arg3[%dma_wait3A_338, %dma_wait3A_339] : memref<1000000x32xf32, #tpu.memory_space<hbm>> -> memref<1000000x32xf32, #tpu.memory_space<hbm>>
      tpu.wait_indirect_dma semaphore(%arg8 : memref<!tpu.dma_semaphore, #tpu.memory_space<semaphore_mem>>) src(%dma_wait3A_340 : memref<1000000x32xf32, #tpu.memory_space<hbm>>) dst(%dma_wait3A_335 : memref<50x32xf32, #tpu.memory_space<vmem>>)
      %dma_wait3A_341 = arith.constant 15 : i32
      %dma_wait3A_342 = arith.constant 0 : i32
      %dma_wait3A_343 = arith.constant 0 : i32
      %dma_wait3A_344 = tpu.memref_slice %arg6[%dma_wait3A_341, %dma_wait3A_342, %dma_wait3A_343] : memref<16x50x32xf32, #tpu.memory_space<vmem>> -> memref<1x50x32xf32, #tpu.memory_space<vmem>>
      %dma_wait3A_345 = tpu.memref_squeeze %dma_wait3A_344 : memref<1x50x32xf32, #tpu.memory_space<vmem>> -> memref<50x32xf32, #tpu.memory_space<vmem>>
      %dma_wait3A_346 = arith.constant 0 : i32
      %dma_wait3A_347 = tpu.memref_slice %arg5[%dma_wait3A_346] : memref<28672xi32, #tpu.memory_space<vmem>> -> memref<50xi32, #tpu.memory_space<vmem>>
      %dma_wait3A_348 = arith.constant 0 : i32
      %dma_wait3A_349 = arith.constant 0 : i32
      %dma_wait3A_350 = tpu.memref_slice %arg3[%dma_wait3A_348, %dma_wait3A_349] : memref<1000000x32xf32, #tpu.memory_space<hbm>> -> memref<1000000x32xf32, #tpu.memory_space<hbm>>
      tpu.wait_indirect_dma semaphore(%arg8 : memref<!tpu.dma_semaphore, #tpu.memory_space<semaphore_mem>>) src(%dma_wait3A_350 : memref<1000000x32xf32, #tpu.memory_space<hbm>>) dst(%dma_wait3A_345 : memref<50x32xf32, #tpu.memory_space<vmem>>)
      %mul3A_351 = arith.constant 16 : i32
      %mul3A_352 = arith.muli %add3A_186, %mul3A_351 : i32
      %add3A_353 = arith.addi %mul3A_2, %mul3A_352 : i32
      %dma_start3A_354 = arith.constant 0 : i32
      %dma_start3A_355 = arith.constant 0 : i32
      %dma_start3A_356 = tpu.memref_slice %arg4[%add3A_353, %dma_start3A_354, %dma_start3A_355] : memref<16384x50x32xf32, #tpu.memory_space<hbm>> -> memref<16x50x32xf32, #tpu.memory_space<hbm>>
      %dma_start3A_357 = arith.constant 0 : i32
      %dma_start3A_358 = arith.constant 0 : i32
      %dma_start3A_359 = tpu.memref_slice %arg4[%add3A_353, %dma_start3A_357, %dma_start3A_358] : memref<16384x50x32xf32, #tpu.memory_space<hbm>> -> memref<16x50x32xf32, #tpu.memory_space<hbm>>
      tpu.enqueue_dma source(%arg6 : memref<16x50x32xf32, #tpu.memory_space<vmem>>) target(%dma_start3A_359 : memref<16x50x32xf32, #tpu.memory_space<hbm>>) target_semaphore(%arg10 : memref<!tpu.dma_semaphore, #tpu.memory_space<semaphore_mem>>)
      %mul3A_360 = arith.constant 2 : i32
      %mul3A_361 = arith.muli %mul3A_360, %scan3A_182 : i32
      %add3A_362 = arith.constant 1 : i32
      %add3A_363 = arith.addi %mul3A_361, %add3A_362 : i32
      %add3A_364 = arith.constant 1 : i32
      %add3A_365 = arith.addi %add3A_363, %add3A_364 : i32
      %lt3A_366 = arith.constant 32 : i32
      %lt3A_367 = arith.cmpi slt, %add3A_365, %lt3A_366 : i32
      %convert_element_type3A_368 = arith.extui %lt3A_367 : i1 to i32
      %cond3A_369 = arith.constant 0 : i32
      %cond3A_370 = arith.cmpi ne, %convert_element_type3A_368, %cond3A_369 : i32
      scf.if %cond3A_370 {
        %ge3A = arith.constant 1 : i32
        %ge3A_540 = arith.cmpi sge, %add3A_363, %ge3A : i32
        %convert_element_type3A_541 = arith.extui %ge3A_540 : i1 to i32
        %cond3A_542 = arith.constant 0 : i32
        %cond3A_543 = arith.cmpi ne, %convert_element_type3A_541, %cond3A_542 : i32
        scf.if %cond3A_543 {
          %add3A_786 = arith.constant 0 : i32
          %add3A_787 = arith.addi %mul3A_2, %add3A_786 : i32
          %dma_wait3A_788 = arith.constant 0 : i32
          %dma_wait3A_789 = arith.constant 0 : i32
          %dma_wait3A_790 = tpu.memref_slice %arg4[%add3A_787, %dma_wait3A_788, %dma_wait3A_789] : memref<16384x50x32xf32, #tpu.memory_space<hbm>> -> memref<16x50x32xf32, #tpu.memory_space<hbm>>
          %dma_wait3A_791 = arith.constant 0 : i32
          %dma_wait3A_792 = arith.constant 0 : i32
          %dma_wait3A_793 = tpu.memref_slice %arg4[%add3A_787, %dma_wait3A_791, %dma_wait3A_792] : memref<16384x50x32xf32, #tpu.memory_space<hbm>> -> memref<16x50x32xf32, #tpu.memory_space<hbm>>
          tpu.wait_dma2 semaphore(%arg10 : memref<!tpu.dma_semaphore, #tpu.memory_space<semaphore_mem>>) src(%arg6 : memref<16x50x32xf32, #tpu.memory_space<vmem>>) dst(%dma_wait3A_793 : memref<16x50x32xf32, #tpu.memory_space<hbm>>)
        } else {
        }
        %add3A_544 = arith.constant 1 : i32
        %add3A_545 = arith.addi %add3A_363, %add3A_544 : i32
        %mul3A_546 = arith.constant 16 : i32
        %mul3A_547 = arith.muli %add3A_545, %mul3A_546 : i32
        %add3A_548 = arith.constant 0 : i32
        %add3A_549 = arith.addi %mul3A_547, %add3A_548 : i32
        %mul3A_550 = arith.constant 56 : i32
        %mul3A_551 = arith.muli %add3A_549, %mul3A_550 : i32
        %dma_start3A_552 = arith.constant 0 : i32
        %dma_start3A_553 = arith.constant 0 : i32
        %dma_start3A_554 = arith.constant 0 : i32
        %dma_start3A_555 = tpu.memref_slice %arg6[%dma_start3A_552, %dma_start3A_553, %dma_start3A_554] : memref<16x50x32xf32, #tpu.memory_space<vmem>> -> memref<1x50x32xf32, #tpu.memory_space<vmem>>
        %dma_start3A_556 = tpu.memref_squeeze %dma_start3A_555 : memref<1x50x32xf32, #tpu.memory_space<vmem>> -> memref<50x32xf32, #tpu.memory_space<vmem>>
        %dma_start3A_557 = tpu.memref_slice %arg5[%mul3A_551] : memref<28672xi32, #tpu.memory_space<vmem>> -> memref<50xi32, #tpu.memory_space<vmem>>
        %dma_start3A_558 = arith.constant 0 : i32
        %dma_start3A_559 = arith.constant 0 : i32
        %dma_start3A_560 = tpu.memref_slice %arg3[%dma_start3A_558, %dma_start3A_559] : memref<1000000x32xf32, #tpu.memory_space<hbm>> -> memref<1000000x32xf32, #tpu.memory_space<hbm>>
        tpu.enqueue_indirect_dma source(%dma_start3A_560 : memref<1000000x32xf32, #tpu.memory_space<hbm>>) target(%dma_start3A_556 : memref<50x32xf32, #tpu.memory_space<vmem>>) offsets(%dma_start3A_557 : memref<50xi32, #tpu.memory_space<vmem>>) semaphore(%arg8 : memref<!tpu.dma_semaphore, #tpu.memory_space<semaphore_mem>>)
        %mul3A_561 = arith.constant 16 : i32
        %mul3A_562 = arith.muli %add3A_545, %mul3A_561 : i32
        %add3A_563 = arith.constant 1 : i32
        %add3A_564 = arith.addi %mul3A_562, %add3A_563 : i32
        %mul3A_565 = arith.constant 56 : i32
        %mul3A_566 = arith.muli %add3A_564, %mul3A_565 : i32
        %dma_start3A_567 = arith.constant 1 : i32
        %dma_start3A_568 = arith.constant 0 : i32
        %dma_start3A_569 = arith.constant 0 : i32
        %dma_start3A_570 = tpu.memref_slice %arg6[%dma_start3A_567, %dma_start3A_568, %dma_start3A_569] : memref<16x50x32xf32, #tpu.memory_space<vmem>> -> memref<1x50x32xf32, #tpu.memory_space<vmem>>
        %dma_start3A_571 = tpu.memref_squeeze %dma_start3A_570 : memref<1x50x32xf32, #tpu.memory_space<vmem>> -> memref<50x32xf32, #tpu.memory_space<vmem>>
        %dma_start3A_572 = tpu.memref_slice %arg5[%mul3A_566] : memref<28672xi32, #tpu.memory_space<vmem>> -> memref<50xi32, #tpu.memory_space<vmem>>
        %dma_start3A_573 = arith.constant 0 : i32
        %dma_start3A_574 = arith.constant 0 : i32
        %dma_start3A_575 = tpu.memref_slice %arg3[%dma_start3A_573, %dma_start3A_574] : memref<1000000x32xf32, #tpu.memory_space<hbm>> -> memref<1000000x32xf32, #tpu.memory_space<hbm>>
        tpu.enqueue_indirect_dma source(%dma_start3A_575 : memref<1000000x32xf32, #tpu.memory_space<hbm>>) target(%dma_start3A_571 : memref<50x32xf32, #tpu.memory_space<vmem>>) offsets(%dma_start3A_572 : memref<50xi32, #tpu.memory_space<vmem>>) semaphore(%arg8 : memref<!tpu.dma_semaphore, #tpu.memory_space<semaphore_mem>>)
        %mul3A_576 = arith.constant 16 : i32
        %mul3A_577 = arith.muli %add3A_545, %mul3A_576 : i32
        %add3A_578 = arith.constant 2 : i32
        %add3A_579 = arith.addi %mul3A_577, %add3A_578 : i32
        %mul3A_580 = arith.constant 56 : i32
        %mul3A_581 = arith.muli %add3A_579, %mul3A_580 : i32
        %dma_start3A_582 = arith.constant 2 : i32
        %dma_start3A_583 = arith.constant 0 : i32
        %dma_start3A_584 = arith.constant 0 : i32
        %dma_start3A_585 = tpu.memref_slice %arg6[%dma_start3A_582, %dma_start3A_583, %dma_start3A_584] : memref<16x50x32xf32, #tpu.memory_space<vmem>> -> memref<1x50x32xf32, #tpu.memory_space<vmem>>
        %dma_start3A_586 = tpu.memref_squeeze %dma_start3A_585 : memref<1x50x32xf32, #tpu.memory_space<vmem>> -> memref<50x32xf32, #tpu.memory_space<vmem>>
        %dma_start3A_587 = tpu.memref_slice %arg5[%mul3A_581] : memref<28672xi32, #tpu.memory_space<vmem>> -> memref<50xi32, #tpu.memory_space<vmem>>
        %dma_start3A_588 = arith.constant 0 : i32
        %dma_start3A_589 = arith.constant 0 : i32
        %dma_start3A_590 = tpu.memref_slice %arg3[%dma_start3A_588, %dma_start3A_589] : memref<1000000x32xf32, #tpu.memory_space<hbm>> -> memref<1000000x32xf32, #tpu.memory_space<hbm>>
        tpu.enqueue_indirect_dma source(%dma_start3A_590 : memref<1000000x32xf32, #tpu.memory_space<hbm>>) target(%dma_start3A_586 : memref<50x32xf32, #tpu.memory_space<vmem>>) offsets(%dma_start3A_587 : memref<50xi32, #tpu.memory_space<vmem>>) semaphore(%arg8 : memref<!tpu.dma_semaphore, #tpu.memory_space<semaphore_mem>>)
        %mul3A_591 = arith.constant 16 : i32
        %mul3A_592 = arith.muli %add3A_545, %mul3A_591 : i32
        %add3A_593 = arith.constant 3 : i32
        %add3A_594 = arith.addi %mul3A_592, %add3A_593 : i32
        %mul3A_595 = arith.constant 56 : i32
        %mul3A_596 = arith.muli %add3A_594, %mul3A_595 : i32
        %dma_start3A_597 = arith.constant 3 : i32
        %dma_start3A_598 = arith.constant 0 : i32
        %dma_start3A_599 = arith.constant 0 : i32
        %dma_start3A_600 = tpu.memref_slice %arg6[%dma_start3A_597, %dma_start3A_598, %dma_start3A_599] : memref<16x50x32xf32, #tpu.memory_space<vmem>> -> memref<1x50x32xf32, #tpu.memory_space<vmem>>
        %dma_start3A_601 = tpu.memref_squeeze %dma_start3A_600 : memref<1x50x32xf32, #tpu.memory_space<vmem>> -> memref<50x32xf32, #tpu.memory_space<vmem>>
        %dma_start3A_602 = tpu.memref_slice %arg5[%mul3A_596] : memref<28672xi32, #tpu.memory_space<vmem>> -> memref<50xi32, #tpu.memory_space<vmem>>
        %dma_start3A_603 = arith.constant 0 : i32
        %dma_start3A_604 = arith.constant 0 : i32
        %dma_start3A_605 = tpu.memref_slice %arg3[%dma_start3A_603, %dma_start3A_604] : memref<1000000x32xf32, #tpu.memory_space<hbm>> -> memref<1000000x32xf32, #tpu.memory_space<hbm>>
        tpu.enqueue_indirect_dma source(%dma_start3A_605 : memref<1000000x32xf32, #tpu.memory_space<hbm>>) target(%dma_start3A_601 : memref<50x32xf32, #tpu.memory_space<vmem>>) offsets(%dma_start3A_602 : memref<50xi32, #tpu.memory_space<vmem>>) semaphore(%arg8 : memref<!tpu.dma_semaphore, #tpu.memory_space<semaphore_mem>>)
        %mul3A_606 = arith.constant 16 : i32
        %mul3A_607 = arith.muli %add3A_545, %mul3A_606 : i32
        %add3A_608 = arith.constant 4 : i32
        %add3A_609 = arith.addi %mul3A_607, %add3A_608 : i32
        %mul3A_610 = arith.constant 56 : i32
        %mul3A_611 = arith.muli %add3A_609, %mul3A_610 : i32
        %dma_start3A_612 = arith.constant 4 : i32
        %dma_start3A_613 = arith.constant 0 : i32
        %dma_start3A_614 = arith.constant 0 : i32
        %dma_start3A_615 = tpu.memref_slice %arg6[%dma_start3A_612, %dma_start3A_613, %dma_start3A_614] : memref<16x50x32xf32, #tpu.memory_space<vmem>> -> memref<1x50x32xf32, #tpu.memory_space<vmem>>
        %dma_start3A_616 = tpu.memref_squeeze %dma_start3A_615 : memref<1x50x32xf32, #tpu.memory_space<vmem>> -> memref<50x32xf32, #tpu.memory_space<vmem>>
        %dma_start3A_617 = tpu.memref_slice %arg5[%mul3A_611] : memref<28672xi32, #tpu.memory_space<vmem>> -> memref<50xi32, #tpu.memory_space<vmem>>
        %dma_start3A_618 = arith.constant 0 : i32
        %dma_start3A_619 = arith.constant 0 : i32
        %dma_start3A_620 = tpu.memref_slice %arg3[%dma_start3A_618, %dma_start3A_619] : memref<1000000x32xf32, #tpu.memory_space<hbm>> -> memref<1000000x32xf32, #tpu.memory_space<hbm>>
        tpu.enqueue_indirect_dma source(%dma_start3A_620 : memref<1000000x32xf32, #tpu.memory_space<hbm>>) target(%dma_start3A_616 : memref<50x32xf32, #tpu.memory_space<vmem>>) offsets(%dma_start3A_617 : memref<50xi32, #tpu.memory_space<vmem>>) semaphore(%arg8 : memref<!tpu.dma_semaphore, #tpu.memory_space<semaphore_mem>>)
        %mul3A_621 = arith.constant 16 : i32
        %mul3A_622 = arith.muli %add3A_545, %mul3A_621 : i32
        %add3A_623 = arith.constant 5 : i32
        %add3A_624 = arith.addi %mul3A_622, %add3A_623 : i32
        %mul3A_625 = arith.constant 56 : i32
        %mul3A_626 = arith.muli %add3A_624, %mul3A_625 : i32
        %dma_start3A_627 = arith.constant 5 : i32
        %dma_start3A_628 = arith.constant 0 : i32
        %dma_start3A_629 = arith.constant 0 : i32
        %dma_start3A_630 = tpu.memref_slice %arg6[%dma_start3A_627, %dma_start3A_628, %dma_start3A_629] : memref<16x50x32xf32, #tpu.memory_space<vmem>> -> memref<1x50x32xf32, #tpu.memory_space<vmem>>
        %dma_start3A_631 = tpu.memref_squeeze %dma_start3A_630 : memref<1x50x32xf32, #tpu.memory_space<vmem>> -> memref<50x32xf32, #tpu.memory_space<vmem>>
        %dma_start3A_632 = tpu.memref_slice %arg5[%mul3A_626] : memref<28672xi32, #tpu.memory_space<vmem>> -> memref<50xi32, #tpu.memory_space<vmem>>
        %dma_start3A_633 = arith.constant 0 : i32
        %dma_start3A_634 = arith.constant 0 : i32
        %dma_start3A_635 = tpu.memref_slice %arg3[%dma_start3A_633, %dma_start3A_634] : memref<1000000x32xf32, #tpu.memory_space<hbm>> -> memref<1000000x32xf32, #tpu.memory_space<hbm>>
        tpu.enqueue_indirect_dma source(%dma_start3A_635 : memref<1000000x32xf32, #tpu.memory_space<hbm>>) target(%dma_start3A_631 : memref<50x32xf32, #tpu.memory_space<vmem>>) offsets(%dma_start3A_632 : memref<50xi32, #tpu.memory_space<vmem>>) semaphore(%arg8 : memref<!tpu.dma_semaphore, #tpu.memory_space<semaphore_mem>>)
        %mul3A_636 = arith.constant 16 : i32
        %mul3A_637 = arith.muli %add3A_545, %mul3A_636 : i32
        %add3A_638 = arith.constant 6 : i32
        %add3A_639 = arith.addi %mul3A_637, %add3A_638 : i32
        %mul3A_640 = arith.constant 56 : i32
        %mul3A_641 = arith.muli %add3A_639, %mul3A_640 : i32
        %dma_start3A_642 = arith.constant 6 : i32
        %dma_start3A_643 = arith.constant 0 : i32
        %dma_start3A_644 = arith.constant 0 : i32
        %dma_start3A_645 = tpu.memref_slice %arg6[%dma_start3A_642, %dma_start3A_643, %dma_start3A_644] : memref<16x50x32xf32, #tpu.memory_space<vmem>> -> memref<1x50x32xf32, #tpu.memory_space<vmem>>
        %dma_start3A_646 = tpu.memref_squeeze %dma_start3A_645 : memref<1x50x32xf32, #tpu.memory_space<vmem>> -> memref<50x32xf32, #tpu.memory_space<vmem>>
        %dma_start3A_647 = tpu.memref_slice %arg5[%mul3A_641] : memref<28672xi32, #tpu.memory_space<vmem>> -> memref<50xi32, #tpu.memory_space<vmem>>
        %dma_start3A_648 = arith.constant 0 : i32
        %dma_start3A_649 = arith.constant 0 : i32
        %dma_start3A_650 = tpu.memref_slice %arg3[%dma_start3A_648, %dma_start3A_649] : memref<1000000x32xf32, #tpu.memory_space<hbm>> -> memref<1000000x32xf32, #tpu.memory_space<hbm>>
        tpu.enqueue_indirect_dma source(%dma_start3A_650 : memref<1000000x32xf32, #tpu.memory_space<hbm>>) target(%dma_start3A_646 : memref<50x32xf32, #tpu.memory_space<vmem>>) offsets(%dma_start3A_647 : memref<50xi32, #tpu.memory_space<vmem>>) semaphore(%arg8 : memref<!tpu.dma_semaphore, #tpu.memory_space<semaphore_mem>>)
        %mul3A_651 = arith.constant 16 : i32
        %mul3A_652 = arith.muli %add3A_545, %mul3A_651 : i32
        %add3A_653 = arith.constant 7 : i32
        %add3A_654 = arith.addi %mul3A_652, %add3A_653 : i32
        %mul3A_655 = arith.constant 56 : i32
        %mul3A_656 = arith.muli %add3A_654, %mul3A_655 : i32
        %dma_start3A_657 = arith.constant 7 : i32
        %dma_start3A_658 = arith.constant 0 : i32
        %dma_start3A_659 = arith.constant 0 : i32
        %dma_start3A_660 = tpu.memref_slice %arg6[%dma_start3A_657, %dma_start3A_658, %dma_start3A_659] : memref<16x50x32xf32, #tpu.memory_space<vmem>> -> memref<1x50x32xf32, #tpu.memory_space<vmem>>
        %dma_start3A_661 = tpu.memref_squeeze %dma_start3A_660 : memref<1x50x32xf32, #tpu.memory_space<vmem>> -> memref<50x32xf32, #tpu.memory_space<vmem>>
        %dma_start3A_662 = tpu.memref_slice %arg5[%mul3A_656] : memref<28672xi32, #tpu.memory_space<vmem>> -> memref<50xi32, #tpu.memory_space<vmem>>
        %dma_start3A_663 = arith.constant 0 : i32
        %dma_start3A_664 = arith.constant 0 : i32
        %dma_start3A_665 = tpu.memref_slice %arg3[%dma_start3A_663, %dma_start3A_664] : memref<1000000x32xf32, #tpu.memory_space<hbm>> -> memref<1000000x32xf32, #tpu.memory_space<hbm>>
        tpu.enqueue_indirect_dma source(%dma_start3A_665 : memref<1000000x32xf32, #tpu.memory_space<hbm>>) target(%dma_start3A_661 : memref<50x32xf32, #tpu.memory_space<vmem>>) offsets(%dma_start3A_662 : memref<50xi32, #tpu.memory_space<vmem>>) semaphore(%arg8 : memref<!tpu.dma_semaphore, #tpu.memory_space<semaphore_mem>>)
        %mul3A_666 = arith.constant 16 : i32
        %mul3A_667 = arith.muli %add3A_545, %mul3A_666 : i32
        %add3A_668 = arith.constant 8 : i32
        %add3A_669 = arith.addi %mul3A_667, %add3A_668 : i32
        %mul3A_670 = arith.constant 56 : i32
        %mul3A_671 = arith.muli %add3A_669, %mul3A_670 : i32
        %dma_start3A_672 = arith.constant 8 : i32
        %dma_start3A_673 = arith.constant 0 : i32
        %dma_start3A_674 = arith.constant 0 : i32
        %dma_start3A_675 = tpu.memref_slice %arg6[%dma_start3A_672, %dma_start3A_673, %dma_start3A_674] : memref<16x50x32xf32, #tpu.memory_space<vmem>> -> memref<1x50x32xf32, #tpu.memory_space<vmem>>
        %dma_start3A_676 = tpu.memref_squeeze %dma_start3A_675 : memref<1x50x32xf32, #tpu.memory_space<vmem>> -> memref<50x32xf32, #tpu.memory_space<vmem>>
        %dma_start3A_677 = tpu.memref_slice %arg5[%mul3A_671] : memref<28672xi32, #tpu.memory_space<vmem>> -> memref<50xi32, #tpu.memory_space<vmem>>
        %dma_start3A_678 = arith.constant 0 : i32
        %dma_start3A_679 = arith.constant 0 : i32
        %dma_start3A_680 = tpu.memref_slice %arg3[%dma_start3A_678, %dma_start3A_679] : memref<1000000x32xf32, #tpu.memory_space<hbm>> -> memref<1000000x32xf32, #tpu.memory_space<hbm>>
        tpu.enqueue_indirect_dma source(%dma_start3A_680 : memref<1000000x32xf32, #tpu.memory_space<hbm>>) target(%dma_start3A_676 : memref<50x32xf32, #tpu.memory_space<vmem>>) offsets(%dma_start3A_677 : memref<50xi32, #tpu.memory_space<vmem>>) semaphore(%arg8 : memref<!tpu.dma_semaphore, #tpu.memory_space<semaphore_mem>>)
        %mul3A_681 = arith.constant 16 : i32
        %mul3A_682 = arith.muli %add3A_545, %mul3A_681 : i32
        %add3A_683 = arith.constant 9 : i32
        %add3A_684 = arith.addi %mul3A_682, %add3A_683 : i32
        %mul3A_685 = arith.constant 56 : i32
        %mul3A_686 = arith.muli %add3A_684, %mul3A_685 : i32
        %dma_start3A_687 = arith.constant 9 : i32
        %dma_start3A_688 = arith.constant 0 : i32
        %dma_start3A_689 = arith.constant 0 : i32
        %dma_start3A_690 = tpu.memref_slice %arg6[%dma_start3A_687, %dma_start3A_688, %dma_start3A_689] : memref<16x50x32xf32, #tpu.memory_space<vmem>> -> memref<1x50x32xf32, #tpu.memory_space<vmem>>
        %dma_start3A_691 = tpu.memref_squeeze %dma_start3A_690 : memref<1x50x32xf32, #tpu.memory_space<vmem>> -> memref<50x32xf32, #tpu.memory_space<vmem>>
        %dma_start3A_692 = tpu.memref_slice %arg5[%mul3A_686] : memref<28672xi32, #tpu.memory_space<vmem>> -> memref<50xi32, #tpu.memory_space<vmem>>
        %dma_start3A_693 = arith.constant 0 : i32
        %dma_start3A_694 = arith.constant 0 : i32
        %dma_start3A_695 = tpu.memref_slice %arg3[%dma_start3A_693, %dma_start3A_694] : memref<1000000x32xf32, #tpu.memory_space<hbm>> -> memref<1000000x32xf32, #tpu.memory_space<hbm>>
        tpu.enqueue_indirect_dma source(%dma_start3A_695 : memref<1000000x32xf32, #tpu.memory_space<hbm>>) target(%dma_start3A_691 : memref<50x32xf32, #tpu.memory_space<vmem>>) offsets(%dma_start3A_692 : memref<50xi32, #tpu.memory_space<vmem>>) semaphore(%arg8 : memref<!tpu.dma_semaphore, #tpu.memory_space<semaphore_mem>>)
        %mul3A_696 = arith.constant 16 : i32
        %mul3A_697 = arith.muli %add3A_545, %mul3A_696 : i32
        %add3A_698 = arith.constant 10 : i32
        %add3A_699 = arith.addi %mul3A_697, %add3A_698 : i32
        %mul3A_700 = arith.constant 56 : i32
        %mul3A_701 = arith.muli %add3A_699, %mul3A_700 : i32
        %dma_start3A_702 = arith.constant 10 : i32
        %dma_start3A_703 = arith.constant 0 : i32
        %dma_start3A_704 = arith.constant 0 : i32
        %dma_start3A_705 = tpu.memref_slice %arg6[%dma_start3A_702, %dma_start3A_703, %dma_start3A_704] : memref<16x50x32xf32, #tpu.memory_space<vmem>> -> memref<1x50x32xf32, #tpu.memory_space<vmem>>
        %dma_start3A_706 = tpu.memref_squeeze %dma_start3A_705 : memref<1x50x32xf32, #tpu.memory_space<vmem>> -> memref<50x32xf32, #tpu.memory_space<vmem>>
        %dma_start3A_707 = tpu.memref_slice %arg5[%mul3A_701] : memref<28672xi32, #tpu.memory_space<vmem>> -> memref<50xi32, #tpu.memory_space<vmem>>
        %dma_start3A_708 = arith.constant 0 : i32
        %dma_start3A_709 = arith.constant 0 : i32
        %dma_start3A_710 = tpu.memref_slice %arg3[%dma_start3A_708, %dma_start3A_709] : memref<1000000x32xf32, #tpu.memory_space<hbm>> -> memref<1000000x32xf32, #tpu.memory_space<hbm>>
        tpu.enqueue_indirect_dma source(%dma_start3A_710 : memref<1000000x32xf32, #tpu.memory_space<hbm>>) target(%dma_start3A_706 : memref<50x32xf32, #tpu.memory_space<vmem>>) offsets(%dma_start3A_707 : memref<50xi32, #tpu.memory_space<vmem>>) semaphore(%arg8 : memref<!tpu.dma_semaphore, #tpu.memory_space<semaphore_mem>>)
        %mul3A_711 = arith.constant 16 : i32
        %mul3A_712 = arith.muli %add3A_545, %mul3A_711 : i32
        %add3A_713 = arith.constant 11 : i32
        %add3A_714 = arith.addi %mul3A_712, %add3A_713 : i32
        %mul3A_715 = arith.constant 56 : i32
        %mul3A_716 = arith.muli %add3A_714, %mul3A_715 : i32
        %dma_start3A_717 = arith.constant 11 : i32
        %dma_start3A_718 = arith.constant 0 : i32
        %dma_start3A_719 = arith.constant 0 : i32
        %dma_start3A_720 = tpu.memref_slice %arg6[%dma_start3A_717, %dma_start3A_718, %dma_start3A_719] : memref<16x50x32xf32, #tpu.memory_space<vmem>> -> memref<1x50x32xf32, #tpu.memory_space<vmem>>
        %dma_start3A_721 = tpu.memref_squeeze %dma_start3A_720 : memref<1x50x32xf32, #tpu.memory_space<vmem>> -> memref<50x32xf32, #tpu.memory_space<vmem>>
        %dma_start3A_722 = tpu.memref_slice %arg5[%mul3A_716] : memref<28672xi32, #tpu.memory_space<vmem>> -> memref<50xi32, #tpu.memory_space<vmem>>
        %dma_start3A_723 = arith.constant 0 : i32
        %dma_start3A_724 = arith.constant 0 : i32
        %dma_start3A_725 = tpu.memref_slice %arg3[%dma_start3A_723, %dma_start3A_724] : memref<1000000x32xf32, #tpu.memory_space<hbm>> -> memref<1000000x32xf32, #tpu.memory_space<hbm>>
        tpu.enqueue_indirect_dma source(%dma_start3A_725 : memref<1000000x32xf32, #tpu.memory_space<hbm>>) target(%dma_start3A_721 : memref<50x32xf32, #tpu.memory_space<vmem>>) offsets(%dma_start3A_722 : memref<50xi32, #tpu.memory_space<vmem>>) semaphore(%arg8 : memref<!tpu.dma_semaphore, #tpu.memory_space<semaphore_mem>>)
        %mul3A_726 = arith.constant 16 : i32
        %mul3A_727 = arith.muli %add3A_545, %mul3A_726 : i32
        %add3A_728 = arith.constant 12 : i32
        %add3A_729 = arith.addi %mul3A_727, %add3A_728 : i32
        %mul3A_730 = arith.constant 56 : i32
        %mul3A_731 = arith.muli %add3A_729, %mul3A_730 : i32
        %dma_start3A_732 = arith.constant 12 : i32
        %dma_start3A_733 = arith.constant 0 : i32
        %dma_start3A_734 = arith.constant 0 : i32
        %dma_start3A_735 = tpu.memref_slice %arg6[%dma_start3A_732, %dma_start3A_733, %dma_start3A_734] : memref<16x50x32xf32, #tpu.memory_space<vmem>> -> memref<1x50x32xf32, #tpu.memory_space<vmem>>
        %dma_start3A_736 = tpu.memref_squeeze %dma_start3A_735 : memref<1x50x32xf32, #tpu.memory_space<vmem>> -> memref<50x32xf32, #tpu.memory_space<vmem>>
        %dma_start3A_737 = tpu.memref_slice %arg5[%mul3A_731] : memref<28672xi32, #tpu.memory_space<vmem>> -> memref<50xi32, #tpu.memory_space<vmem>>
        %dma_start3A_738 = arith.constant 0 : i32
        %dma_start3A_739 = arith.constant 0 : i32
        %dma_start3A_740 = tpu.memref_slice %arg3[%dma_start3A_738, %dma_start3A_739] : memref<1000000x32xf32, #tpu.memory_space<hbm>> -> memref<1000000x32xf32, #tpu.memory_space<hbm>>
        tpu.enqueue_indirect_dma source(%dma_start3A_740 : memref<1000000x32xf32, #tpu.memory_space<hbm>>) target(%dma_start3A_736 : memref<50x32xf32, #tpu.memory_space<vmem>>) offsets(%dma_start3A_737 : memref<50xi32, #tpu.memory_space<vmem>>) semaphore(%arg8 : memref<!tpu.dma_semaphore, #tpu.memory_space<semaphore_mem>>)
        %mul3A_741 = arith.constant 16 : i32
        %mul3A_742 = arith.muli %add3A_545, %mul3A_741 : i32
        %add3A_743 = arith.constant 13 : i32
        %add3A_744 = arith.addi %mul3A_742, %add3A_743 : i32
        %mul3A_745 = arith.constant 56 : i32
        %mul3A_746 = arith.muli %add3A_744, %mul3A_745 : i32
        %dma_start3A_747 = arith.constant 13 : i32
        %dma_start3A_748 = arith.constant 0 : i32
        %dma_start3A_749 = arith.constant 0 : i32
        %dma_start3A_750 = tpu.memref_slice %arg6[%dma_start3A_747, %dma_start3A_748, %dma_start3A_749] : memref<16x50x32xf32, #tpu.memory_space<vmem>> -> memref<1x50x32xf32, #tpu.memory_space<vmem>>
        %dma_start3A_751 = tpu.memref_squeeze %dma_start3A_750 : memref<1x50x32xf32, #tpu.memory_space<vmem>> -> memref<50x32xf32, #tpu.memory_space<vmem>>
        %dma_start3A_752 = tpu.memref_slice %arg5[%mul3A_746] : memref<28672xi32, #tpu.memory_space<vmem>> -> memref<50xi32, #tpu.memory_space<vmem>>
        %dma_start3A_753 = arith.constant 0 : i32
        %dma_start3A_754 = arith.constant 0 : i32
        %dma_start3A_755 = tpu.memref_slice %arg3[%dma_start3A_753, %dma_start3A_754] : memref<1000000x32xf32, #tpu.memory_space<hbm>> -> memref<1000000x32xf32, #tpu.memory_space<hbm>>
        tpu.enqueue_indirect_dma source(%dma_start3A_755 : memref<1000000x32xf32, #tpu.memory_space<hbm>>) target(%dma_start3A_751 : memref<50x32xf32, #tpu.memory_space<vmem>>) offsets(%dma_start3A_752 : memref<50xi32, #tpu.memory_space<vmem>>) semaphore(%arg8 : memref<!tpu.dma_semaphore, #tpu.memory_space<semaphore_mem>>)
        %mul3A_756 = arith.constant 16 : i32
        %mul3A_757 = arith.muli %add3A_545, %mul3A_756 : i32
        %add3A_758 = arith.constant 14 : i32
        %add3A_759 = arith.addi %mul3A_757, %add3A_758 : i32
        %mul3A_760 = arith.constant 56 : i32
        %mul3A_761 = arith.muli %add3A_759, %mul3A_760 : i32
        %dma_start3A_762 = arith.constant 14 : i32
        %dma_start3A_763 = arith.constant 0 : i32
        %dma_start3A_764 = arith.constant 0 : i32
        %dma_start3A_765 = tpu.memref_slice %arg6[%dma_start3A_762, %dma_start3A_763, %dma_start3A_764] : memref<16x50x32xf32, #tpu.memory_space<vmem>> -> memref<1x50x32xf32, #tpu.memory_space<vmem>>
        %dma_start3A_766 = tpu.memref_squeeze %dma_start3A_765 : memref<1x50x32xf32, #tpu.memory_space<vmem>> -> memref<50x32xf32, #tpu.memory_space<vmem>>
        %dma_start3A_767 = tpu.memref_slice %arg5[%mul3A_761] : memref<28672xi32, #tpu.memory_space<vmem>> -> memref<50xi32, #tpu.memory_space<vmem>>
        %dma_start3A_768 = arith.constant 0 : i32
        %dma_start3A_769 = arith.constant 0 : i32
        %dma_start3A_770 = tpu.memref_slice %arg3[%dma_start3A_768, %dma_start3A_769] : memref<1000000x32xf32, #tpu.memory_space<hbm>> -> memref<1000000x32xf32, #tpu.memory_space<hbm>>
        tpu.enqueue_indirect_dma source(%dma_start3A_770 : memref<1000000x32xf32, #tpu.memory_space<hbm>>) target(%dma_start3A_766 : memref<50x32xf32, #tpu.memory_space<vmem>>) offsets(%dma_start3A_767 : memref<50xi32, #tpu.memory_space<vmem>>) semaphore(%arg8 : memref<!tpu.dma_semaphore, #tpu.memory_space<semaphore_mem>>)
        %mul3A_771 = arith.constant 16 : i32
        %mul3A_772 = arith.muli %add3A_545, %mul3A_771 : i32
        %add3A_773 = arith.constant 15 : i32
        %add3A_774 = arith.addi %mul3A_772, %add3A_773 : i32
        %mul3A_775 = arith.constant 56 : i32
        %mul3A_776 = arith.muli %add3A_774, %mul3A_775 : i32
        %dma_start3A_777 = arith.constant 15 : i32
        %dma_start3A_778 = arith.constant 0 : i32
        %dma_start3A_779 = arith.constant 0 : i32
        %dma_start3A_780 = tpu.memref_slice %arg6[%dma_start3A_777, %dma_start3A_778, %dma_start3A_779] : memref<16x50x32xf32, #tpu.memory_space<vmem>> -> memref<1x50x32xf32, #tpu.memory_space<vmem>>
        %dma_start3A_781 = tpu.memref_squeeze %dma_start3A_780 : memref<1x50x32xf32, #tpu.memory_space<vmem>> -> memref<50x32xf32, #tpu.memory_space<vmem>>
        %dma_start3A_782 = tpu.memref_slice %arg5[%mul3A_776] : memref<28672xi32, #tpu.memory_space<vmem>> -> memref<50xi32, #tpu.memory_space<vmem>>
        %dma_start3A_783 = arith.constant 0 : i32
        %dma_start3A_784 = arith.constant 0 : i32
        %dma_start3A_785 = tpu.memref_slice %arg3[%dma_start3A_783, %dma_start3A_784] : memref<1000000x32xf32, #tpu.memory_space<hbm>> -> memref<1000000x32xf32, #tpu.memory_space<hbm>>
        tpu.enqueue_indirect_dma source(%dma_start3A_785 : memref<1000000x32xf32, #tpu.memory_space<hbm>>) target(%dma_start3A_781 : memref<50x32xf32, #tpu.memory_space<vmem>>) offsets(%dma_start3A_782 : memref<50xi32, #tpu.memory_space<vmem>>) semaphore(%arg8 : memref<!tpu.dma_semaphore, #tpu.memory_space<semaphore_mem>>)
      } else {
      }
      %dma_wait3A_371 = arith.constant 0 : i32
      %dma_wait3A_372 = arith.constant 0 : i32
      %dma_wait3A_373 = arith.constant 0 : i32
      %dma_wait3A_374 = tpu.memref_slice %arg7[%dma_wait3A_371, %dma_wait3A_372, %dma_wait3A_373] : memref<16x50x32xf32, #tpu.memory_space<vmem>> -> memref<1x50x32xf32, #tpu.memory_space<vmem>>
      %dma_wait3A_375 = tpu.memref_squeeze %dma_wait3A_374 : memref<1x50x32xf32, #tpu.memory_space<vmem>> -> memref<50x32xf32, #tpu.memory_space<vmem>>
      %dma_wait3A_376 = arith.constant 0 : i32
      %dma_wait3A_377 = tpu.memref_slice %arg5[%dma_wait3A_376] : memref<28672xi32, #tpu.memory_space<vmem>> -> memref<50xi32, #tpu.memory_space<vmem>>
      %dma_wait3A_378 = arith.constant 0 : i32
      %dma_wait3A_379 = arith.constant 0 : i32
      %dma_wait3A_380 = tpu.memref_slice %arg3[%dma_wait3A_378, %dma_wait3A_379] : memref<1000000x32xf32, #tpu.memory_space<hbm>> -> memref<1000000x32xf32, #tpu.memory_space<hbm>>
      tpu.wait_indirect_dma semaphore(%arg9 : memref<!tpu.dma_semaphore, #tpu.memory_space<semaphore_mem>>) src(%dma_wait3A_380 : memref<1000000x32xf32, #tpu.memory_space<hbm>>) dst(%dma_wait3A_375 : memref<50x32xf32, #tpu.memory_space<vmem>>)
      %dma_wait3A_381 = arith.constant 1 : i32
      %dma_wait3A_382 = arith.constant 0 : i32
      %dma_wait3A_383 = arith.constant 0 : i32
      %dma_wait3A_384 = tpu.memref_slice %arg7[%dma_wait3A_381, %dma_wait3A_382, %dma_wait3A_383] : memref<16x50x32xf32, #tpu.memory_space<vmem>> -> memref<1x50x32xf32, #tpu.memory_space<vmem>>
      %dma_wait3A_385 = tpu.memref_squeeze %dma_wait3A_384 : memref<1x50x32xf32, #tpu.memory_space<vmem>> -> memref<50x32xf32, #tpu.memory_space<vmem>>
      %dma_wait3A_386 = arith.constant 0 : i32
      %dma_wait3A_387 = tpu.memref_slice %arg5[%dma_wait3A_386] : memref<28672xi32, #tpu.memory_space<vmem>> -> memref<50xi32, #tpu.memory_space<vmem>>
      %dma_wait3A_388 = arith.constant 0 : i32
      %dma_wait3A_389 = arith.constant 0 : i32
      %dma_wait3A_390 = tpu.memref_slice %arg3[%dma_wait3A_388, %dma_wait3A_389] : memref<1000000x32xf32, #tpu.memory_space<hbm>> -> memref<1000000x32xf32, #tpu.memory_space<hbm>>
      tpu.wait_indirect_dma semaphore(%arg9 : memref<!tpu.dma_semaphore, #tpu.memory_space<semaphore_mem>>) src(%dma_wait3A_390 : memref<1000000x32xf32, #tpu.memory_space<hbm>>) dst(%dma_wait3A_385 : memref<50x32xf32, #tpu.memory_space<vmem>>)
      %dma_wait3A_391 = arith.constant 2 : i32
      %dma_wait3A_392 = arith.constant 0 : i32
      %dma_wait3A_393 = arith.constant 0 : i32
      %dma_wait3A_394 = tpu.memref_slice %arg7[%dma_wait3A_391, %dma_wait3A_392, %dma_wait3A_393] : memref<16x50x32xf32, #tpu.memory_space<vmem>> -> memref<1x50x32xf32, #tpu.memory_space<vmem>>
      %dma_wait3A_395 = tpu.memref_squeeze %dma_wait3A_394 : memref<1x50x32xf32, #tpu.memory_space<vmem>> -> memref<50x32xf32, #tpu.memory_space<vmem>>
      %dma_wait3A_396 = arith.constant 0 : i32
      %dma_wait3A_397 = tpu.memref_slice %arg5[%dma_wait3A_396] : memref<28672xi32, #tpu.memory_space<vmem>> -> memref<50xi32, #tpu.memory_space<vmem>>
      %dma_wait3A_398 = arith.constant 0 : i32
      %dma_wait3A_399 = arith.constant 0 : i32
      %dma_wait3A_400 = tpu.memref_slice %arg3[%dma_wait3A_398, %dma_wait3A_399] : memref<1000000x32xf32, #tpu.memory_space<hbm>> -> memref<1000000x32xf32, #tpu.memory_space<hbm>>
      tpu.wait_indirect_dma semaphore(%arg9 : memref<!tpu.dma_semaphore, #tpu.memory_space<semaphore_mem>>) src(%dma_wait3A_400 : memref<1000000x32xf32, #tpu.memory_space<hbm>>) dst(%dma_wait3A_395 : memref<50x32xf32, #tpu.memory_space<vmem>>)
      %dma_wait3A_401 = arith.constant 3 : i32
      %dma_wait3A_402 = arith.constant 0 : i32
      %dma_wait3A_403 = arith.constant 0 : i32
      %dma_wait3A_404 = tpu.memref_slice %arg7[%dma_wait3A_401, %dma_wait3A_402, %dma_wait3A_403] : memref<16x50x32xf32, #tpu.memory_space<vmem>> -> memref<1x50x32xf32, #tpu.memory_space<vmem>>
      %dma_wait3A_405 = tpu.memref_squeeze %dma_wait3A_404 : memref<1x50x32xf32, #tpu.memory_space<vmem>> -> memref<50x32xf32, #tpu.memory_space<vmem>>
      %dma_wait3A_406 = arith.constant 0 : i32
      %dma_wait3A_407 = tpu.memref_slice %arg5[%dma_wait3A_406] : memref<28672xi32, #tpu.memory_space<vmem>> -> memref<50xi32, #tpu.memory_space<vmem>>
      %dma_wait3A_408 = arith.constant 0 : i32
      %dma_wait3A_409 = arith.constant 0 : i32
      %dma_wait3A_410 = tpu.memref_slice %arg3[%dma_wait3A_408, %dma_wait3A_409] : memref<1000000x32xf32, #tpu.memory_space<hbm>> -> memref<1000000x32xf32, #tpu.memory_space<hbm>>
      tpu.wait_indirect_dma semaphore(%arg9 : memref<!tpu.dma_semaphore, #tpu.memory_space<semaphore_mem>>) src(%dma_wait3A_410 : memref<1000000x32xf32, #tpu.memory_space<hbm>>) dst(%dma_wait3A_405 : memref<50x32xf32, #tpu.memory_space<vmem>>)
      %dma_wait3A_411 = arith.constant 4 : i32
      %dma_wait3A_412 = arith.constant 0 : i32
      %dma_wait3A_413 = arith.constant 0 : i32
      %dma_wait3A_414 = tpu.memref_slice %arg7[%dma_wait3A_411, %dma_wait3A_412, %dma_wait3A_413] : memref<16x50x32xf32, #tpu.memory_space<vmem>> -> memref<1x50x32xf32, #tpu.memory_space<vmem>>
      %dma_wait3A_415 = tpu.memref_squeeze %dma_wait3A_414 : memref<1x50x32xf32, #tpu.memory_space<vmem>> -> memref<50x32xf32, #tpu.memory_space<vmem>>
      %dma_wait3A_416 = arith.constant 0 : i32
      %dma_wait3A_417 = tpu.memref_slice %arg5[%dma_wait3A_416] : memref<28672xi32, #tpu.memory_space<vmem>> -> memref<50xi32, #tpu.memory_space<vmem>>
      %dma_wait3A_418 = arith.constant 0 : i32
      %dma_wait3A_419 = arith.constant 0 : i32
      %dma_wait3A_420 = tpu.memref_slice %arg3[%dma_wait3A_418, %dma_wait3A_419] : memref<1000000x32xf32, #tpu.memory_space<hbm>> -> memref<1000000x32xf32, #tpu.memory_space<hbm>>
      tpu.wait_indirect_dma semaphore(%arg9 : memref<!tpu.dma_semaphore, #tpu.memory_space<semaphore_mem>>) src(%dma_wait3A_420 : memref<1000000x32xf32, #tpu.memory_space<hbm>>) dst(%dma_wait3A_415 : memref<50x32xf32, #tpu.memory_space<vmem>>)
      %dma_wait3A_421 = arith.constant 5 : i32
      %dma_wait3A_422 = arith.constant 0 : i32
      %dma_wait3A_423 = arith.constant 0 : i32
      %dma_wait3A_424 = tpu.memref_slice %arg7[%dma_wait3A_421, %dma_wait3A_422, %dma_wait3A_423] : memref<16x50x32xf32, #tpu.memory_space<vmem>> -> memref<1x50x32xf32, #tpu.memory_space<vmem>>
      %dma_wait3A_425 = tpu.memref_squeeze %dma_wait3A_424 : memref<1x50x32xf32, #tpu.memory_space<vmem>> -> memref<50x32xf32, #tpu.memory_space<vmem>>
      %dma_wait3A_426 = arith.constant 0 : i32
      %dma_wait3A_427 = tpu.memref_slice %arg5[%dma_wait3A_426] : memref<28672xi32, #tpu.memory_space<vmem>> -> memref<50xi32, #tpu.memory_space<vmem>>
      %dma_wait3A_428 = arith.constant 0 : i32
      %dma_wait3A_429 = arith.constant 0 : i32
      %dma_wait3A_430 = tpu.memref_slice %arg3[%dma_wait3A_428, %dma_wait3A_429] : memref<1000000x32xf32, #tpu.memory_space<hbm>> -> memref<1000000x32xf32, #tpu.memory_space<hbm>>
      tpu.wait_indirect_dma semaphore(%arg9 : memref<!tpu.dma_semaphore, #tpu.memory_space<semaphore_mem>>) src(%dma_wait3A_430 : memref<1000000x32xf32, #tpu.memory_space<hbm>>) dst(%dma_wait3A_425 : memref<50x32xf32, #tpu.memory_space<vmem>>)
      %dma_wait3A_431 = arith.constant 6 : i32
      %dma_wait3A_432 = arith.constant 0 : i32
      %dma_wait3A_433 = arith.constant 0 : i32
      %dma_wait3A_434 = tpu.memref_slice %arg7[%dma_wait3A_431, %dma_wait3A_432, %dma_wait3A_433] : memref<16x50x32xf32, #tpu.memory_space<vmem>> -> memref<1x50x32xf32, #tpu.memory_space<vmem>>
      %dma_wait3A_435 = tpu.memref_squeeze %dma_wait3A_434 : memref<1x50x32xf32, #tpu.memory_space<vmem>> -> memref<50x32xf32, #tpu.memory_space<vmem>>
      %dma_wait3A_436 = arith.constant 0 : i32
      %dma_wait3A_437 = tpu.memref_slice %arg5[%dma_wait3A_436] : memref<28672xi32, #tpu.memory_space<vmem>> -> memref<50xi32, #tpu.memory_space<vmem>>
      %dma_wait3A_438 = arith.constant 0 : i32
      %dma_wait3A_439 = arith.constant 0 : i32
      %dma_wait3A_440 = tpu.memref_slice %arg3[%dma_wait3A_438, %dma_wait3A_439] : memref<1000000x32xf32, #tpu.memory_space<hbm>> -> memref<1000000x32xf32, #tpu.memory_space<hbm>>
      tpu.wait_indirect_dma semaphore(%arg9 : memref<!tpu.dma_semaphore, #tpu.memory_space<semaphore_mem>>) src(%dma_wait3A_440 : memref<1000000x32xf32, #tpu.memory_space<hbm>>) dst(%dma_wait3A_435 : memref<50x32xf32, #tpu.memory_space<vmem>>)
      %dma_wait3A_441 = arith.constant 7 : i32
      %dma_wait3A_442 = arith.constant 0 : i32
      %dma_wait3A_443 = arith.constant 0 : i32
      %dma_wait3A_444 = tpu.memref_slice %arg7[%dma_wait3A_441, %dma_wait3A_442, %dma_wait3A_443] : memref<16x50x32xf32, #tpu.memory_space<vmem>> -> memref<1x50x32xf32, #tpu.memory_space<vmem>>
      %dma_wait3A_445 = tpu.memref_squeeze %dma_wait3A_444 : memref<1x50x32xf32, #tpu.memory_space<vmem>> -> memref<50x32xf32, #tpu.memory_space<vmem>>
      %dma_wait3A_446 = arith.constant 0 : i32
      %dma_wait3A_447 = tpu.memref_slice %arg5[%dma_wait3A_446] : memref<28672xi32, #tpu.memory_space<vmem>> -> memref<50xi32, #tpu.memory_space<vmem>>
      %dma_wait3A_448 = arith.constant 0 : i32
      %dma_wait3A_449 = arith.constant 0 : i32
      %dma_wait3A_450 = tpu.memref_slice %arg3[%dma_wait3A_448, %dma_wait3A_449] : memref<1000000x32xf32, #tpu.memory_space<hbm>> -> memref<1000000x32xf32, #tpu.memory_space<hbm>>
      tpu.wait_indirect_dma semaphore(%arg9 : memref<!tpu.dma_semaphore, #tpu.memory_space<semaphore_mem>>) src(%dma_wait3A_450 : memref<1000000x32xf32, #tpu.memory_space<hbm>>) dst(%dma_wait3A_445 : memref<50x32xf32, #tpu.memory_space<vmem>>)
      %dma_wait3A_451 = arith.constant 8 : i32
      %dma_wait3A_452 = arith.constant 0 : i32
      %dma_wait3A_453 = arith.constant 0 : i32
      %dma_wait3A_454 = tpu.memref_slice %arg7[%dma_wait3A_451, %dma_wait3A_452, %dma_wait3A_453] : memref<16x50x32xf32, #tpu.memory_space<vmem>> -> memref<1x50x32xf32, #tpu.memory_space<vmem>>
      %dma_wait3A_455 = tpu.memref_squeeze %dma_wait3A_454 : memref<1x50x32xf32, #tpu.memory_space<vmem>> -> memref<50x32xf32, #tpu.memory_space<vmem>>
      %dma_wait3A_456 = arith.constant 0 : i32
      %dma_wait3A_457 = tpu.memref_slice %arg5[%dma_wait3A_456] : memref<28672xi32, #tpu.memory_space<vmem>> -> memref<50xi32, #tpu.memory_space<vmem>>
      %dma_wait3A_458 = arith.constant 0 : i32
      %dma_wait3A_459 = arith.constant 0 : i32
      %dma_wait3A_460 = tpu.memref_slice %arg3[%dma_wait3A_458, %dma_wait3A_459] : memref<1000000x32xf32, #tpu.memory_space<hbm>> -> memref<1000000x32xf32, #tpu.memory_space<hbm>>
      tpu.wait_indirect_dma semaphore(%arg9 : memref<!tpu.dma_semaphore, #tpu.memory_space<semaphore_mem>>) src(%dma_wait3A_460 : memref<1000000x32xf32, #tpu.memory_space<hbm>>) dst(%dma_wait3A_455 : memref<50x32xf32, #tpu.memory_space<vmem>>)
      %dma_wait3A_461 = arith.constant 9 : i32
      %dma_wait3A_462 = arith.constant 0 : i32
      %dma_wait3A_463 = arith.constant 0 : i32
      %dma_wait3A_464 = tpu.memref_slice %arg7[%dma_wait3A_461, %dma_wait3A_462, %dma_wait3A_463] : memref<16x50x32xf32, #tpu.memory_space<vmem>> -> memref<1x50x32xf32, #tpu.memory_space<vmem>>
      %dma_wait3A_465 = tpu.memref_squeeze %dma_wait3A_464 : memref<1x50x32xf32, #tpu.memory_space<vmem>> -> memref<50x32xf32, #tpu.memory_space<vmem>>
      %dma_wait3A_466 = arith.constant 0 : i32
      %dma_wait3A_467 = tpu.memref_slice %arg5[%dma_wait3A_466] : memref<28672xi32, #tpu.memory_space<vmem>> -> memref<50xi32, #tpu.memory_space<vmem>>
      %dma_wait3A_468 = arith.constant 0 : i32
      %dma_wait3A_469 = arith.constant 0 : i32
      %dma_wait3A_470 = tpu.memref_slice %arg3[%dma_wait3A_468, %dma_wait3A_469] : memref<1000000x32xf32, #tpu.memory_space<hbm>> -> memref<1000000x32xf32, #tpu.memory_space<hbm>>
      tpu.wait_indirect_dma semaphore(%arg9 : memref<!tpu.dma_semaphore, #tpu.memory_space<semaphore_mem>>) src(%dma_wait3A_470 : memref<1000000x32xf32, #tpu.memory_space<hbm>>) dst(%dma_wait3A_465 : memref<50x32xf32, #tpu.memory_space<vmem>>)
      %dma_wait3A_471 = arith.constant 10 : i32
      %dma_wait3A_472 = arith.constant 0 : i32
      %dma_wait3A_473 = arith.constant 0 : i32
      %dma_wait3A_474 = tpu.memref_slice %arg7[%dma_wait3A_471, %dma_wait3A_472, %dma_wait3A_473] : memref<16x50x32xf32, #tpu.memory_space<vmem>> -> memref<1x50x32xf32, #tpu.memory_space<vmem>>
      %dma_wait3A_475 = tpu.memref_squeeze %dma_wait3A_474 : memref<1x50x32xf32, #tpu.memory_space<vmem>> -> memref<50x32xf32, #tpu.memory_space<vmem>>
      %dma_wait3A_476 = arith.constant 0 : i32
      %dma_wait3A_477 = tpu.memref_slice %arg5[%dma_wait3A_476] : memref<28672xi32, #tpu.memory_space<vmem>> -> memref<50xi32, #tpu.memory_space<vmem>>
      %dma_wait3A_478 = arith.constant 0 : i32
      %dma_wait3A_479 = arith.constant 0 : i32
      %dma_wait3A_480 = tpu.memref_slice %arg3[%dma_wait3A_478, %dma_wait3A_479] : memref<1000000x32xf32, #tpu.memory_space<hbm>> -> memref<1000000x32xf32, #tpu.memory_space<hbm>>
      tpu.wait_indirect_dma semaphore(%arg9 : memref<!tpu.dma_semaphore, #tpu.memory_space<semaphore_mem>>) src(%dma_wait3A_480 : memref<1000000x32xf32, #tpu.memory_space<hbm>>) dst(%dma_wait3A_475 : memref<50x32xf32, #tpu.memory_space<vmem>>)
      %dma_wait3A_481 = arith.constant 11 : i32
      %dma_wait3A_482 = arith.constant 0 : i32
      %dma_wait3A_483 = arith.constant 0 : i32
      %dma_wait3A_484 = tpu.memref_slice %arg7[%dma_wait3A_481, %dma_wait3A_482, %dma_wait3A_483] : memref<16x50x32xf32, #tpu.memory_space<vmem>> -> memref<1x50x32xf32, #tpu.memory_space<vmem>>
      %dma_wait3A_485 = tpu.memref_squeeze %dma_wait3A_484 : memref<1x50x32xf32, #tpu.memory_space<vmem>> -> memref<50x32xf32, #tpu.memory_space<vmem>>
      %dma_wait3A_486 = arith.constant 0 : i32
      %dma_wait3A_487 = tpu.memref_slice %arg5[%dma_wait3A_486] : memref<28672xi32, #tpu.memory_space<vmem>> -> memref<50xi32, #tpu.memory_space<vmem>>
      %dma_wait3A_488 = arith.constant 0 : i32
      %dma_wait3A_489 = arith.constant 0 : i32
      %dma_wait3A_490 = tpu.memref_slice %arg3[%dma_wait3A_488, %dma_wait3A_489] : memref<1000000x32xf32, #tpu.memory_space<hbm>> -> memref<1000000x32xf32, #tpu.memory_space<hbm>>
      tpu.wait_indirect_dma semaphore(%arg9 : memref<!tpu.dma_semaphore, #tpu.memory_space<semaphore_mem>>) src(%dma_wait3A_490 : memref<1000000x32xf32, #tpu.memory_space<hbm>>) dst(%dma_wait3A_485 : memref<50x32xf32, #tpu.memory_space<vmem>>)
      %dma_wait3A_491 = arith.constant 12 : i32
      %dma_wait3A_492 = arith.constant 0 : i32
      %dma_wait3A_493 = arith.constant 0 : i32
      %dma_wait3A_494 = tpu.memref_slice %arg7[%dma_wait3A_491, %dma_wait3A_492, %dma_wait3A_493] : memref<16x50x32xf32, #tpu.memory_space<vmem>> -> memref<1x50x32xf32, #tpu.memory_space<vmem>>
      %dma_wait3A_495 = tpu.memref_squeeze %dma_wait3A_494 : memref<1x50x32xf32, #tpu.memory_space<vmem>> -> memref<50x32xf32, #tpu.memory_space<vmem>>
      %dma_wait3A_496 = arith.constant 0 : i32
      %dma_wait3A_497 = tpu.memref_slice %arg5[%dma_wait3A_496] : memref<28672xi32, #tpu.memory_space<vmem>> -> memref<50xi32, #tpu.memory_space<vmem>>
      %dma_wait3A_498 = arith.constant 0 : i32
      %dma_wait3A_499 = arith.constant 0 : i32
      %dma_wait3A_500 = tpu.memref_slice %arg3[%dma_wait3A_498, %dma_wait3A_499] : memref<1000000x32xf32, #tpu.memory_space<hbm>> -> memref<1000000x32xf32, #tpu.memory_space<hbm>>
      tpu.wait_indirect_dma semaphore(%arg9 : memref<!tpu.dma_semaphore, #tpu.memory_space<semaphore_mem>>) src(%dma_wait3A_500 : memref<1000000x32xf32, #tpu.memory_space<hbm>>) dst(%dma_wait3A_495 : memref<50x32xf32, #tpu.memory_space<vmem>>)
      %dma_wait3A_501 = arith.constant 13 : i32
      %dma_wait3A_502 = arith.constant 0 : i32
      %dma_wait3A_503 = arith.constant 0 : i32
      %dma_wait3A_504 = tpu.memref_slice %arg7[%dma_wait3A_501, %dma_wait3A_502, %dma_wait3A_503] : memref<16x50x32xf32, #tpu.memory_space<vmem>> -> memref<1x50x32xf32, #tpu.memory_space<vmem>>
      %dma_wait3A_505 = tpu.memref_squeeze %dma_wait3A_504 : memref<1x50x32xf32, #tpu.memory_space<vmem>> -> memref<50x32xf32, #tpu.memory_space<vmem>>
      %dma_wait3A_506 = arith.constant 0 : i32
      %dma_wait3A_507 = tpu.memref_slice %arg5[%dma_wait3A_506] : memref<28672xi32, #tpu.memory_space<vmem>> -> memref<50xi32, #tpu.memory_space<vmem>>
      %dma_wait3A_508 = arith.constant 0 : i32
      %dma_wait3A_509 = arith.constant 0 : i32
      %dma_wait3A_510 = tpu.memref_slice %arg3[%dma_wait3A_508, %dma_wait3A_509] : memref<1000000x32xf32, #tpu.memory_space<hbm>> -> memref<1000000x32xf32, #tpu.memory_space<hbm>>
      tpu.wait_indirect_dma semaphore(%arg9 : memref<!tpu.dma_semaphore, #tpu.memory_space<semaphore_mem>>) src(%dma_wait3A_510 : memref<1000000x32xf32, #tpu.memory_space<hbm>>) dst(%dma_wait3A_505 : memref<50x32xf32, #tpu.memory_space<vmem>>)
      %dma_wait3A_511 = arith.constant 14 : i32
      %dma_wait3A_512 = arith.constant 0 : i32
      %dma_wait3A_513 = arith.constant 0 : i32
      %dma_wait3A_514 = tpu.memref_slice %arg7[%dma_wait3A_511, %dma_wait3A_512, %dma_wait3A_513] : memref<16x50x32xf32, #tpu.memory_space<vmem>> -> memref<1x50x32xf32, #tpu.memory_space<vmem>>
      %dma_wait3A_515 = tpu.memref_squeeze %dma_wait3A_514 : memref<1x50x32xf32, #tpu.memory_space<vmem>> -> memref<50x32xf32, #tpu.memory_space<vmem>>
      %dma_wait3A_516 = arith.constant 0 : i32
      %dma_wait3A_517 = tpu.memref_slice %arg5[%dma_wait3A_516] : memref<28672xi32, #tpu.memory_space<vmem>> -> memref<50xi32, #tpu.memory_space<vmem>>
      %dma_wait3A_518 = arith.constant 0 : i32
      %dma_wait3A_519 = arith.constant 0 : i32
      %dma_wait3A_520 = tpu.memref_slice %arg3[%dma_wait3A_518, %dma_wait3A_519] : memref<1000000x32xf32, #tpu.memory_space<hbm>> -> memref<1000000x32xf32, #tpu.memory_space<hbm>>
      tpu.wait_indirect_dma semaphore(%arg9 : memref<!tpu.dma_semaphore, #tpu.memory_space<semaphore_mem>>) src(%dma_wait3A_520 : memref<1000000x32xf32, #tpu.memory_space<hbm>>) dst(%dma_wait3A_515 : memref<50x32xf32, #tpu.memory_space<vmem>>)
      %dma_wait3A_521 = arith.constant 15 : i32
      %dma_wait3A_522 = arith.constant 0 : i32
      %dma_wait3A_523 = arith.constant 0 : i32
      %dma_wait3A_524 = tpu.memref_slice %arg7[%dma_wait3A_521, %dma_wait3A_522, %dma_wait3A_523] : memref<16x50x32xf32, #tpu.memory_space<vmem>> -> memref<1x50x32xf32, #tpu.memory_space<vmem>>
      %dma_wait3A_525 = tpu.memref_squeeze %dma_wait3A_524 : memref<1x50x32xf32, #tpu.memory_space<vmem>> -> memref<50x32xf32, #tpu.memory_space<vmem>>
      %dma_wait3A_526 = arith.constant 0 : i32
      %dma_wait3A_527 = tpu.memref_slice %arg5[%dma_wait3A_526] : memref<28672xi32, #tpu.memory_space<vmem>> -> memref<50xi32, #tpu.memory_space<vmem>>
      %dma_wait3A_528 = arith.constant 0 : i32
      %dma_wait3A_529 = arith.constant 0 : i32
      %dma_wait3A_530 = tpu.memref_slice %arg3[%dma_wait3A_528, %dma_wait3A_529] : memref<1000000x32xf32, #tpu.memory_space<hbm>> -> memref<1000000x32xf32, #tpu.memory_space<hbm>>
      tpu.wait_indirect_dma semaphore(%arg9 : memref<!tpu.dma_semaphore, #tpu.memory_space<semaphore_mem>>) src(%dma_wait3A_530 : memref<1000000x32xf32, #tpu.memory_space<hbm>>) dst(%dma_wait3A_525 : memref<50x32xf32, #tpu.memory_space<vmem>>)
      %mul3A_531 = arith.constant 16 : i32
      %mul3A_532 = arith.muli %add3A_363, %mul3A_531 : i32
      %add3A_533 = arith.addi %mul3A_2, %mul3A_532 : i32
      %dma_start3A_534 = arith.constant 0 : i32
      %dma_start3A_535 = arith.constant 0 : i32
      %dma_start3A_536 = tpu.memref_slice %arg4[%add3A_533, %dma_start3A_534, %dma_start3A_535] : memref<16384x50x32xf32, #tpu.memory_space<hbm>> -> memref<16x50x32xf32, #tpu.memory_space<hbm>>
      %dma_start3A_537 = arith.constant 0 : i32
      %dma_start3A_538 = arith.constant 0 : i32
      %dma_start3A_539 = tpu.memref_slice %arg4[%add3A_533, %dma_start3A_537, %dma_start3A_538] : memref<16384x50x32xf32, #tpu.memory_space<hbm>> -> memref<16x50x32xf32, #tpu.memory_space<hbm>>
      tpu.enqueue_dma source(%arg7 : memref<16x50x32xf32, #tpu.memory_space<vmem>>) target(%dma_start3A_539 : memref<16x50x32xf32, #tpu.memory_space<hbm>>) target_semaphore(%arg11 : memref<!tpu.dma_semaphore, #tpu.memory_space<semaphore_mem>>)
    }
    %scan3A_166 = arith.constant 16 : i32
    %add3A_167 = arith.constant 0 : i32
    %add3A_168 = arith.addi %mul3A_2, %add3A_167 : i32
    %dma_wait3A = arith.constant 0 : i32
    %dma_wait3A_169 = arith.constant 0 : i32
    %dma_wait3A_170 = tpu.memref_slice %arg4[%add3A_168, %dma_wait3A, %dma_wait3A_169] : memref<16384x50x32xf32, #tpu.memory_space<hbm>> -> memref<16x50x32xf32, #tpu.memory_space<hbm>>
    %dma_wait3A_171 = arith.constant 0 : i32
    %dma_wait3A_172 = arith.constant 0 : i32
    %dma_wait3A_173 = tpu.memref_slice %arg4[%add3A_168, %dma_wait3A_171, %dma_wait3A_172] : memref<16384x50x32xf32, #tpu.memory_space<hbm>> -> memref<16x50x32xf32, #tpu.memory_space<hbm>>
    tpu.wait_dma2 semaphore(%arg10 : memref<!tpu.dma_semaphore, #tpu.memory_space<semaphore_mem>>) src(%arg6 : memref<16x50x32xf32, #tpu.memory_space<vmem>>) dst(%dma_wait3A_173 : memref<16x50x32xf32, #tpu.memory_space<hbm>>)
    %add3A_174 = arith.constant 0 : i32
    %add3A_175 = arith.addi %mul3A_2, %add3A_174 : i32
    %dma_wait3A_176 = arith.constant 0 : i32
    %dma_wait3A_177 = arith.constant 0 : i32
    %dma_wait3A_178 = tpu.memref_slice %arg4[%add3A_175, %dma_wait3A_176, %dma_wait3A_177] : memref<16384x50x32xf32, #tpu.memory_space<hbm>> -> memref<16x50x32xf32, #tpu.memory_space<hbm>>
    %dma_wait3A_179 = arith.constant 0 : i32
    %dma_wait3A_180 = arith.constant 0 : i32
    %dma_wait3A_181 = tpu.memref_slice %arg4[%add3A_175, %dma_wait3A_179, %dma_wait3A_180] : memref<16384x50x32xf32, #tpu.memory_space<hbm>> -> memref<16x50x32xf32, #tpu.memory_space<hbm>>
    tpu.wait_dma2 semaphore(%arg11 : memref<!tpu.dma_semaphore, #tpu.memory_space<semaphore_mem>>) src(%arg7 : memref<16x50x32xf32, #tpu.memory_space<vmem>>) dst(%dma_wait3A_181 : memref<16x50x32xf32, #tpu.memory_space<hbm>>)
    return
  }
}

</mosaic_0001>

<sc_bundles>
// kernel: kernel.3.cloned.1.call-start
scs
__scs_entry_jumppad:
0x0: {  	(pc) =	sbr.rel $0x88, $3  }
0x1: {  	(tag) =	ssettag $0x0;
	lr =	simm.s32 $0x1  }
0x2: {  	[smem:$0x3F9F] =	sst lr;
	_ =	strace $0xD0000000  }
0x3: {  	_ = 	snop  }
0x4: {  	_ = 	snop  }
0x5: {  	_ = 	snop  }
0x6: {  	_ = 	snop  }
0x7: {  	_ = 	snop  }
__scs_overlays_trampoline_lowered:
0x8: {  	[smem:$0x3FAE] =	sst s0  }
0x9: {  	[smem:$0x3FAF] =	sst s1  }
0xa: {  	[smem:$0x3FB0] =	sst s2  }
0xb: {  	[smem:$0x3FB1] =	sst s3  }
0xc: {  	[smem:$0x3FB2] =	sst s4  }
0xd: {  	[smem:$0x3FB3] =	sst s5  }
0xe: {  	[smem:$0x3FB4] =	sst s6  }
0xf: {  	[smem:$0x3FB5] =	sst s7  }
0x10: {  	[smem:$0x3FB6] =	sst s8  }
0x11: {  	[smem:$0x3FB7] =	sst s9;
	s0 =	simm.s32 @!p0 $0x0  }
0x12: {  	s1 =	sld [smem:$0x3F9D];
	s0 =	simm.s32 @p0 $0x1  }
0x13: {  	[smem:$0x3FB8] =	sst s0;
	s0 =	simm.s32 @!p1 $0x0  }
0x14: {  	s2 =	sld [smem:$0x3F9C];
	s0 =	simm.s32 @p1 $0x1  }
0x15: {  	[smem:$0x3FB9] =	sst s0;
	s0 =	simm.s32 @!p2 $0x0  }
0x16: {  	s3 =	sld [smem:$0x3FDB];
	s0 =	simm.s32 @p2 $0x1  }
0x17: {  	s4 =	simm.s32 $0x1BF5;
	[smem:$0x3FBB] =	sst s0  }
0x18: {  	s0 =	sld [smem:$0x3F9E];
	_ =	swait.ge [sflag:s4], $0x0  }
0x19: {  	s7 =	sld [smem:$0x3F9F]  }
0x1a: {  	s8 =	sadd.s32 $0xFFFFE003, lr  }
0x1b: {  	s9 =	sadd.s32 $0xFFFFFEF7, lr;
	s5 =	simm.s32 $0xFFFFFFFF;
	p2 =	slt.u32 s8, $0xFFFFF086  }
0x1c: {  	p1 =	slt.u32 s9, $0xF7A;
	s5 =	simm.s32 @!p2 $0x0  }
0x1d: {  	s5 =	simm.s32 @p1 $0x1;
	p0 =	seq.s32 s7, s2  }
0x1e: {  	s7 =	smul.u32 @!p0 $0xF7A, s2;
	p2 =	seq.s32 @!p0 s5, $0x0  }
0x1f: {  	s9 =	smul.u32 $0xF7A, s1;
	s8 =	simm.s32 @!p0 $0x1BF5;
	p2 =	por !p2, p0  }
0x20: {  	[sflag:s8] =	ssyncset.s32 @!p0 $0xFFFFF086;
	s6 =	sadd.s32 @!p0 s3, s7;
	s7 =	simm.s32 @!p0 $0x108  }
0x21: {  	s3 =	sadd.s32 s3, s9;
	s6 =	sadd.s32 @!p0 $0x88, s6;
	s7 =	simm.s32 @p2 $0x1082  }
0x22: {  	[simem:s7], [sflag:s8] =	dma.local @!p0 [hbm:s6], $0xF7A  }
0x23: {  	s9 =	sor.u32 $0xD0000000, s2;
	s6 =	simm.s32 $0x108;
	_ =	swait.ge @!p0 [sflag:s8], $0x0  }
0x24: {  	s3 =	sadd.s32 $0x88, s3;
	s6 =	simm.s32 @!p1 $0x1082;
	[sflag:s4] =	ssyncset.s32 $0xFFFFF086  }
0x25: {  	[simem:s6], [sflag:s4] =	dma.local [hbm:s3], $0xF7A  }
0x26: {  	[smem:$0x3F9F] =	sst s1;
	(tag) =	ssettag s2;
	_ =	strace s9  }
0x27: {  	s1 =	sld [smem:$0x3FAF]  }
0x28: {  	s2 =	sld [smem:$0x3FB0]  }
0x29: {  	s4 =	sld [smem:$0x3FB2]  }
0x2a: {  	p0 =	seq.s32 s5, $0x0;
	s5 =	sld [smem:$0x3FB3]  }
0x2b: {  	s6 =	sld [smem:$0x3FB4]  }
0x2c: {  	s7 =	sld [smem:$0x3FB5]  }
0x2d: {  	s3 =	simm.s32 $0x108;
	s8 =	sld [smem:$0x3FB6]  }
0x2e: {  	s3 =	simm.s32 @!p0 $0x1082;
	s9 =	sld [smem:$0x3FB7]  }
0x2f: {  	lr =	sadd.s32 s0, s3;
	s0 =	sld [smem:$0x3FAE]  }
0x30: {  	s3 =	sld [smem:$0x3FB1]  }
0x31: {  	[smem:$0x3FBA] =	sst s10  }
0x32: {  	s10 =	sld [smem:$0x3FB8];
	_ =	sdelay $0x3  }
0x33: {  	p0 =	seq.s32 s10, $0x1;
	s10 =	sld [smem:$0x3FBA];
	_ =	sdelay $0x3  }
0x34: {  	[smem:$0x3FBA] =	sst s10  }
0x35: {  	s10 =	sld [smem:$0x3FB9];
	_ =	sdelay $0x3  }
0x36: {  	p1 =	seq.s32 s10, $0x1;
	s10 =	sld [smem:$0x3FBA];
	_ =	sdelay $0x3  }
0x37: {  	[smem:$0x3FBA] =	sst s10  }
0x38: {  	s10 =	sld [smem:$0x3FBB]  }
0x39: {  	_ = 	snop;
	(pc) =	sbr.ind lr, $3  }
0x3a: {  	_ = 	snop  }
0x3b: {  	_ = 	snop  }
0x3c: {  	p2 =	seq.s32 s10, $0x1;
	s10 =	sld [smem:$0x3FBA]  }
0x3d: {  	_ =	shalt  }
0x3e: {  	_ =	shalt  }
0x3f: {  	_ =	shalt  }
0x40: {  	_ =	shalt  }
0x41: {  	_ =	shalt  }
0x42: {  	_ =	shalt  }
0x43: {  	_ =	shalt  }
0x44: {  	_ =	shalt  }
0x45: {  	_ =	shalt  }
0x46: {  	_ =	shalt  }
0x47: {  	_ =	shalt  }
0x48: {  	_ =	shalt  }
0x49: {  	_ =	shalt  }
0x4a: {  	_ =	shalt  }
0x4b: {  	_ =	shalt  }
0x4c: {  	_ =	shalt  }
0x4d: {  	_ =	shalt  }
0x4e: {  	_ =	shalt  }
0x4f: {  	_ =	shalt  }
0x50: {  	_ =	shalt  }
0x51: {  	_ =	shalt  }
0x52: {  	_ =	shalt  }
0x53: {  	_ =	shalt  }
0x54: {  	_ =	shalt  }
0x55: {  	_ =	shalt  }
0x56: {  	_ =	shalt  }
0x57: {  	_ =	shalt  }
0x58: {  	_ =	shalt  }
0x59: {  	_ =	shalt  }
0x5a: {  	_ =	shalt  }
0x5b: {  	_ =	shalt  }
0x5c: {  	_ =	shalt  }
0x5d: {  	_ =	shalt  }
0x5e: {  	_ =	shalt  }
0x5f: {  	_ =	shalt  }
0x60: {  	_ =	shalt  }
0x61: {  	_ =	shalt  }
0x62: {  	_ =	shalt  }
0x63: {  	_ =	shalt  }
0x64: {  	_ =	shalt  }
0x65: {  	_ =	shalt  }
0x66: {  	_ =	shalt  }
0x67: {  	_ =	shalt  }
0x68: {  	_ =	shalt  }
0x69: {  	_ =	shalt  }
0x6a: {  	_ =	shalt  }
0x6b: {  	_ =	shalt  }
0x6c: {  	_ =	shalt  }
0x6d: {  	_ =	shalt  }
0x6e: {  	_ =	shalt  }
0x6f: {  	_ =	shalt  }
0x70: {  	_ =	shalt  }
0x71: {  	_ =	shalt  }
0x72: {  	_ =	shalt  }
0x73: {  	_ =	shalt  }
0x74: {  	_ =	shalt  }
0x75: {  	_ =	shalt  }
0x76: {  	_ =	shalt  }
0x77: {  	_ =	shalt  }
0x78: {  	_ =	shalt  }
0x79: {  	_ =	shalt  }
0x7a: {  	_ =	shalt  }
0x7b: {  	_ =	shalt  }
0x7c: {  	_ =	shalt  }
0x7d: {  	_ =	shalt  }
0x7e: {  	_ =	shalt  }
0x7f: {  	_ =	shalt  }
0x80: {  	_ =	shalt  }
0x81: {  	_ =	shalt  }
0x82: {  	_ =	shalt  }
0x83: {  	_ =	shalt  }
0x84: {  	_ =	shalt  }
0x85: {  	_ =	shalt  }
0x86: {  	_ =	shalt  }
0x87: {  	_ =	shalt  }
.Lfunc_end0:
.L_simem_size_0:
called_computation.2_lowered:
.L_overlay_start_0:
0x88: {  	s2 =	sld [smem:$0x3FD9]  }
0x89: {  	s3 =	sld [smem:$0x3FFE];
	_ =	sdelay $0x1  }
0x8a: {  	s1 =	srdreg.scid  }
0x8b: {  	s0 =	sand.u32 $0x1, s1  }
0x8c: {  	s17 =	sshll.u32 s0, $0xA;
	s2 =	sadd.s32 s3, s2  }
0x8d: {  	s2 =	sadd.s32 s2, s17  }
0x8e: {  	[smem:$0x3FC6] =	sst s2  }
0x8f: {  	_ = 	snop  }
0x90: {  	s2 =	sld [smem:$0x3FD0];
	(tm) =	ssettm $0x1  }
0x91: {  	s18 =	sld [smem:$0x3FFB];
	_ =	sdelay $0x3  }
0x92: {  	_ =	strace s18  }
0x93: {  	s3 =	sld [smem:$0x3FFC];
	_ =	sdelay $0x3  }
0x94: {  	_ =	strace s3  }
0x95: {  	s3 =	sld [smem:$0x3FFD];
	_ =	sdelay $0x3  }
0x96: {  	_ =	strace s3  }
0x97: {  	_ =	strace $0x8FFFFFFF  }
0x98: {  	s19 =	sld [smem:$0x3FDB];
	_ =	sdelay $0x1  }
0x99: {  	s4 =	simm.s32 $_scs_section_size  }
0x9a: {  	s5 =	simm.s32 $_size__tile_overlayer_lowered;
	s6 =	simm.s32 $_tile_overlayer_lowered  }
0x9b: {  	s22 =	simm.s32 $0x1BFF;
	s21 =	sshll.u32 s6, $0x1;
	s3 =	sadd.s32 s4, s19  }
0x9c: {  	s7 =	simm.s32 $0x0;
	s20 =	sshll.u32 s5, $0x1;
	s5 =	sadd.s32 s21, s3  }
0x9d: {  	[timem:s7], [sflag:s22] =	dma.local [hbm:s5], s20  }
0x9e: {  	_ =	swait.ge [sflag:s22], s20  }
0x9f: {  	s4 =	ssub.s32 $0x0, s20;
	[sflag:s22] =	ssyncset.done $0x0  }
0xa0: {  	[sflag:s22] =	ssyncadd.s32 s4;
	_ =	sdelay $0x1  }
0xa1: {  	s23 =	simm.s32 $0x1B8B  }
0xa2: {  	_ =	swait.ge [sflag:s23], $0x1  }
0xa3: {  	[sflag:s23] =	ssyncset.done $0x0  }
0xa4: {  	s25 =	simm.s32 $0x1B8E;
	s24 =	sld [smem:$0x3FFE];
	[sflag:s23] =	ssyncadd.s32 $0xFFFFFFFF  }
0xa5: {  	s26 =	simm.s32 $execute0_lowered;
	[smem:$0x3FD2] =	sst s25  }
0xa6: {  	s5 =	sshll.u32 s26, $0x1;
	_ =	strace $0x80000049;
	[dreg:$0x1] =	wrdreg $0xFFFFFFFF  }
0xa7: {  	s28 =	simm.s32 $_size_execute0_lowered;
	s3 =	sadd.s32 s3, s5;
	[dreg:$0x0] =	wrdreg $0x0  }
0xa8: {  	s5 =	sshll.u32 s28, $0x1;
	[dreg:$0x2] =	wrdreg s3  }
0xa9: {  	[dreg:$0x3] =	wrdreg s5  }
0xaa: {  	[dreg:$0x4] =	wrdreg $0xC0  }
0xab: {  	_ =	task [dreg:s7], $0x5FFFF  }
0xac: {  	[dreg:$0x1] =	wrdreg $0xFFFFFFFF  }
0xad: {  	[dreg:$0x0] =	wrdreg $0x60  }
0xae: {  	[dreg:$0x2] =	wrdreg s24  }
0xaf: {  	[dreg:$0x3] =	wrdreg s2  }
0xb0: {  	[dreg:$0x4] =	wrdreg $0x9  }
0xb1: {  	_ =	task.clear_ibuf [dreg:s7], $0x5FFFF;
	_ =	strace $0x90000049  }
0xb2: {  	s29 =	simm.s32 $0x9;
	_ =	strace $0x8000004B  }
0xb3: {  	_ =	swait.ge [sflag:s29], $0x1  }
0xb4: {  	[sflag:s29] =	ssyncadd.s32 $0xFFFFFFFF  }
0xb5: {  	_ =	strace $0x9000004B  }
0xb6: {  	_ =	sfence  }
0xb7: {  	s30 =	sld [smem:$0x0];
	_ =	sdelay $0x2  }
0xb8: {  	s31 =	sshll.u32 s1, $0xD;
	s1 =	sshrl.u32 s1, $0x2  }
0xb9: {  	s3 =	sand.u32 $0x4000, s31;
	s1 =	sadd.s32 s1, s30  }
0xba: {  	s0 =	sor.u32 s3, s0;
	s1 =	sshll.u32 s1, $0x11  }
0xbb: {  	s0 =	sor.u32 s1, s0  }
0xbc: {  	s0 =	sadd.s32 $0x8F2B, s0  }
0xbd: {  	[sflag:s0] =	ssyncadd.remote.s32 $0x1  }
0xbe: {  	_ =	sfence.sel $0xFFFF  }
0xbf: {  	[dreg:$0x0] =	wrdreg $0xFFFFFFFF;
	(pc) =	sbr.abs _section_cstart, $3  }
0xc0: {  	[dreg:$0x1] =	wrdreg $0xFFFFFFFF  }
0xc1: {  	_ =	task.clear_ibuf [dreg:s7], $0x2FFFF;
	_ =	strace $0x9FFFFFFF  }
0xc2: {  	(tm) =	ssettm $0x7FFFFFFF  }
0xc3: {  	_ =	shalt  }
tec
execute0_lowered:
.L_overlay_start_1:
0x0: {  	(tag) =	ssettag $0x1  }
0x1: {  	s0 =	rddreg [dreg:$0x0]  }
0x2: {  	s4 =	rddreg [dreg:$0x1];
	s2 =	simm.s32 $0x0  }
0x3: {  	s16 =	simm.s32 $0xDA40;
	[smem:$0x7FF] =	sst s2  }
0x4: {  	s17 =	simm.s32 $0xE080;
	_ =	strace $0x8000004A;
	[dreg:$0x3] =	wrdreg s16  }
0x5: {  	s18 =	simm.s32 $0xE6C0;
	[dreg:$0x4] =	wrdreg s17  }
0x6: {  	s19 =	simm.s32 $0xED00;
	[dreg:$0x5] =	wrdreg s18  }
0x7: {  	s20 =	simm.s32 $0xF340;
	[dreg:$0x6] =	wrdreg s19  }
0x8: {  	s21 =	simm.s32 $0xF980;
	[dreg:$0x7] =	wrdreg s20  }
0x9: {  	s22 =	simm.s32 $0xFFC0;
	[dreg:$0x8] =	wrdreg s21  }
0xa: {  	s1 =	srdreg.scid;
	s23 =	simm.s32 $0x10600;
	[dreg:$0x9] =	wrdreg s22  }
0xb: {  	s6 =	stileid.u32;
	s24 =	simm.s32 $0x10C40;
	[dreg:$0xa] =	wrdreg s23  }
0xc: {  	s9 =	simm.s32 $0x7000;
	s25 =	simm.s32 $0x11280;
	[dreg:$0xb] =	wrdreg s24  }
0xd: {  	s26 =	simm.s32 $0x118C0;
	s28 =	simm.s32 $0x11F00;
	[dreg:$0xc] =	wrdreg s25  }
0xe: {  	s29 =	simm.s32 $0x12540;
	s30 =	simm.s32 $0x12B80;
	[dreg:$0xd] =	wrdreg s26  }
0xf: {  	s31 =	simm.s32 $0x131C0;
	s1 =	sand.u32 $0x1, s1;
	[dreg:$0xe] =	wrdreg s28  }
0x10: {  	s3 =	sshll.u32 s6, $0x1;
	s6 =	smul.u32 $0x32000, s6;
	[dreg:$0xf] =	wrdreg s29  }
0x11: {  	s3 =	sor.u32 s1, s3;
	s5 =	ssub.s32 $0x2, s1;
	[dreg:$0x10] =	wrdreg s30  }
0x12: {  	s1 =	smul.u32 $0x19000, s1;
	[dreg:$0x11] =	wrdreg s31;
	s17 =	simm.s32 $0xD400  }
0x13: {  	s18 =	simm.s32 $0x1;
	s19 =	simm.s32 $0x2;
	s20 =	simm.s32 $0x3  }
0x14: {  	s21 =	simm.s32 $0x4;
	s3 =	smul.u32 $0xE00, s3;
	s8 =	sshrl.u32 s5, $0x1  }
0x15: {  	s22 =	simm.s32 $0x0;
	s6 =	sadd.s32 s6, s4;
	s14 =	ssub.s32 s5, s8  }
0x16: {  	s7 =	sadd.s32 s3, s0;
	s3 =	sadd.s32 $0xE00, s0;
	s0 =	smax.u32 s14, $0x1  }
0x17: {  	s6 =	sadd.s32 s1, s6;
	s15 =	sadd.s32 $0x1313C00, s7;
	[dreg:$0x13] =	wrdreg s0  }
0x18: {  	s8 =	simm.s32 $0x32;
	s7 =	simm.s32 $0x5;
	[dreg:$0x12] =	wrdreg s15  }
.LBB2_1:
0x19: {  	s0 =	rddreg [dreg:$0x12]  }
0x1a: {  	[tilespmem:s2], [sflag:$0x5] =	stream.linear.gather [hbm4b:s0+s2], $0x7000, $0x38;
	[tilespmem:$0x13800] =	vst v63  }
0x1b: {  	_ =	swait.ge [sflag:s7], $0x7000  }
0x1c: {  	[sflag:s7] =	ssyncset.done $0x0  }
0x1d: {  	[sflag:s7] =	ssyncadd.s32 $0xFFFF9000  }
0x1e: {  	[tilespmem:s9], [sflag:$0x1] =	stream.indirect.gather [hbm4b:s3+s8], $0x20, s2, s8, $0xb8;
	[tilespmem:$0x13800] =	vst v63  }
0x1f: {  	s4 =	simm.s32 $0x38;
	s1 =	simm.s32 $0x7640  }
0x20: {  	[tilespmem:s1], [sflag:$0x1] =	stream.indirect.gather [hbm4b:s3+s8], $0x20, s4, s8, $0xb8;
	[tilespmem:$0x13800] =	vst v63  }
0x21: {  	s5 =	simm.s32 $0x70;
	s10 =	simm.s32 $0x7C80  }
0x22: {  	[tilespmem:s10], [sflag:$0x1] =	stream.indirect.gather [hbm4b:s3+s8], $0x20, s5, s8, $0xb8;
	[tilespmem:$0x13800] =	vst v63  }
0x23: {  	s11 =	simm.s32 $0xA8;
	s12 =	simm.s32 $0x82C0  }
0x24: {  	[tilespmem:s12], [sflag:$0x1] =	stream.indirect.gather [hbm4b:s3+s8], $0x20, s11, s8, $0xb8;
	[tilespmem:$0x13800] =	vst v63  }
0x25: {  	s13 =	simm.s32 $0xE0;
	s14 =	simm.s32 $0x8900  }
0x26: {  	[tilespmem:s14], [sflag:$0x1] =	stream.indirect.gather [hbm4b:s3+s8], $0x20, s13, s8, $0xb8;
	[tilespmem:$0x13800] =	vst v63  }
0x27: {  	s15 =	simm.s32 $0x118;
	s16 =	simm.s32 $0x8F40  }
0x28: {  	[tilespmem:s16], [sflag:$0x1] =	stream.indirect.gather [hbm4b:s3+s8], $0x20, s15, s8, $0xb8;
	[tilespmem:$0x13800] =	vst v63  }
0x29: {  	s23 =	simm.s32 $0x150;
	s24 =	simm.s32 $0x9580  }
0x2a: {  	[tilespmem:s24], [sflag:$0x1] =	stream.indirect.gather [hbm4b:s3+s8], $0x20, s23, s8, $0xb8;
	[tilespmem:$0x13800] =	vst v63  }
0x2b: {  	s25 =	simm.s32 $0x188;
	s26 =	simm.s32 $0x9BC0  }
0x2c: {  	[tilespmem:s26], [sflag:$0x1] =	stream.indirect.gather [hbm4b:s3+s8], $0x20, s25, s8, $0xb8;
	[tilespmem:$0x13800] =	vst v63  }
0x2d: {  	s30 =	simm.s32 $0x1C0;
	s31 =	simm.s32 $0xA200  }
0x2e: {  	[tilespmem:s31], [sflag:$0x1] =	stream.indirect.gather [hbm4b:s3+s8], $0x20, s30, s8, $0xb8;
	[tilespmem:$0x13800] =	vst v63  }
0x2f: {  	s4 =	simm.s32 $0x1F8;
	s5 =	simm.s32 $0xA840  }
0x30: {  	[tilespmem:s5], [sflag:$0x1] =	stream.indirect.gather [hbm4b:s3+s8], $0x20, s4, s8, $0xb8;
	[tilespmem:$0x13800] =	vst v63  }
0x31: {  	s10 =	simm.s32 $0x230;
	s11 =	simm.s32 $0xAE80  }
0x32: {  	[tilespmem:s11], [sflag:$0x1] =	stream.indirect.gather [hbm4b:s3+s8], $0x20, s10, s8, $0xb8;
	[tilespmem:$0x13800] =	vst v63  }
0x33: {  	s12 =	simm.s32 $0x268;
	s13 =	simm.s32 $0xB4C0  }
0x34: {  	[tilespmem:s13], [sflag:$0x1] =	stream.indirect.gather [hbm4b:s3+s8], $0x20, s12, s8, $0xb8;
	[tilespmem:$0x13800] =	vst v63  }
0x35: {  	s14 =	simm.s32 $0x2A0;
	s15 =	simm.s32 $0xBB00  }
0x36: {  	[tilespmem:s15], [sflag:$0x1] =	stream.indirect.gather [hbm4b:s3+s8], $0x20, s14, s8, $0xb8;
	[tilespmem:$0x13800] =	vst v63  }
0x37: {  	s16 =	simm.s32 $0x2D8;
	s23 =	simm.s32 $0xC140  }
0x38: {  	[tilespmem:s23], [sflag:$0x1] =	stream.indirect.gather [hbm4b:s3+s8], $0x20, s16, s8, $0xb8;
	[tilespmem:$0x13800] =	vst v63  }
0x39: {  	p0 =	por $0x1, $0x1;
	s24 =	simm.s32 $0x310;
	s25 =	simm.s32 $0xC780  }
0x3a: {  	[tilespmem:s25], [sflag:$0x1] =	stream.indirect.gather [hbm4b:s3+s8], $0x20, s24, s8, $0xb8;
	[tilespmem:$0x13800] =	vst v63  }
0x3b: {  	s26 =	simm.s32 $0x348;
	s30 =	simm.s32 $0xCDC0;
	s23 =	simm.s32 @!p0 $0x4  }
0x3c: {  	[tilespmem:s30], [sflag:$0x1] =	stream.indirect.gather [hbm4b:s3+s8], $0x20, s26, s8, $0xb8;
	[tilespmem:$0x13800] =	vst v63  }
0x3d: {  	_ =	swait.ge @!p0 [sflag:s23], $0x6400  }
0x3e: {  	[sflag:s23] =	ssyncset.done @!p0 $0x0  }
0x3f: {  	s24 =	simm.s32 $0x380;
	[sflag:s23] =	ssyncadd.s32 @!p0 $0xFFFF9C00  }
0x40: {  	[tilespmem:s17], [sflag:$0x2] =	stream.indirect.gather [hbm4b:s3+s8], $0x20, s24, s8, $0xb8;
	[tilespmem:$0x13800] =	vst v63  }
0x41: {  	s31 =	simm.s32 $0x3B8;
	s25 =	rddreg [dreg:$0x3]  }
0x42: {  	[tilespmem:s25], [sflag:$0x2] =	stream.indirect.gather [hbm4b:s3+s8], $0x20, s31, s8, $0xb8;
	[tilespmem:$0x13800] =	vst v63  }
0x43: {  	s1 =	simm.s32 $0x3F0;
	s0 =	rddreg [dreg:$0x4]  }
0x44: {  	[tilespmem:s0], [sflag:$0x2] =	stream.indirect.gather [hbm4b:s3+s8], $0x20, s1, s8, $0xb8;
	[tilespmem:$0x13800] =	vst v63  }
0x45: {  	s5 =	simm.s32 $0x428;
	s4 =	rddreg [dreg:$0x5]  }
0x46: {  	[tilespmem:s4], [sflag:$0x2] =	stream.indirect.gather [hbm4b:s3+s8], $0x20, s5, s8, $0xb8;
	[tilespmem:$0x13800] =	vst v63  }
0x47: {  	s11 =	simm.s32 $0x460;
	s10 =	rddreg [dreg:$0x6]  }
0x48: {  	[tilespmem:s10], [sflag:$0x2] =	stream.indirect.gather [hbm4b:s3+s8], $0x20, s11, s8, $0xb8;
	[tilespmem:$0x13800] =	vst v63  }
0x49: {  	s13 =	simm.s32 $0x498;
	s12 =	rddreg [dreg:$0x7]  }
0x4a: {  	[tilespmem:s12], [sflag:$0x2] =	stream.indirect.gather [hbm4b:s3+s8], $0x20, s13, s8, $0xb8;
	[tilespmem:$0x13800] =	vst v63  }
0x4b: {  	s15 =	simm.s32 $0x4D0;
	s14 =	rddreg [dreg:$0x8]  }
0x4c: {  	[tilespmem:s14], [sflag:$0x2] =	stream.indirect.gather [hbm4b:s3+s8], $0x20, s15, s8, $0xb8;
	[tilespmem:$0x13800] =	vst v63  }
0x4d: {  	s26 =	simm.s32 $0x508;
	s16 =	rddreg [dreg:$0x9]  }
0x4e: {  	[tilespmem:s16], [sflag:$0x2] =	stream.indirect.gather [hbm4b:s3+s8], $0x20, s26, s8, $0xb8;
	[tilespmem:$0x13800] =	vst v63  }
0x4f: {  	s30 =	rddreg [dreg:$0xa];
	s31 =	simm.s32 $0x540  }
0x50: {  	[tilespmem:s30], [sflag:$0x2] =	stream.indirect.gather [hbm4b:s3+s8], $0x20, s31, s8, $0xb8;
	[tilespmem:$0x13800] =	vst v63  }
0x51: {  	s0 =	rddreg [dreg:$0xb];
	s1 =	simm.s32 $0x578  }
0x52: {  	[tilespmem:s0], [sflag:$0x2] =	stream.indirect.gather [hbm4b:s3+s8], $0x20, s1, s8, $0xb8;
	[tilespmem:$0x13800] =	vst v63  }
0x53: {  	s4 =	rddreg [dreg:$0xc];
	s5 =	simm.s32 $0x5B0  }
0x54: {  	[tilespmem:s4], [sflag:$0x2] =	stream.indirect.gather [hbm4b:s3+s8], $0x20, s5, s8, $0xb8;
	[tilespmem:$0x13800] =	vst v63  }
0x55: {  	s10 =	rddreg [dreg:$0xd];
	s11 =	simm.s32 $0x5E8  }
0x56: {  	[tilespmem:s10], [sflag:$0x2] =	stream.indirect.gather [hbm4b:s3+s8], $0x20, s11, s8, $0xb8;
	[tilespmem:$0x13800] =	vst v63  }
0x57: {  	s12 =	rddreg [dreg:$0xe];
	s13 =	simm.s32 $0x620  }
0x58: {  	[tilespmem:s12], [sflag:$0x2] =	stream.indirect.gather [hbm4b:s3+s8], $0x20, s13, s8, $0xb8;
	[tilespmem:$0x13800] =	vst v63  }
0x59: {  	s14 =	rddreg [dreg:$0xf];
	s15 =	simm.s32 $0x658  }
0x5a: {  	[tilespmem:s14], [sflag:$0x2] =	stream.indirect.gather [hbm4b:s3+s8], $0x20, s15, s8, $0xb8;
	[tilespmem:$0x13800] =	vst v63  }
0x5b: {  	s16 =	rddreg [dreg:$0x10];
	s26 =	simm.s32 $0x690  }
0x5c: {  	[tilespmem:s16], [sflag:$0x2] =	stream.indirect.gather [hbm4b:s3+s8], $0x20, s26, s8, $0xb8;
	[tilespmem:$0x13800] =	vst v63  }
0x5d: {  	s30 =	rddreg [dreg:$0x11];
	s31 =	simm.s32 $0x6C8  }
0x5e: {  	[tilespmem:s30], [sflag:$0x2] =	stream.indirect.gather [hbm4b:s3+s8], $0x20, s31, s8, $0xb8;
	[tilespmem:$0x13800] =	vst v63  }
0x5f: {  	_ =	swait.ge [sflag:s18], $0x640  }
0x60: {  	[sflag:s18] =	ssyncset.done $0x0  }
0x61: {  	[sflag:s18] =	ssyncadd.s32 $0xFFFFF9C0  }
0x62: {  	_ =	swait.ge [sflag:s18], $0x640  }
0x63: {  	[sflag:s18] =	ssyncset.done $0x0  }
0x64: {  	[sflag:s18] =	ssyncadd.s32 $0xFFFFF9C0  }
0x65: {  	_ =	swait.ge [sflag:s18], $0x640  }
0x66: {  	[sflag:s18] =	ssyncset.done $0x0  }
0x67: {  	[sflag:s18] =	ssyncadd.s32 $0xFFFFF9C0  }
0x68: {  	_ =	swait.ge [sflag:s18], $0x640  }
0x69: {  	[sflag:s18] =	ssyncset.done $0x0  }
0x6a: {  	[sflag:s18] =	ssyncadd.s32 $0xFFFFF9C0  }
0x6b: {  	_ =	swait.ge [sflag:s18], $0x640  }
0x6c: {  	[sflag:s18] =	ssyncset.done $0x0  }
0x6d: {  	[sflag:s18] =	ssyncadd.s32 $0xFFFFF9C0  }
0x6e: {  	_ =	swait.ge [sflag:s18], $0x640  }
0x6f: {  	[sflag:s18] =	ssyncset.done $0x0  }
0x70: {  	[sflag:s18] =	ssyncadd.s32 $0xFFFFF9C0  }
0x71: {  	_ =	swait.ge [sflag:s18], $0x640  }
0x72: {  	[sflag:s18] =	ssyncset.done $0x0  }
0x73: {  	[sflag:s18] =	ssyncadd.s32 $0xFFFFF9C0  }
0x74: {  	_ =	swait.ge [sflag:s18], $0x640  }
0x75: {  	[sflag:s18] =	ssyncset.done $0x0  }
0x76: {  	[sflag:s18] =	ssyncadd.s32 $0xFFFFF9C0  }
0x77: {  	_ =	swait.ge [sflag:s18], $0x640  }
0x78: {  	[sflag:s18] =	ssyncset.done $0x0  }
0x79: {  	[sflag:s18] =	ssyncadd.s32 $0xFFFFF9C0  }
0x7a: {  	_ =	swait.ge [sflag:s18], $0x640  }
0x7b: {  	[sflag:s18] =	ssyncset.done $0x0  }
0x7c: {  	[sflag:s18] =	ssyncadd.s32 $0xFFFFF9C0  }
0x7d: {  	_ =	swait.ge [sflag:s18], $0x640  }
0x7e: {  	[sflag:s18] =	ssyncset.done $0x0  }
0x7f: {  	[sflag:s18] =	ssyncadd.s32 $0xFFFFF9C0  }
0x80: {  	_ =	swait.ge [sflag:s18], $0x640  }
0x81: {  	[sflag:s18] =	ssyncset.done $0x0  }
0x82: {  	[sflag:s18] =	ssyncadd.s32 $0xFFFFF9C0  }
0x83: {  	_ =	swait.ge [sflag:s18], $0x640  }
0x84: {  	[sflag:s18] =	ssyncset.done $0x0  }
0x85: {  	[sflag:s18] =	ssyncadd.s32 $0xFFFFF9C0  }
0x86: {  	_ =	swait.ge [sflag:s18], $0x640  }
0x87: {  	[sflag:s18] =	ssyncset.done $0x0  }
0x88: {  	[sflag:s18] =	ssyncadd.s32 $0xFFFFF9C0  }
0x89: {  	_ =	swait.ge [sflag:s18], $0x640  }
0x8a: {  	[sflag:s18] =	ssyncset.done $0x0  }
0x8b: {  	[sflag:s18] =	ssyncadd.s32 $0xFFFFF9C0  }
0x8c: {  	_ =	swait.ge [sflag:s18], $0x640  }
0x8d: {  	p0 =	por $0x0, $0x0;
	[sflag:s18] =	ssyncset.done $0x0  }
0x8e: {  	s23 =	simm.s32 @!p0 $0x3;
	[sflag:s18] =	ssyncadd.s32 $0xFFFFF9C0  }
0x8f: {  	[hbm4b:s6+s2] =	stream.linear.scatter [tilespmem:s9], [sflag:$0x3], $0x6400, $0x38;
	[tilespmem:$0x13800] =	vst v63  }
0x90: {  	_ =	swait.ge @!p0 [sflag:s23], $0x6400  }
0x91: {  	s24 =	simm.s32 @!p0 $0x700;
	[sflag:s23] =	ssyncset.done @!p0 $0x0  }
0x92: {  	s25 =	simm.s32 @!p0 $0x32;
	s26 =	simm.s32 @!p0 $0x7000;
	[sflag:s23] =	ssyncadd.s32 @!p0 $0xFFFF9C00  }
0x93: {  	[tilespmem:s26], [sflag:$0x1] =	stream.indirect.gather @!p0 [hbm4b:s3+s25], $0x20, s24, s25, $0xb8;
	[tilespmem:$0x13800] =	vst v63  }
0x94: {  	s23 =	simm.s32 @!p0 $0x738;
	s24 =	simm.s32 @!p0 $0x7640  }
0x95: {  	[tilespmem:s24], [sflag:$0x1] =	stream.indirect.gather @!p0 [hbm4b:s3+s25], $0x20, s23, s25, $0xb8;
	[tilespmem:$0x13800] =	vst v63  }
0x96: {  	s23 =	simm.s32 @!p0 $0x770;
	s24 =	simm.s32 @!p0 $0x7C80  }
0x97: {  	[tilespmem:s24], [sflag:$0x1] =	stream.indirect.gather @!p0 [hbm4b:s3+s25], $0x20, s23, s25, $0xb8;
	[tilespmem:$0x13800] =	vst v63  }
0x98: {  	s23 =	simm.s32 @!p0 $0x7A8;
	s24 =	simm.s32 @!p0 $0x82C0  }
0x99: {  	[tilespmem:s24], [sflag:$0x1] =	stream.indirect.gather @!p0 [hbm4b:s3+s25], $0x20, s23, s25, $0xb8;
	[tilespmem:$0x13800] =	vst v63  }
0x9a: {  	s23 =	simm.s32 @!p0 $0x7E0;
	s24 =	simm.s32 @!p0 $0x8900  }
0x9b: {  	[tilespmem:s24], [sflag:$0x1] =	stream.indirect.gather @!p0 [hbm4b:s3+s25], $0x20, s23, s25, $0xb8;
	[tilespmem:$0x13800] =	vst v63  }
0x9c: {  	s23 =	simm.s32 @!p0 $0x818;
	s24 =	simm.s32 @!p0 $0x8F40  }
0x9d: {  	[tilespmem:s24], [sflag:$0x1] =	stream.indirect.gather @!p0 [hbm4b:s3+s25], $0x20, s23, s25, $0xb8;
	[tilespmem:$0x13800] =	vst v63  }
0x9e: {  	s23 =	simm.s32 @!p0 $0x850;
	s24 =	simm.s32 @!p0 $0x9580  }
0x9f: {  	[tilespmem:s24], [sflag:$0x1] =	stream.indirect.gather @!p0 [hbm4b:s3+s25], $0x20, s23, s25, $0xb8;
	[tilespmem:$0x13800] =	vst v63  }
0xa0: {  	s23 =	simm.s32 @!p0 $0x888;
	s24 =	simm.s32 @!p0 $0x9BC0  }
0xa1: {  	[tilespmem:s24], [sflag:$0x1] =	stream.indirect.gather @!p0 [hbm4b:s3+s25], $0x20, s23, s25, $0xb8;
	[tilespmem:$0x13800] =	vst v63  }
0xa2: {  	s23 =	simm.s32 @!p0 $0x8C0;
	s24 =	simm.s32 @!p0 $0xA200  }
0xa3: {  	[tilespmem:s24], [sflag:$0x1] =	stream.indirect.gather @!p0 [hbm4b:s3+s25], $0x20, s23, s25, $0xb8;
	[tilespmem:$0x13800] =	vst v63  }
0xa4: {  	s23 =	simm.s32 @!p0 $0x8F8;
	s24 =	simm.s32 @!p0 $0xA840  }
0xa5: {  	[tilespmem:s24], [sflag:$0x1] =	stream.indirect.gather @!p0 [hbm4b:s3+s25], $0x20, s23, s25, $0xb8;
	[tilespmem:$0x13800] =	vst v63  }
0xa6: {  	s23 =	simm.s32 @!p0 $0x930;
	s24 =	simm.s32 @!p0 $0xAE80  }
0xa7: {  	[tilespmem:s24], [sflag:$0x1] =	stream.indirect.gather @!p0 [hbm4b:s3+s25], $0x20, s23, s25, $0xb8;
	[tilespmem:$0x13800] =	vst v63  }
0xa8: {  	s23 =	simm.s32 @!p0 $0x968;
	s24 =	simm.s32 @!p0 $0xB4C0  }
0xa9: {  	[tilespmem:s24], [sflag:$0x1] =	stream.indirect.gather @!p0 [hbm4b:s3+s25], $0x20, s23, s25, $0xb8;
	[tilespmem:$0x13800] =	vst v63  }
0xaa: {  	s23 =	simm.s32 @!p0 $0x9A0;
	s24 =	simm.s32 @!p0 $0xBB00  }
0xab: {  	[tilespmem:s24], [sflag:$0x1] =	stream.indirect.gather @!p0 [hbm4b:s3+s25], $0x20, s23, s25, $0xb8;
	[tilespmem:$0x13800] =	vst v63  }
0xac: {  	s23 =	simm.s32 @!p0 $0x9D8;
	s24 =	simm.s32 @!p0 $0xC140  }
0xad: {  	[tilespmem:s24], [sflag:$0x1] =	stream.indirect.gather @!p0 [hbm4b:s3+s25], $0x20, s23, s25, $0xb8;
	[tilespmem:$0x13800] =	vst v63  }
0xae: {  	s23 =	simm.s32 @!p0 $0xA10;
	s24 =	simm.s32 @!p0 $0xC780  }
0xaf: {  	[tilespmem:s24], [sflag:$0x1] =	stream.indirect.gather @!p0 [hbm4b:s3+s25], $0x20, s23, s25, $0xb8;
	[tilespmem:$0x13800] =	vst v63  }
0xb0: {  	s23 =	simm.s32 @!p0 $0xA48;
	s24 =	simm.s32 @!p0 $0xCDC0  }
0xb1: {  	[tilespmem:s24], [sflag:$0x1] =	stream.indirect.gather @!p0 [hbm4b:s3+s25], $0x20, s23, s25, $0xb8;
	[tilespmem:$0x13800] =	vst v63  }
0xb2: {  	_ =	swait.ge [sflag:s19], $0x640  }
0xb3: {  	[sflag:s19] =	ssyncset.done $0x0  }
0xb4: {  	[sflag:s19] =	ssyncadd.s32 $0xFFFFF9C0  }
0xb5: {  	_ =	swait.ge [sflag:s19], $0x640  }
0xb6: {  	[sflag:s19] =	ssyncset.done $0x0  }
0xb7: {  	[sflag:s19] =	ssyncadd.s32 $0xFFFFF9C0  }
0xb8: {  	_ =	swait.ge [sflag:s19], $0x640  }
0xb9: {  	[sflag:s19] =	ssyncset.done $0x0  }
0xba: {  	[sflag:s19] =	ssyncadd.s32 $0xFFFFF9C0  }
0xbb: {  	_ =	swait.ge [sflag:s19], $0x640  }
0xbc: {  	[sflag:s19] =	ssyncset.done $0x0  }
0xbd: {  	[sflag:s19] =	ssyncadd.s32 $0xFFFFF9C0  }
0xbe: {  	_ =	swait.ge [sflag:s19], $0x640  }
0xbf: {  	[sflag:s19] =	ssyncset.done $0x0  }
0xc0: {  	[sflag:s19] =	ssyncadd.s32 $0xFFFFF9C0  }
0xc1: {  	_ =	swait.ge [sflag:s19], $0x640  }
0xc2: {  	[sflag:s19] =	ssyncset.done $0x0  }
0xc3: {  	[sflag:s19] =	ssyncadd.s32 $0xFFFFF9C0  }
0xc4: {  	_ =	swait.ge [sflag:s19], $0x640  }
0xc5: {  	[sflag:s19] =	ssyncset.done $0x0  }
0xc6: {  	[sflag:s19] =	ssyncadd.s32 $0xFFFFF9C0  }
0xc7: {  	_ =	swait.ge [sflag:s19], $0x640  }
0xc8: {  	[sflag:s19] =	ssyncset.done $0x0  }
0xc9: {  	[sflag:s19] =	ssyncadd.s32 $0xFFFFF9C0  }
0xca: {  	_ =	swait.ge [sflag:s19], $0x640  }
0xcb: {  	[sflag:s19] =	ssyncset.done $0x0  }
0xcc: {  	[sflag:s19] =	ssyncadd.s32 $0xFFFFF9C0  }
0xcd: {  	_ =	swait.ge [sflag:s19], $0x640  }
0xce: {  	[sflag:s19] =	ssyncset.done $0x0  }
0xcf: {  	[sflag:s19] =	ssyncadd.s32 $0xFFFFF9C0  }
0xd0: {  	_ =	swait.ge [sflag:s19], $0x640  }
0xd1: {  	[sflag:s19] =	ssyncset.done $0x0  }
0xd2: {  	[sflag:s19] =	ssyncadd.s32 $0xFFFFF9C0  }
0xd3: {  	_ =	swait.ge [sflag:s19], $0x640  }
0xd4: {  	[sflag:s19] =	ssyncset.done $0x0  }
0xd5: {  	[sflag:s19] =	ssyncadd.s32 $0xFFFFF9C0  }
0xd6: {  	_ =	swait.ge [sflag:s19], $0x640  }
0xd7: {  	[sflag:s19] =	ssyncset.done $0x0  }
0xd8: {  	[sflag:s19] =	ssyncadd.s32 $0xFFFFF9C0  }
0xd9: {  	_ =	swait.ge [sflag:s19], $0x640  }
0xda: {  	[sflag:s19] =	ssyncset.done $0x0  }
0xdb: {  	[sflag:s19] =	ssyncadd.s32 $0xFFFFF9C0  }
0xdc: {  	s28 =	simm.s32 $0x3800;
	_ =	swait.ge [sflag:s19], $0x640  }
0xdd: {  	p1 =	por $0x0, $0x0;
	s26 =	sadd.s32 $0xC80, s6;
	[sflag:s19] =	ssyncset.done $0x0  }
0xde: {  	s24 =	simm.s32 $0x1C00;
	s25 =	sadd.s32 $0x1900, s6;
	[sflag:s19] =	ssyncadd.s32 $0xFFFFF9C0  }
0xdf: {  	s23 =	sadd.s32 $0xC80, s25;
	s29 =	sadd.s32 $0x1900, s25;
	_ =	swait.ge [sflag:s19], $0x640  }
.LBB2_2:
0xe0: {  	[sflag:s19] =	ssyncset.done $0x0  }
0xe1: {  	s1 =	simm.s32 @!p1 $0x4;
	[sflag:s19] =	ssyncadd.s32 $0xFFFFF9C0  }
0xe2: {  	[hbm4b:s26+s2] =	stream.linear.scatter [tilespmem:s17], [sflag:$0x4], $0x6400, $0x38;
	[tilespmem:$0x13800] =	vst v63  }
0xe3: {  	_ =	swait.ge @!p1 [sflag:s1], $0x6400  }
0xe4: {  	s31 =	sshra.s32 s24, $0x2;
	[sflag:s1] =	ssyncset.done @!p1 $0x0  }
0xe5: {  	s10 =	sadd.s32 $0x380, s31;
	[sflag:s1] =	ssyncadd.s32 @!p1 $0xFFFF9C00  }
0xe6: {  	[tilespmem:s17], [sflag:$0x2] =	stream.indirect.gather [hbm4b:s3+s8], $0x20, s10, s8, $0xb8;
	[tilespmem:$0x13800] =	vst v63  }
0xe7: {  	s13 =	sadd.s32 $0x3B8, s31;
	s11 =	rddreg [dreg:$0x3]  }
0xe8: {  	[tilespmem:s11], [sflag:$0x2] =	stream.indirect.gather [hbm4b:s3+s8], $0x20, s13, s8, $0xb8;
	[tilespmem:$0x13800] =	vst v63  }
0xe9: {  	s15 =	sadd.s32 $0x3F0, s31;
	s14 =	rddreg [dreg:$0x4]  }
0xea: {  	[tilespmem:s14], [sflag:$0x2] =	stream.indirect.gather [hbm4b:s3+s8], $0x20, s15, s8, $0xb8;
	[tilespmem:$0x13800] =	vst v63  }
0xeb: {  	s4 =	sadd.s32 $0x428, s31;
	s16 =	rddreg [dreg:$0x5]  }
0xec: {  	[tilespmem:s16], [sflag:$0x2] =	stream.indirect.gather [hbm4b:s3+s8], $0x20, s4, s8, $0xb8;
	[tilespmem:$0x13800] =	vst v63  }
0xed: {  	s5 =	rddreg [dreg:$0x6];
	s11 =	sadd.s32 $0x460, s31  }
0xee: {  	[tilespmem:s5], [sflag:$0x2] =	stream.indirect.gather [hbm4b:s3+s8], $0x20, s11, s8, $0xb8;
	[tilespmem:$0x13800] =	vst v63  }
0xef: {  	s12 =	rddreg [dreg:$0x7];
	s13 =	sadd.s32 $0x498, s31  }
0xf0: {  	[tilespmem:s12], [sflag:$0x2] =	stream.indirect.gather [hbm4b:s3+s8], $0x20, s13, s8, $0xb8;
	[tilespmem:$0x13800] =	vst v63  }
0xf1: {  	s14 =	rddreg [dreg:$0x8];
	s15 =	sadd.s32 $0x4D0, s31  }
0xf2: {  	[tilespmem:s14], [sflag:$0x2] =	stream.indirect.gather [hbm4b:s3+s8], $0x20, s15, s8, $0xb8;
	[tilespmem:$0x13800] =	vst v63  }
0xf3: {  	s16 =	rddreg [dreg:$0x9];
	s4 =	sadd.s32 $0x508, s31  }
0xf4: {  	[tilespmem:s16], [sflag:$0x2] =	stream.indirect.gather [hbm4b:s3+s8], $0x20, s4, s8, $0xb8;
	[tilespmem:$0x13800] =	vst v63  }
0xf5: {  	s5 =	rddreg [dreg:$0xa];
	s11 =	sadd.s32 $0x540, s31  }
0xf6: {  	[tilespmem:s5], [sflag:$0x2] =	stream.indirect.gather [hbm4b:s3+s8], $0x20, s11, s8, $0xb8;
	[tilespmem:$0x13800] =	vst v63  }
0xf7: {  	s12 =	rddreg [dreg:$0xb];
	s13 =	sadd.s32 $0x578, s31  }
0xf8: {  	[tilespmem:s12], [sflag:$0x2] =	stream.indirect.gather [hbm4b:s3+s8], $0x20, s13, s8, $0xb8;
	[tilespmem:$0x13800] =	vst v63  }
0xf9: {  	s14 =	rddreg [dreg:$0xc];
	s15 =	sadd.s32 $0x5B0, s31  }
0xfa: {  	[tilespmem:s14], [sflag:$0x2] =	stream.indirect.gather [hbm4b:s3+s8], $0x20, s15, s8, $0xb8;
	[tilespmem:$0x13800] =	vst v63  }
0xfb: {  	s16 =	rddreg [dreg:$0xd];
	s4 =	sadd.s32 $0x5E8, s31  }
0xfc: {  	[tilespmem:s16], [sflag:$0x2] =	stream.indirect.gather [hbm4b:s3+s8], $0x20, s4, s8, $0xb8;
	[tilespmem:$0x13800] =	vst v63  }
0xfd: {  	s5 =	rddreg [dreg:$0xe];
	s11 =	sadd.s32 $0x620, s31  }
0xfe: {  	[tilespmem:s5], [sflag:$0x2] =	stream.indirect.gather [hbm4b:s3+s8], $0x20, s11, s8, $0xb8;
	[tilespmem:$0x13800] =	vst v63  }
0xff: {  	s12 =	rddreg [dreg:$0xf];
	s13 =	sadd.s32 $0x658, s31  }
0x100: {  	[tilespmem:s12], [sflag:$0x2] =	stream.indirect.gather [hbm4b:s3+s8], $0x20, s13, s8, $0xb8;
	[tilespmem:$0x13800] =	vst v63  }
0x101: {  	s14 =	rddreg [dreg:$0x10];
	s15 =	sadd.s32 $0x690, s31  }
0x102: {  	[tilespmem:s14], [sflag:$0x2] =	stream.indirect.gather [hbm4b:s3+s8], $0x20, s15, s8, $0xb8;
	[tilespmem:$0x13800] =	vst v63  }
0x103: {  	s31 =	sadd.s32 $0x6C8, s31;
	s16 =	rddreg [dreg:$0x11]  }
0x104: {  	[tilespmem:s16], [sflag:$0x2] =	stream.indirect.gather [hbm4b:s3+s8], $0x20, s31, s8, $0xb8;
	[tilespmem:$0x13800] =	vst v63  }
0x105: {  	_ =	swait.ge [sflag:s18], $0x640  }
0x106: {  	[sflag:s18] =	ssyncset.done $0x0  }
0x107: {  	[sflag:s18] =	ssyncadd.s32 $0xFFFFF9C0  }
0x108: {  	_ =	swait.ge [sflag:s18], $0x640  }
0x109: {  	[sflag:s18] =	ssyncset.done $0x0  }
0x10a: {  	[sflag:s18] =	ssyncadd.s32 $0xFFFFF9C0  }
0x10b: {  	_ =	swait.ge [sflag:s18], $0x640  }
0x10c: {  	[sflag:s18] =	ssyncset.done $0x0  }
0x10d: {  	[sflag:s18] =	ssyncadd.s32 $0xFFFFF9C0  }
0x10e: {  	_ =	swait.ge [sflag:s18], $0x640  }
0x10f: {  	[sflag:s18] =	ssyncset.done $0x0  }
0x110: {  	[sflag:s18] =	ssyncadd.s32 $0xFFFFF9C0  }
0x111: {  	_ =	swait.ge [sflag:s18], $0x640  }
0x112: {  	[sflag:s18] =	ssyncset.done $0x0  }
0x113: {  	[sflag:s18] =	ssyncadd.s32 $0xFFFFF9C0  }
0x114: {  	_ =	swait.ge [sflag:s18], $0x640  }
0x115: {  	[sflag:s18] =	ssyncset.done $0x0  }
0x116: {  	[sflag:s18] =	ssyncadd.s32 $0xFFFFF9C0  }
0x117: {  	_ =	swait.ge [sflag:s18], $0x640  }
0x118: {  	[sflag:s18] =	ssyncset.done $0x0  }
0x119: {  	[sflag:s18] =	ssyncadd.s32 $0xFFFFF9C0  }
0x11a: {  	_ =	swait.ge [sflag:s18], $0x640  }
0x11b: {  	[sflag:s18] =	ssyncset.done $0x0  }
0x11c: {  	[sflag:s18] =	ssyncadd.s32 $0xFFFFF9C0  }
0x11d: {  	_ =	swait.ge [sflag:s18], $0x640  }
0x11e: {  	[sflag:s18] =	ssyncset.done $0x0  }
0x11f: {  	[sflag:s18] =	ssyncadd.s32 $0xFFFFF9C0  }
0x120: {  	_ =	swait.ge [sflag:s18], $0x640  }
0x121: {  	[sflag:s18] =	ssyncset.done $0x0  }
0x122: {  	[sflag:s18] =	ssyncadd.s32 $0xFFFFF9C0  }
0x123: {  	_ =	swait.ge [sflag:s18], $0x640  }
0x124: {  	[sflag:s18] =	ssyncset.done $0x0  }
0x125: {  	[sflag:s18] =	ssyncadd.s32 $0xFFFFF9C0  }
0x126: {  	_ =	swait.ge [sflag:s18], $0x640  }
0x127: {  	[sflag:s18] =	ssyncset.done $0x0  }
0x128: {  	[sflag:s18] =	ssyncadd.s32 $0xFFFFF9C0  }
0x129: {  	_ =	swait.ge [sflag:s18], $0x640  }
0x12a: {  	[sflag:s18] =	ssyncset.done $0x0  }
0x12b: {  	[sflag:s18] =	ssyncadd.s32 $0xFFFFF9C0  }
0x12c: {  	_ =	swait.ge [sflag:s18], $0x640  }
0x12d: {  	[sflag:s18] =	ssyncset.done $0x0  }
0x12e: {  	[sflag:s18] =	ssyncadd.s32 $0xFFFFF9C0  }
0x12f: {  	_ =	swait.ge [sflag:s18], $0x640  }
0x130: {  	[sflag:s18] =	ssyncset.done $0x0  }
0x131: {  	[sflag:s18] =	ssyncadd.s32 $0xFFFFF9C0  }
0x132: {  	s0 =	sadd.s32 $0xC80, s29;
	_ =	swait.ge [sflag:s18], $0x640  }
0x133: {  	s26 =	smov.u32 s23;
	p1 =	seq.s32 s24, $0x1A400;
	[sflag:s18] =	ssyncset.done $0x0  }
0x134: {  	s23 =	smov.u32 s0;
	s0 =	simm.s32 @!p1 $0x3;
	[sflag:s18] =	ssyncadd.s32 $0xFFFFF9C0  }
0x135: {  	[hbm4b:s25+s2] =	stream.linear.scatter [tilespmem:s9], [sflag:$0x3], $0x6400, $0x38;
	[tilespmem:$0x13800] =	vst v63  }
0x136: {  	_ =	swait.ge @!p1 [sflag:s0], $0x6400  }
0x137: {  	s1 =	sshra.s32 @!p1 s24, $0x2;
	s24 =	simm.s32 @!p1 $0x7000;
	[sflag:s0] =	ssyncset.done @!p1 $0x0  }
0x138: {  	s10 =	sadd.s32 @!p1 $0x700, s1;
	s31 =	simm.s32 @!p1 $0x32;
	[sflag:s0] =	ssyncadd.s32 @!p1 $0xFFFF9C00  }
0x139: {  	[tilespmem:s24], [sflag:$0x1] =	stream.indirect.gather @!p1 [hbm4b:s3+s31], $0x20, s10, s31, $0xb8;
	[tilespmem:$0x13800] =	vst v63  }
0x13a: {  	s11 =	sadd.s32 @!p1 $0x738, s1;
	s0 =	simm.s32 @!p1 $0x7640  }
0x13b: {  	[tilespmem:s0], [sflag:$0x1] =	stream.indirect.gather @!p1 [hbm4b:s3+s31], $0x20, s11, s31, $0xb8;
	[tilespmem:$0x13800] =	vst v63  }
0x13c: {  	s25 =	sadd.s32 @!p1 $0x770, s1;
	s10 =	simm.s32 @!p1 $0x7C80  }
0x13d: {  	[tilespmem:s10], [sflag:$0x1] =	stream.indirect.gather @!p1 [hbm4b:s3+s31], $0x20, s25, s31, $0xb8;
	[tilespmem:$0x13800] =	vst v63  }
0x13e: {  	s24 =	sadd.s32 @!p1 $0x7A8, s1;
	s0 =	simm.s32 @!p1 $0x82C0  }
0x13f: {  	[tilespmem:s0], [sflag:$0x1] =	stream.indirect.gather @!p1 [hbm4b:s3+s31], $0x20, s24, s31, $0xb8;
	[tilespmem:$0x13800] =	vst v63  }
0x140: {  	s12 =	sadd.s32 @!p1 $0x7E0, s1;
	s10 =	simm.s32 @!p1 $0x8900  }
0x141: {  	[tilespmem:s10], [sflag:$0x1] =	stream.indirect.gather @!p1 [hbm4b:s3+s31], $0x20, s12, s31, $0xb8;
	[tilespmem:$0x13800] =	vst v63  }
0x142: {  	s11 =	sadd.s32 @!p1 $0x818, s1;
	s0 =	simm.s32 @!p1 $0x8F40  }
0x143: {  	[tilespmem:s0], [sflag:$0x1] =	stream.indirect.gather @!p1 [hbm4b:s3+s31], $0x20, s11, s31, $0xb8;
	[tilespmem:$0x13800] =	vst v63  }
0x144: {  	s13 =	sadd.s32 @!p1 $0x850, s1;
	s10 =	simm.s32 @!p1 $0x9580  }
0x145: {  	[tilespmem:s10], [sflag:$0x1] =	stream.indirect.gather @!p1 [hbm4b:s3+s31], $0x20, s13, s31, $0xb8;
	[tilespmem:$0x13800] =	vst v63  }
0x146: {  	s25 =	sadd.s32 @!p1 $0x888, s1;
	s0 =	simm.s32 @!p1 $0x9BC0  }
0x147: {  	[tilespmem:s0], [sflag:$0x1] =	stream.indirect.gather @!p1 [hbm4b:s3+s31], $0x20, s25, s31, $0xb8;
	[tilespmem:$0x13800] =	vst v63  }
0x148: {  	s14 =	sadd.s32 @!p1 $0x8C0, s1;
	s10 =	simm.s32 @!p1 $0xA200  }
0x149: {  	[tilespmem:s10], [sflag:$0x1] =	stream.indirect.gather @!p1 [hbm4b:s3+s31], $0x20, s14, s31, $0xb8;
	[tilespmem:$0x13800] =	vst v63  }
0x14a: {  	s15 =	sadd.s32 @!p1 $0x8F8, s1;
	s0 =	simm.s32 @!p1 $0xA840  }
0x14b: {  	[tilespmem:s0], [sflag:$0x1] =	stream.indirect.gather @!p1 [hbm4b:s3+s31], $0x20, s15, s31, $0xb8;
	[tilespmem:$0x13800] =	vst v63  }
0x14c: {  	s16 =	sadd.s32 @!p1 $0x930, s1;
	s10 =	simm.s32 @!p1 $0xAE80  }
0x14d: {  	[tilespmem:s10], [sflag:$0x1] =	stream.indirect.gather @!p1 [hbm4b:s3+s31], $0x20, s16, s31, $0xb8;
	[tilespmem:$0x13800] =	vst v63  }
0x14e: {  	s12 =	sadd.s32 @!p1 $0x968, s1;
	s0 =	simm.s32 @!p1 $0xB4C0  }
0x14f: {  	[tilespmem:s0], [sflag:$0x1] =	stream.indirect.gather @!p1 [hbm4b:s3+s31], $0x20, s12, s31, $0xb8;
	[tilespmem:$0x13800] =	vst v63  }
0x150: {  	s4 =	sadd.s32 @!p1 $0x9A0, s1;
	s10 =	simm.s32 @!p1 $0xBB00  }
0x151: {  	[tilespmem:s10], [sflag:$0x1] =	stream.indirect.gather @!p1 [hbm4b:s3+s31], $0x20, s4, s31, $0xb8;
	[tilespmem:$0x13800] =	vst v63  }
0x152: {  	s11 =	sadd.s32 @!p1 $0x9D8, s1;
	s0 =	simm.s32 @!p1 $0xC140  }
0x153: {  	[tilespmem:s0], [sflag:$0x1] =	stream.indirect.gather @!p1 [hbm4b:s3+s31], $0x20, s11, s31, $0xb8;
	[tilespmem:$0x13800] =	vst v63  }
0x154: {  	s5 =	sadd.s32 @!p1 $0xA10, s1;
	s4 =	simm.s32 @!p1 $0xC780  }
0x155: {  	[tilespmem:s4], [sflag:$0x1] =	stream.indirect.gather @!p1 [hbm4b:s3+s31], $0x20, s5, s31, $0xb8;
	[tilespmem:$0x13800] =	vst v63  }
0x156: {  	s1 =	sadd.s32 @!p1 $0xA48, s1;
	s0 =	simm.s32 @!p1 $0xCDC0  }
0x157: {  	[tilespmem:s0], [sflag:$0x1] =	stream.indirect.gather @!p1 [hbm4b:s3+s31], $0x20, s1, s31, $0xb8;
	[tilespmem:$0x13800] =	vst v63  }
0x158: {  	_ =	swait.ge [sflag:s19], $0x640  }
0x159: {  	[sflag:s19] =	ssyncset.done $0x0  }
0x15a: {  	[sflag:s19] =	ssyncadd.s32 $0xFFFFF9C0  }
0x15b: {  	_ =	swait.ge [sflag:s19], $0x640  }
0x15c: {  	[sflag:s19] =	ssyncset.done $0x0  }
0x15d: {  	[sflag:s19] =	ssyncadd.s32 $0xFFFFF9C0  }
0x15e: {  	_ =	swait.ge [sflag:s19], $0x640  }
0x15f: {  	[sflag:s19] =	ssyncset.done $0x0  }
0x160: {  	[sflag:s19] =	ssyncadd.s32 $0xFFFFF9C0  }
0x161: {  	_ =	swait.ge [sflag:s19], $0x640  }
0x162: {  	[sflag:s19] =	ssyncset.done $0x0  }
0x163: {  	[sflag:s19] =	ssyncadd.s32 $0xFFFFF9C0  }
0x164: {  	_ =	swait.ge [sflag:s19], $0x640  }
0x165: {  	[sflag:s19] =	ssyncset.done $0x0  }
0x166: {  	[sflag:s19] =	ssyncadd.s32 $0xFFFFF9C0  }
0x167: {  	_ =	swait.ge [sflag:s19], $0x640  }
0x168: {  	[sflag:s19] =	ssyncset.done $0x0  }
0x169: {  	[sflag:s19] =	ssyncadd.s32 $0xFFFFF9C0  }
0x16a: {  	_ =	swait.ge [sflag:s19], $0x640  }
0x16b: {  	[sflag:s19] =	ssyncset.done $0x0  }
0x16c: {  	[sflag:s19] =	ssyncadd.s32 $0xFFFFF9C0  }
0x16d: {  	_ =	swait.ge [sflag:s19], $0x640  }
0x16e: {  	[sflag:s19] =	ssyncset.done $0x0  }
0x16f: {  	[sflag:s19] =	ssyncadd.s32 $0xFFFFF9C0  }
0x170: {  	_ =	swait.ge [sflag:s19], $0x640  }
0x171: {  	[sflag:s19] =	ssyncset.done $0x0  }
0x172: {  	[sflag:s19] =	ssyncadd.s32 $0xFFFFF9C0  }
0x173: {  	_ =	swait.ge [sflag:s19], $0x640  }
0x174: {  	[sflag:s19] =	ssyncset.done $0x0  }
0x175: {  	[sflag:s19] =	ssyncadd.s32 $0xFFFFF9C0  }
0x176: {  	_ =	swait.ge [sflag:s19], $0x640  }
0x177: {  	[sflag:s19] =	ssyncset.done $0x0  }
0x178: {  	[sflag:s19] =	ssyncadd.s32 $0xFFFFF9C0  }
0x179: {  	_ =	swait.ge [sflag:s19], $0x640  }
0x17a: {  	[sflag:s19] =	ssyncset.done $0x0  }
0x17b: {  	[sflag:s19] =	ssyncadd.s32 $0xFFFFF9C0  }
0x17c: {  	_ =	swait.ge [sflag:s19], $0x640  }
0x17d: {  	[sflag:s19] =	ssyncset.done $0x0  }
0x17e: {  	[sflag:s19] =	ssyncadd.s32 $0xFFFFF9C0  }
0x17f: {  	s30 =	smov.u32 s28;
	s28 =	sadd.s32 $0x1C00, s28;
	_ =	swait.ge [sflag:s19], $0x640  }
0x180: {  	p0 =	sne.s32 s28, $0x1C000;
	[sflag:s19] =	ssyncset.done $0x0  }
.Ltmp0:
0x181: {  	[sflag:s19] =	ssyncadd.s32 $0xFFFFF9C0;
	(pc) =	sbr.rel @p0 .LBB2_2-.Ltmp0, $4  }
0x182: {  	_ =	swait.ge [sflag:s19], $0x640  }
0x183: {  	[sflag:s19] =	ssyncset.done $0x0  }
0x184: {  	s24 =	smov.u32 s30;
	s25 =	smov.u32 s29;
	[sflag:s19] =	ssyncadd.s32 $0xFFFFF9C0  }
0x185: {  	s29 =	sadd.s32 $0x1900, s29;
	p1 =	seq.s32 s24, $0x0;
	_ =	swait.ge [sflag:s19], $0x640  }
0x186: {  	[sflag:s19] =	ssyncset.done $0x0  }
0x187: {  	s0 =	simm.s32 @!p1 $0x4;
	[sflag:s19] =	ssyncadd.s32 $0xFFFFF9C0  }
0x188: {  	[hbm4b:s26+s2] =	stream.linear.scatter [tilespmem:s17], [sflag:$0x4], $0x6400, $0x38;
	[tilespmem:$0x13800] =	vst v63  }
0x189: {  	_ =	swait.ge @!p1 [sflag:s0], $0x6400  }
0x18a: {  	s1 =	sshra.s32 s24, $0x2;
	[sflag:s0] =	ssyncset.done @!p1 $0x0  }
0x18b: {  	s4 =	sadd.s32 $0x380, s1;
	[sflag:s0] =	ssyncadd.s32 @!p1 $0xFFFF9C00  }
0x18c: {  	[tilespmem:s17], [sflag:$0x2] =	stream.indirect.gather [hbm4b:s3+s8], $0x20, s4, s8, $0xb8;
	[tilespmem:$0x13800] =	vst v63  }
0x18d: {  	s16 =	sadd.s32 $0x3B8, s1;
	s5 =	rddreg [dreg:$0x3]  }
0x18e: {  	[tilespmem:s5], [sflag:$0x2] =	stream.indirect.gather [hbm4b:s3+s8], $0x20, s16, s8, $0xb8;
	[tilespmem:$0x13800] =	vst v63  }
0x18f: {  	s28 =	sadd.s32 $0x3F0, s1;
	s26 =	rddreg [dreg:$0x4]  }
0x190: {  	[tilespmem:s26], [sflag:$0x2] =	stream.indirect.gather [hbm4b:s3+s8], $0x20, s28, s8, $0xb8;
	[tilespmem:$0x13800] =	vst v63  }
0x191: {  	s30 =	sadd.s32 $0x428, s1;
	s29 =	rddreg [dreg:$0x5]  }
0x192: {  	[tilespmem:s29], [sflag:$0x2] =	stream.indirect.gather [hbm4b:s3+s8], $0x20, s30, s8, $0xb8;
	[tilespmem:$0x13800] =	vst v63  }
0x193: {  	s10 =	sadd.s32 $0x460, s1;
	s31 =	rddreg [dreg:$0x6]  }
0x194: {  	[tilespmem:s31], [sflag:$0x2] =	stream.indirect.gather [hbm4b:s3+s8], $0x20, s10, s8, $0xb8;
	[tilespmem:$0x13800] =	vst v63  }
0x195: {  	s12 =	sadd.s32 $0x498, s1;
	s11 =	rddreg [dreg:$0x7]  }
0x196: {  	[tilespmem:s11], [sflag:$0x2] =	stream.indirect.gather [hbm4b:s3+s8], $0x20, s12, s8, $0xb8;
	[tilespmem:$0x13800] =	vst v63  }
0x197: {  	s14 =	sadd.s32 $0x4D0, s1;
	s13 =	rddreg [dreg:$0x8]  }
0x198: {  	[tilespmem:s13], [sflag:$0x2] =	stream.indirect.gather [hbm4b:s3+s8], $0x20, s14, s8, $0xb8;
	[tilespmem:$0x13800] =	vst v63  }
0x199: {  	s15 =	rddreg [dreg:$0x9];
	s16 =	sadd.s32 $0x508, s1  }
0x19a: {  	[tilespmem:s15], [sflag:$0x2] =	stream.indirect.gather [hbm4b:s3+s8], $0x20, s16, s8, $0xb8;
	[tilespmem:$0x13800] =	vst v63  }
0x19b: {  	s26 =	rddreg [dreg:$0xa];
	s28 =	sadd.s32 $0x540, s1  }
0x19c: {  	[tilespmem:s26], [sflag:$0x2] =	stream.indirect.gather [hbm4b:s3+s8], $0x20, s28, s8, $0xb8;
	[tilespmem:$0x13800] =	vst v63  }
0x19d: {  	s29 =	rddreg [dreg:$0xb];
	s30 =	sadd.s32 $0x578, s1  }
0x19e: {  	[tilespmem:s29], [sflag:$0x2] =	stream.indirect.gather [hbm4b:s3+s8], $0x20, s30, s8, $0xb8;
	[tilespmem:$0x13800] =	vst v63  }
0x19f: {  	s31 =	rddreg [dreg:$0xc];
	s10 =	sadd.s32 $0x5B0, s1  }
0x1a0: {  	[tilespmem:s31], [sflag:$0x2] =	stream.indirect.gather [hbm4b:s3+s8], $0x20, s10, s8, $0xb8;
	[tilespmem:$0x13800] =	vst v63  }
0x1a1: {  	s11 =	rddreg [dreg:$0xd];
	s12 =	sadd.s32 $0x5E8, s1  }
0x1a2: {  	[tilespmem:s11], [sflag:$0x2] =	stream.indirect.gather [hbm4b:s3+s8], $0x20, s12, s8, $0xb8;
	[tilespmem:$0x13800] =	vst v63  }
0x1a3: {  	s13 =	rddreg [dreg:$0xe];
	s14 =	sadd.s32 $0x620, s1  }
0x1a4: {  	[tilespmem:s13], [sflag:$0x2] =	stream.indirect.gather [hbm4b:s3+s8], $0x20, s14, s8, $0xb8;
	[tilespmem:$0x13800] =	vst v63  }
0x1a5: {  	s15 =	rddreg [dreg:$0xf];
	s16 =	sadd.s32 $0x658, s1  }
0x1a6: {  	[tilespmem:s15], [sflag:$0x2] =	stream.indirect.gather [hbm4b:s3+s8], $0x20, s16, s8, $0xb8;
	[tilespmem:$0x13800] =	vst v63  }
0x1a7: {  	s26 =	rddreg [dreg:$0x10];
	s28 =	sadd.s32 $0x690, s1  }
0x1a8: {  	[tilespmem:s26], [sflag:$0x2] =	stream.indirect.gather [hbm4b:s3+s8], $0x20, s28, s8, $0xb8;
	[tilespmem:$0x13800] =	vst v63  }
0x1a9: {  	s29 =	rddreg [dreg:$0x11];
	s30 =	sadd.s32 $0x6C8, s1  }
0x1aa: {  	[tilespmem:s29], [sflag:$0x2] =	stream.indirect.gather [hbm4b:s3+s8], $0x20, s30, s8, $0xb8;
	[tilespmem:$0x13800] =	vst v63  }
0x1ab: {  	_ =	swait.ge [sflag:s18], $0x640  }
0x1ac: {  	[sflag:s18] =	ssyncset.done $0x0  }
0x1ad: {  	[sflag:s18] =	ssyncadd.s32 $0xFFFFF9C0  }
0x1ae: {  	_ =	swait.ge [sflag:s18], $0x640  }
0x1af: {  	[sflag:s18] =	ssyncset.done $0x0  }
0x1b0: {  	[sflag:s18] =	ssyncadd.s32 $0xFFFFF9C0  }
0x1b1: {  	_ =	swait.ge [sflag:s18], $0x640  }
0x1b2: {  	[sflag:s18] =	ssyncset.done $0x0  }
0x1b3: {  	[sflag:s18] =	ssyncadd.s32 $0xFFFFF9C0  }
0x1b4: {  	_ =	swait.ge [sflag:s18], $0x640  }
0x1b5: {  	[sflag:s18] =	ssyncset.done $0x0  }
0x1b6: {  	[sflag:s18] =	ssyncadd.s32 $0xFFFFF9C0  }
0x1b7: {  	_ =	swait.ge [sflag:s18], $0x640  }
0x1b8: {  	[sflag:s18] =	ssyncset.done $0x0  }
0x1b9: {  	[sflag:s18] =	ssyncadd.s32 $0xFFFFF9C0  }
0x1ba: {  	_ =	swait.ge [sflag:s18], $0x640  }
0x1bb: {  	[sflag:s18] =	ssyncset.done $0x0  }
0x1bc: {  	[sflag:s18] =	ssyncadd.s32 $0xFFFFF9C0  }
0x1bd: {  	_ =	swait.ge [sflag:s18], $0x640  }
0x1be: {  	[sflag:s18] =	ssyncset.done $0x0  }
0x1bf: {  	[sflag:s18] =	ssyncadd.s32 $0xFFFFF9C0  }
0x1c0: {  	_ =	swait.ge [sflag:s18], $0x640  }
0x1c1: {  	[sflag:s18] =	ssyncset.done $0x0  }
0x1c2: {  	[sflag:s18] =	ssyncadd.s32 $0xFFFFF9C0  }
0x1c3: {  	_ =	swait.ge [sflag:s18], $0x640  }
0x1c4: {  	[sflag:s18] =	ssyncset.done $0x0  }
0x1c5: {  	[sflag:s18] =	ssyncadd.s32 $0xFFFFF9C0  }
0x1c6: {  	_ =	swait.ge [sflag:s18], $0x640  }
0x1c7: {  	[sflag:s18] =	ssyncset.done $0x0  }
0x1c8: {  	[sflag:s18] =	ssyncadd.s32 $0xFFFFF9C0  }
0x1c9: {  	_ =	swait.ge [sflag:s18], $0x640  }
0x1ca: {  	[sflag:s18] =	ssyncset.done $0x0  }
0x1cb: {  	[sflag:s18] =	ssyncadd.s32 $0xFFFFF9C0  }
0x1cc: {  	_ =	swait.ge [sflag:s18], $0x640  }
0x1cd: {  	[sflag:s18] =	ssyncset.done $0x0  }
0x1ce: {  	[sflag:s18] =	ssyncadd.s32 $0xFFFFF9C0  }
0x1cf: {  	_ =	swait.ge [sflag:s18], $0x640  }
0x1d0: {  	[sflag:s18] =	ssyncset.done $0x0  }
0x1d1: {  	[sflag:s18] =	ssyncadd.s32 $0xFFFFF9C0  }
0x1d2: {  	_ =	swait.ge [sflag:s18], $0x640  }
0x1d3: {  	[sflag:s18] =	ssyncset.done $0x0  }
0x1d4: {  	[sflag:s18] =	ssyncadd.s32 $0xFFFFF9C0  }
0x1d5: {  	_ =	swait.ge [sflag:s18], $0x640  }
0x1d6: {  	[sflag:s18] =	ssyncset.done $0x0  }
0x1d7: {  	[sflag:s18] =	ssyncadd.s32 $0xFFFFF9C0  }
0x1d8: {  	_ =	swait.ge [sflag:s18], $0x640  }
0x1d9: {  	p0 =	seq.s32 s24, $0x1A400;
	[sflag:s18] =	ssyncset.done $0x0  }
0x1da: {  	s0 =	simm.s32 @!p0 $0x3;
	[sflag:s18] =	ssyncadd.s32 $0xFFFFF9C0  }
0x1db: {  	[hbm4b:s25+s2] =	stream.linear.scatter [tilespmem:s9], [sflag:$0x3], $0x6400, $0x38;
	[tilespmem:$0x13800] =	vst v63  }
0x1dc: {  	_ =	swait.ge @!p0 [sflag:s0], $0x6400  }
0x1dd: {  	s5 =	simm.s32 @!p0 $0x32;
	s1 =	sshra.s32 @!p0 s24, $0x2;
	[sflag:s0] =	ssyncset.done @!p0 $0x0  }
0x1de: {  	s4 =	sadd.s32 @!p0 $0x700, s1;
	s10 =	simm.s32 @!p0 $0x7000;
	[sflag:s0] =	ssyncadd.s32 @!p0 $0xFFFF9C00  }
0x1df: {  	[tilespmem:s10], [sflag:$0x1] =	stream.indirect.gather @!p0 [hbm4b:s3+s5], $0x20, s4, s5, $0xb8;
	[tilespmem:$0x13800] =	vst v63  }
0x1e0: {  	s0 =	sadd.s32 @!p0 $0x738, s1;
	s4 =	simm.s32 @!p0 $0x7640  }
0x1e1: {  	[tilespmem:s4], [sflag:$0x1] =	stream.indirect.gather @!p0 [hbm4b:s3+s5], $0x20, s0, s5, $0xb8;
	[tilespmem:$0x13800] =	vst v63  }
0x1e2: {  	s0 =	sadd.s32 @!p0 $0x770, s1;
	s4 =	simm.s32 @!p0 $0x7C80  }
0x1e3: {  	[tilespmem:s4], [sflag:$0x1] =	stream.indirect.gather @!p0 [hbm4b:s3+s5], $0x20, s0, s5, $0xb8;
	[tilespmem:$0x13800] =	vst v63  }
0x1e4: {  	s0 =	sadd.s32 @!p0 $0x7A8, s1;
	s4 =	simm.s32 @!p0 $0x82C0  }
0x1e5: {  	[tilespmem:s4], [sflag:$0x1] =	stream.indirect.gather @!p0 [hbm4b:s3+s5], $0x20, s0, s5, $0xb8;
	[tilespmem:$0x13800] =	vst v63  }
0x1e6: {  	s0 =	sadd.s32 @!p0 $0x7E0, s1;
	s4 =	simm.s32 @!p0 $0x8900  }
0x1e7: {  	[tilespmem:s4], [sflag:$0x1] =	stream.indirect.gather @!p0 [hbm4b:s3+s5], $0x20, s0, s5, $0xb8;
	[tilespmem:$0x13800] =	vst v63  }
0x1e8: {  	s0 =	sadd.s32 @!p0 $0x818, s1;
	s4 =	simm.s32 @!p0 $0x8F40  }
0x1e9: {  	[tilespmem:s4], [sflag:$0x1] =	stream.indirect.gather @!p0 [hbm4b:s3+s5], $0x20, s0, s5, $0xb8;
	[tilespmem:$0x13800] =	vst v63  }
0x1ea: {  	s0 =	sadd.s32 @!p0 $0x850, s1;
	s4 =	simm.s32 @!p0 $0x9580  }
0x1eb: {  	[tilespmem:s4], [sflag:$0x1] =	stream.indirect.gather @!p0 [hbm4b:s3+s5], $0x20, s0, s5, $0xb8;
	[tilespmem:$0x13800] =	vst v63  }
0x1ec: {  	s0 =	sadd.s32 @!p0 $0x888, s1;
	s4 =	simm.s32 @!p0 $0x9BC0  }
0x1ed: {  	[tilespmem:s4], [sflag:$0x1] =	stream.indirect.gather @!p0 [hbm4b:s3+s5], $0x20, s0, s5, $0xb8;
	[tilespmem:$0x13800] =	vst v63  }
0x1ee: {  	s0 =	sadd.s32 @!p0 $0x8C0, s1;
	s4 =	simm.s32 @!p0 $0xA200  }
0x1ef: {  	[tilespmem:s4], [sflag:$0x1] =	stream.indirect.gather @!p0 [hbm4b:s3+s5], $0x20, s0, s5, $0xb8;
	[tilespmem:$0x13800] =	vst v63  }
0x1f0: {  	s0 =	sadd.s32 @!p0 $0x8F8, s1;
	s4 =	simm.s32 @!p0 $0xA840  }
0x1f1: {  	[tilespmem:s4], [sflag:$0x1] =	stream.indirect.gather @!p0 [hbm4b:s3+s5], $0x20, s0, s5, $0xb8;
	[tilespmem:$0x13800] =	vst v63  }
0x1f2: {  	s0 =	sadd.s32 @!p0 $0x930, s1;
	s4 =	simm.s32 @!p0 $0xAE80  }
0x1f3: {  	[tilespmem:s4], [sflag:$0x1] =	stream.indirect.gather @!p0 [hbm4b:s3+s5], $0x20, s0, s5, $0xb8;
	[tilespmem:$0x13800] =	vst v63  }
0x1f4: {  	s0 =	sadd.s32 @!p0 $0x968, s1;
	s4 =	simm.s32 @!p0 $0xB4C0  }
0x1f5: {  	[tilespmem:s4], [sflag:$0x1] =	stream.indirect.gather @!p0 [hbm4b:s3+s5], $0x20, s0, s5, $0xb8;
	[tilespmem:$0x13800] =	vst v63  }
0x1f6: {  	s0 =	sadd.s32 @!p0 $0x9A0, s1;
	s4 =	simm.s32 @!p0 $0xBB00  }
0x1f7: {  	[tilespmem:s4], [sflag:$0x1] =	stream.indirect.gather @!p0 [hbm4b:s3+s5], $0x20, s0, s5, $0xb8;
	[tilespmem:$0x13800] =	vst v63  }
0x1f8: {  	s0 =	sadd.s32 @!p0 $0x9D8, s1;
	s4 =	simm.s32 @!p0 $0xC140  }
0x1f9: {  	[tilespmem:s4], [sflag:$0x1] =	stream.indirect.gather @!p0 [hbm4b:s3+s5], $0x20, s0, s5, $0xb8;
	[tilespmem:$0x13800] =	vst v63  }
0x1fa: {  	s0 =	sadd.s32 @!p0 $0xA10, s1;
	s4 =	simm.s32 @!p0 $0xC780  }
0x1fb: {  	[tilespmem:s4], [sflag:$0x1] =	stream.indirect.gather @!p0 [hbm4b:s3+s5], $0x20, s0, s5, $0xb8;
	[tilespmem:$0x13800] =	vst v63  }
0x1fc: {  	s0 =	sadd.s32 @!p0 $0xA48, s1;
	s1 =	simm.s32 @!p0 $0xCDC0  }
0x1fd: {  	[tilespmem:s1], [sflag:$0x1] =	stream.indirect.gather @!p0 [hbm4b:s3+s5], $0x20, s0, s5, $0xb8;
	[tilespmem:$0x13800] =	vst v63  }
0x1fe: {  	_ =	swait.ge [sflag:s19], $0x640  }
0x1ff: {  	[sflag:s19] =	ssyncset.done $0x0  }
0x200: {  	[sflag:s19] =	ssyncadd.s32 $0xFFFFF9C0  }
0x201: {  	_ =	swait.ge [sflag:s19], $0x640  }
0x202: {  	[sflag:s19] =	ssyncset.done $0x0  }
0x203: {  	[sflag:s19] =	ssyncadd.s32 $0xFFFFF9C0  }
0x204: {  	_ =	swait.ge [sflag:s19], $0x640  }
0x205: {  	[sflag:s19] =	ssyncset.done $0x0  }
0x206: {  	[sflag:s19] =	ssyncadd.s32 $0xFFFFF9C0  }
0x207: {  	_ =	swait.ge [sflag:s19], $0x640  }
0x208: {  	[sflag:s19] =	ssyncset.done $0x0  }
0x209: {  	[sflag:s19] =	ssyncadd.s32 $0xFFFFF9C0  }
0x20a: {  	_ =	swait.ge [sflag:s19], $0x640  }
0x20b: {  	[sflag:s19] =	ssyncset.done $0x0  }
0x20c: {  	[sflag:s19] =	ssyncadd.s32 $0xFFFFF9C0  }
0x20d: {  	_ =	swait.ge [sflag:s19], $0x640  }
0x20e: {  	[sflag:s19] =	ssyncset.done $0x0  }
0x20f: {  	[sflag:s19] =	ssyncadd.s32 $0xFFFFF9C0  }
0x210: {  	_ =	swait.ge [sflag:s19], $0x640  }
0x211: {  	[sflag:s19] =	ssyncset.done $0x0  }
0x212: {  	[sflag:s19] =	ssyncadd.s32 $0xFFFFF9C0  }
0x213: {  	_ =	swait.ge [sflag:s19], $0x640  }
0x214: {  	[sflag:s19] =	ssyncset.done $0x0  }
0x215: {  	[sflag:s19] =	ssyncadd.s32 $0xFFFFF9C0  }
0x216: {  	_ =	swait.ge [sflag:s19], $0x640  }
0x217: {  	[sflag:s19] =	ssyncset.done $0x0  }
0x218: {  	[sflag:s19] =	ssyncadd.s32 $0xFFFFF9C0  }
0x219: {  	_ =	swait.ge [sflag:s19], $0x640  }
0x21a: {  	[sflag:s19] =	ssyncset.done $0x0  }
0x21b: {  	[sflag:s19] =	ssyncadd.s32 $0xFFFFF9C0  }
0x21c: {  	_ =	swait.ge [sflag:s19], $0x640  }
0x21d: {  	[sflag:s19] =	ssyncset.done $0x0  }
0x21e: {  	[sflag:s19] =	ssyncadd.s32 $0xFFFFF9C0  }
0x21f: {  	_ =	swait.ge [sflag:s19], $0x640  }
0x220: {  	[sflag:s19] =	ssyncset.done $0x0  }
0x221: {  	[sflag:s19] =	ssyncadd.s32 $0xFFFFF9C0  }
0x222: {  	_ =	swait.ge [sflag:s19], $0x640  }
0x223: {  	[sflag:s19] =	ssyncset.done $0x0  }
0x224: {  	[sflag:s19] =	ssyncadd.s32 $0xFFFFF9C0  }
0x225: {  	_ =	swait.ge [sflag:s19], $0x640  }
0x226: {  	[sflag:s19] =	ssyncset.done $0x0  }
0x227: {  	[sflag:s19] =	ssyncadd.s32 $0xFFFFF9C0  }
0x228: {  	_ =	swait.ge [sflag:s19], $0x640  }
0x229: {  	[sflag:s19] =	ssyncset.done $0x0  }
0x22a: {  	[sflag:s19] =	ssyncadd.s32 $0xFFFFF9C0  }
0x22b: {  	_ =	swait.ge [sflag:s19], $0x640  }
0x22c: {  	[sflag:s19] =	ssyncset.done $0x0  }
0x22d: {  	[sflag:s19] =	ssyncadd.s32 $0xFFFFF9C0  }
0x22e: {  	[hbm4b:s23+s2] =	stream.linear.scatter [tilespmem:s17], [sflag:$0x4], $0x6400, $0x38;
	[tilespmem:$0x13800] =	vst v63  }
0x22f: {  	_ =	swait.ge [sflag:s20], $0x6400  }
0x230: {  	[sflag:s20] =	ssyncset.done $0x0  }
0x231: {  	[sflag:s20] =	ssyncadd.s32 $0xFFFF9C00  }
0x232: {  	_ =	swait.ge [sflag:s21], $0x6400  }
0x233: {  	s22 =	sadd.s32 $0x1, s22;
	s31 =	rddreg [dreg:$0x13]  }
0x234: {  	p0 =	sne.s32 s22, s31  }
.Ltmp1:
0x235: {  	_ = 	snop;
	(pc) =	sbr.rel @p0 .LBB2_1-.Ltmp1, $3  }
0x236: {  	_ =	sdelay $0x1  }
0x237: {  	[sflag:s21] =	ssyncset.done $0x0  }
0x238: {  	[sflag:s21] =	ssyncadd.s32 $0xFFFF9C00  }
0x239: {  	_ =	sfence.sel $0x180000  }
0x23a: {  	[bflag:$0x0] =	sbarrier.arrive $0xFFFF  }
0x23b: {  	_ =	strace $0x9000004A  }
0x23c: {  	s0 =	stileid.u32;
	[bflag:$0x2] =	sbarrier.arrive $0xFFFF  }
0x23d: {  	p0 =	sne.s32 s0, $0x0;
	s0 =	rddreg [dreg:$0x2]  }
0x23e: {  	s0 =	sadd.s32 @!p0 $0x100000, s0  }
0x23f: {  	[sflag:s0] =	ssyncadd.tile.s32 @!p0 $0x1;
	_ =	shalt  }
.Lfunc_end2:
_tile_overlayer_lowered:
.L_overlay_start_2:
0x240: {  	(tag) =	ssettag $0x2  }
0x241: {  	s0 =	rddreg [dreg:$0x0];
	s2 =	stileid.u32  }
0x242: {  	s1 =	rddreg [dreg:$0x1];
	p0 =	sne.s32 s2, $0x0  }
0x243: {  	s3 =	rddreg [dreg:$0x2];
	[bflag:$0x3] =	sbarrier.arrive $0xFFFF;
	s2 =	simm.s32 @!p0 $0x1C05  }
0x244: {  	[timem:s3], [sflag:s2] =	dma.local @!p0 [hbm:s0], s1  }
0x245: {  	s0 =	simm.s32 @!p0 $0x5  }
0x246: {  	_ =	swait.ge @!p0 [sflag:s0], s1  }
0x247: {  	s1 =	ssub.s32 @!p0 $0x0, s1;
	[sflag:s0] =	ssyncset.done @!p0 $0x0  }
0x248: {  	[sflag:s0] =	ssyncadd.s32 @!p0 s1  }
0x249: {  	[bflag:$0x3] =	sbarrier.arrive $0xFFFF  }
0x24a: {  	_ =	shalt  }

// kernel: sparse-core-data-format-call.1.cloned.1.call-start
scs
called_computation.1_lowered:
.L_overlay_start_0:
0x0: {  	s1 =	sld [smem:$0x3FD9]  }
0x1: {  	s2 =	sld [smem:$0x3FFE];
	_ =	sdelay $0x1  }
0x2: {  	s3 =	srdreg.scid  }
0x3: {  	s0 =	sand.u32 $0x1, s3  }
0x4: {  	s17 =	sshll.u32 s0, $0xA;
	s1 =	sadd.s32 s2, s1  }
0x5: {  	s1 =	sadd.s32 s1, s17  }
0x6: {  	[smem:$0x3FC6] =	sst s1  }
0x7: {  	_ = 	snop  }
0x8: {  	(tm) =	ssettm $0x1  }
0x9: {  	s18 =	sld [smem:$0x3FFB];
	_ =	sdelay $0x3  }
0xa: {  	_ =	strace s18  }
0xb: {  	s1 =	sld [smem:$0x3FFC];
	_ =	sdelay $0x3  }
0xc: {  	_ =	strace s1  }
0xd: {  	s1 =	sld [smem:$0x3FFD];
	_ =	sdelay $0x3  }
0xe: {  	_ =	strace s1  }
0xf: {  	_ =	strace $0x8FFFFFFF  }
0x10: {  	s19 =	sld [smem:$0x3FDB];
	_ =	sdelay $0x1  }
0x11: {  	s20 =	simm.s32 $_scs_section_size  }
0x12: {  	s4 =	simm.s32 $_size__tile_overlayer_lowered;
	s5 =	simm.s32 $_tile_overlayer_lowered  }
0x13: {  	s23 =	simm.s32 $0x1BFF;
	s22 =	sshll.u32 s5, $0x1;
	s1 =	sadd.s32 s20, s19  }
0x14: {  	s6 =	simm.s32 $0x0;
	s21 =	sshll.u32 s4, $0x1;
	s4 =	sadd.s32 s22, s1  }
0x15: {  	[timem:s6], [sflag:s23] =	dma.local [hbm:s4], s21  }
0x16: {  	_ =	swait.ge [sflag:s23], s21  }
0x17: {  	s2 =	ssub.s32 $0x0, s21;
	[sflag:s23] =	ssyncset.done $0x0  }
0x18: {  	[sflag:s23] =	ssyncadd.s32 s2;
	_ =	sdelay $0x1  }
0x19: {  	s24 =	simm.s32 $0x1B8B  }
0x1a: {  	_ =	swait.ge [sflag:s24], $0x1  }
0x1b: {  	[sflag:s24] =	ssyncset.done $0x0  }
0x1c: {  	s26 =	simm.s32 $0x1B8E;
	s25 =	sld [smem:$0x3FFE];
	[sflag:s24] =	ssyncadd.s32 $0xFFFFFFFF  }
0x1d: {  	s27 =	simm.s32 $execute0_lowered;
	[smem:$0x3FD2] =	sst s26  }
0x1e: {  	s4 =	sshll.u32 s27, $0x1;
	_ =	strace $0x80000046;
	[dreg:$0x1] =	wrdreg $0xFFFFFFFF  }
0x1f: {  	s28 =	simm.s32 $_size_execute0_lowered;
	s1 =	sadd.s32 s1, s4;
	[dreg:$0x0] =	wrdreg $0x0  }
0x20: {  	s4 =	sshll.u32 s28, $0x1;
	[dreg:$0x2] =	wrdreg s1  }
0x21: {  	[dreg:$0x3] =	wrdreg s4  }
0x22: {  	[dreg:$0x4] =	wrdreg $0xC0  }
0x23: {  	_ =	task [dreg:s6], $0x5FFFF  }
0x24: {  	[dreg:$0x1] =	wrdreg $0xFFFFFFFF  }
0x25: {  	[dreg:$0x0] =	wrdreg $0x60  }
0x26: {  	[dreg:$0x2] =	wrdreg s25  }
0x27: {  	[dreg:$0x3] =	wrdreg $0x9  }
0x28: {  	_ =	task.clear_ibuf [dreg:s6], $0x4FFFF;
	_ =	strace $0x90000046  }
0x29: {  	s29 =	simm.s32 $0x9;
	_ =	strace $0x80000048  }
0x2a: {  	_ =	swait.ge [sflag:s29], $0x1  }
0x2b: {  	[sflag:s29] =	ssyncadd.s32 $0xFFFFFFFF  }
0x2c: {  	_ =	strace $0x90000048  }
0x2d: {  	_ =	sfence  }
0x2e: {  	s30 =	sld [smem:$0x0];
	_ =	sdelay $0x2  }
0x2f: {  	s31 =	sshll.u32 s3, $0xD;
	s3 =	sshrl.u32 s3, $0x2  }
0x30: {  	s2 =	sand.u32 $0x4000, s31;
	s1 =	sadd.s32 s3, s30  }
0x31: {  	s0 =	sor.u32 s2, s0;
	s1 =	sshll.u32 s1, $0x11  }
0x32: {  	s0 =	sor.u32 s1, s0  }
0x33: {  	s0 =	sadd.s32 $0x8F2B, s0  }
0x34: {  	[sflag:s0] =	ssyncadd.remote.s32 $0x1  }
0x35: {  	_ =	sfence.sel $0xFFFF  }
0x36: {  	[dreg:$0x0] =	wrdreg $0xFFFFFFFF;
	(pc) =	sbr.abs _section_cstart, $3  }
0x37: {  	[dreg:$0x1] =	wrdreg $0xFFFFFFFF  }
0x38: {  	_ =	task.clear_ibuf [dreg:s6], $0x2FFFF;
	_ =	strace $0x9FFFFFFF  }
0x39: {  	(tm) =	ssettm $0x7FFFFFFF  }
tec
execute0_lowered:
.L_overlay_start_1:
0x0: {  	(tag) =	ssettag $0x1  }
0x1: {  	s0 =	srdreg.scid  }
0x2: {  	s5 =	rddreg [dreg:$0x0];
	s1 =	stileid.u32;
	s4 =	simm.s32 $0x1  }
0x3: {  	s6 =	simm.s32 $0x2;
	s15 =	simm.s32 $0x0;
	p0 =	por $0x0, $0x0  }
0x4: {  	s8 =	simm.s32 $0x80;
	s14 =	simm.s32 $0x0;
	s2 =	sshll.u32 s0, $0x4  }
0x5: {  	s9 =	simm.s32 $0x0;
	s10 =	simm.s32 $0x0;
	s2 =	sand.u32 $0x10, s2  }
.Ltmp0:
0x6: {  	s12 =	simm.s32 $0x0;
	s3 =	sor.u32 s1, s2;
	(pc) =	sbr.rel .LBB1_1-.Ltmp0, $4  }
0x7: {  	s0 =	rddreg [dreg:$0x1];
	_ =	strace $0x80000047;
	s3 =	sshll.u32 s3, $0x7  }
0x8: {  	s13 =	simm.s32 $0x0;
	[sflag:s4] =	ssyncpa.u1 $0x0;
	s7 =	ssub.s32 $0xF4200, s3  }
0x9: {  	s2 =	sadd.s32 $0xE00, s5;
	[sflag:s6] =	ssyncpa.u1 $0x0;
	s6 =	sshrl.u32 s7, $0xC  }
0xa: {  	s5 =	sadd.s32 $0x3D1800, s5;
	s11 =	smov.u32 s3;
	s7 =	sadd.s32 $0x2, s6  }
.LBB1_5:
0xb: {  	p1 =	slt.u32 s13, $0x2  }
0xc: {  	s17 =	smov.u32 s15;
	p2 =	sgt.s32 @!p1 s15, $0xF41C0;
	s16 =	sshra.s32 @!p1 s15, $0x1F  }
0xd: {  	p3 =	sgt.s32 @!p1 s14, $0x60;
	s18 =	sshra.s32 @!p1 s14, $0x1F;
	p2 =	por !p2, p1  }
0xe: {  	s15 =	sand.u32 @!p1 s16, s15;
	p3 =	por !p3, p1;
	s16 =	smov.u32 s14  }
0xf: {  	s14 =	sand.u32 @!p1 s18, s14;
	s17 =	simm.s32 @p2 $0xF41C0;
	s16 =	simm.s32 @p3 $0x60  }
0x10: {  	s15 =	ssub.s32 @!p1 s17, s15;
	s14 =	ssub.s32 @!p1 s16, s14  }
0x11: {  	s18 =	smov.u32 s12;
	s16 =	sadd.s32 @!p1 $0xFFF0BE40, s15;
	s17 =	sadd.s32 @!p1 $0xFFFFFFA0, s14  }
0x12: {  	s15 =	ssub.s32 @!p1 $0xF4240, s15;
	p2 =	sgt.s32 @!p1 s16, $0x7F;
	p3 =	sgt.s32 @!p1 s17, $0x1F  }
0x13: {  	s14 =	ssub.s32 @!p1 $0x80, s14;
	p2 =	por !p2, p1;
	p3 =	por !p3, p1  }
0x14: {  	s16 =	sadd.s32 $0x1000, s11;
	s15 =	simm.s32 @!p2 $0x0;
	s14 =	simm.s32 @!p3 $0x0  }
0x15: {  	p2 =	sgt.s32 s16, $0xF423F;
	s14 =	smul.u32 @!p1 s14, s15;
	s15 =	sadd.s32 $0x20, s12  }
0x16: {  	s18 =	smov.u32 @p2 s15  }
0x17: {  	s16 =	smov.u32 @p2 s3;
	p2 =	sgt.s32 s18, $0x1F  }
0x18: {  	s18 =	simm.s32 @p2 $0x0;
	p2 =	sne.s32 s13, s7  }
.Ltmp1:
0x19: {  	p0 =	por !p0, !p0;
	s17 =	simm.s32 @!p1 $0x2;
	(pc) =	sbr.rel @!p2 .LBB1_6-.Ltmp1, $4  }
0x1a: {  	s15 =	smov.u32 s9;
	s9 =	smov.u32 s11;
	s14 =	sand.u32 @!p1 $0x3FFFFFFF, s14  }
0x1b: {  	s11 =	smov.u32 s16;
	_ =	swait.ge @!p1 [sflag:s17], s14;
	s19 =	ssub.s32 @!p1 $0x0, s14  }
0x1c: {  	s14 =	smov.u32 s10;
	s13 =	sadd.s32 $0x1, s13;
	[sflag:s17] =	ssyncset.done @!p1 $0x0  }
0x1d: {  	s10 =	smov.u32 s12;
	s12 =	smov.u32 s18;
	[sflag:s17] =	ssyncadd.s32 @!p1 s19  }
.LBB1_1:
0x1e: {  	p1 =	sgt.u32 s13, s6  }
0x1f: {  	s16 =	sshrl.u32 @!p1 s12, $0x3  }
0x20: {  	s17 =	sshll.u32 @!p1 s11, $0x3;
	s16 =	smul.u32 @!p1 $0x7A1400, s16  }
0x21: {  	s18 =	sshll.u32 @!p1 s12, $0x7;
	s17 =	sand.u32 @!p1 $0xFFFFFC00, s17  }
0x22: {  	s16 =	sadd.s32 @!p1 s16, s17;
	s17 =	sand.u32 @!p1 $0x380, s18  }
0x23: {  	s18 =	sand.u32 @!p1 $0x7F, s11;
	s16 =	sor.u32 @!p1 s17, s16  }
0x24: {  	s17 =	sor.u32 @!p1 s18, s16  }
0x25: {  	s18 =	smulhi.u32 @!p1 $0x218D6287, s17;
	_ =	sdelay $0x1  }
0x26: {  	s16 =	smulhi.u32 @!p1 $0x218D6287, s16;
	s18 =	sshrl.u32 @!p1 s18, $0x11  }
0x27: {  	s18 =	smul.u32 @!p1 $0xF4280, s18  }
0x28: {  	s19 =	sxor.u32 @!p1 $0xFFFFFFFF, s13;
	s16 =	sshrl.u32 @!p1 s16, $0x11  }
0x29: {  	s19 =	sshll.u32 @!p1 s19, $0xC;
	s16 =	sand.u32 @!p1 $0x1F, s16;
	s17 =	ssub.s32 @!p1 s17, s18  }
0x2a: {  	s16 =	smul.u32 @!p1 $0x1E850, s16;
	s18 =	sshrl.u32 @!p1 s17, $0x3;
	s17 =	sand.u32 @!p1 $0x7, s17  }
0x2b: {  	s19 =	sand.u32 @!p1 $0x1000, s19;
	s18 =	sadd.s32 @!p1 s2, s18;
	s17 =	sshll.u32 @!p1 s17, $0x12  }
0x2c: {  	s16 =	sadd.s32 @!p1 s16, s18;
	s17 =	sor.u32 @!p1 $0x400, s17;
	s18 =	simm.s32 @!p1 $0x7A1400  }
0x2d: {  	[tilespmem:s19], [sflag:$0x1] =	stream.strided.gather @!p1 [hbm4b:s16+s17], $0x1000, s18, s17, $0x38;
	[tilespmem:$0x4100] =	vst v63  }
0x2e: {  	p1 =	seq.s32 s13, $0x0  }
0x2f: {  	p2 =	sge.u32 @!p1 s13, s7  }
0x30: {  	p1 =	por p1, p2  }
.Ltmp2:
0x31: {  	_ = 	snop;
	(pc) =	sbr.rel @p1 .LBB1_5-.Ltmp2, $1  }
0x32: {  	_ =	sdelay $0x3  }
0x33: {  	s16 =	simm.s32 $0x1  }
0x34: {  	_ =	swait.ge [sflag:s4], $0x1000;
	s16 =	simm.s32 @!p0 $0x0  }
0x35: {  	[sflag:s4] =	ssyncset.done $0x0;
	s17 =	sshll.u32 s16, $0xC  }
0x36: {  	[sflag:s4] =	ssyncadd.s32 $0xFFFFF000;
	s17 =	sor.u32 $0x40, s17  }
0x37: {  	s16 =	smul.u32 $0x4200, s16;
	v0 =	vld [tilespmem:s17+$0x30]  }
0x38: {  	v1 =	vld [tilespmem:s17+$0xFFFFFFD0]  }
0x39: {  	s16 =	sshrl.u32 s16, $0x2;
	v5 =	vld [tilespmem:s17+$0xFFFFFFE0]  }
0x3a: {  	v6 =	vld [tilespmem:s17+$0xFFFFFFF0];
	s19 =	sor.u32 $0x2000, s16  }
0x3b: {  	s31 =	sand.u32 $0x1, s13;
	v4 =	vld [tilespmem:s17+$0x0];
	s18 =	sadd.s32 $0x0, s19  }
0x3c: {  	v3 =	vld [tilespmem:s17+$0x10];
	s16 =	smul.u32 $0x4200, s31;
	[tilespmem:s18+$0xE70 ss:$0x21] =	vst.msk $0xffff, v0  }
0x3d: {  	v2 =	vld [tilespmem:s17+$0x20];
	[tilespmem:s18+$0x210 ss:$0x21] =	vst.msk $0xffff, v1  }
0x3e: {  	s16 =	sshrl.u32 s16, $0x2;
	v1 =	vld [tilespmem:s17+$0xFFFFFFC0];
	[tilespmem:s18+$0x420 ss:$0x21] =	vst.msk $0xffff, v5;
	s17 =	sadd.s32 $0x80, s17  }
0x3f: {  	s20 =	simm.s32 $0x4;
	s21 =	simm.s32 $0x8;
	s16 =	sor.u32 $0x2000, s16;
	[tilespmem:s18+$0x630 ss:$0x21] =	vst.msk $0xffff, v6;
	v0 =	vld [tilespmem:s17+$0x30]  }
.LBB1_3:
0x40: {  	p1 =	sne.s32 s21, $0x7C;
	v5 =	vld [tilespmem:s17+$0xFFFFFFD0];
	[tilespmem:s18+$0x840 ss:$0x21] =	vst.msk $0xffff, v4  }
0x41: {  	v6 =	vld [tilespmem:s17+$0xFFFFFFE0];
	[tilespmem:s18+$0xA50 ss:$0x21] =	vst.msk $0xffff, v3  }
0x42: {  	s22 =	sshra.s32 s20, $0x2;
	s20 =	smov.u32 s21;
	v7 =	vld [tilespmem:s17+$0xFFFFFFF0];
	[tilespmem:s18+$0xC60 ss:$0x21] =	vst.msk $0xffff, v2  }
.Ltmp3:
0x43: {  	v4 =	vld [tilespmem:s17+$0x0];
	[tilespmem:s18+$0x0 ss:$0x21] =	vst.msk $0xffff, v1;
	s18 =	sadd.s32 s22, s19;
	(pc) =	sbr.rel @p1 .LBB1_3-.Ltmp3, $4  }
0x44: {  	v3 =	vld [tilespmem:s17+$0x10];
	[tilespmem:s18+$0xE70 ss:$0x21] =	vst.msk $0xffff, v0  }
0x45: {  	[tilespmem:s18+$0x210 ss:$0x21] =	vst.msk $0xffff, v5;
	v2 =	vld [tilespmem:s17+$0x20]  }
0x46: {  	v1 =	vld [tilespmem:s17+$0xFFFFFFC0];
	[tilespmem:s18+$0x420 ss:$0x21] =	vst.msk $0xffff, v6;
	s17 =	sadd.s32 $0x80, s17  }
0x47: {  	s21 =	sadd.s32 $0x4, s21;
	v0 =	vld [tilespmem:s17+$0x30];
	[tilespmem:s18+$0x630 ss:$0x21] =	vst.msk $0xffff, v7  }
0x48: {  	s21 =	sshll.u32 s9, $0x7;
	s22 =	sshll.u32 s10, $0x3;
	s20 =	sshra.s32 s20, $0x2  }
0x49: {  	p1 =	sgt.s32 s9, $0xF41C0;
	s30 =	sshra.s32 s9, $0x1F;
	s25 =	sshra.s32 s10, $0x1F  }
0x4a: {  	v5 =	vld [tilespmem:s17+$0xFFFFFFD0];
	s28 =	sshrl.u32 s10, $0x3;
	s23 =	sand.u32 $0xFFFFFC00, s21;
	s22 =	sand.u32 $0xFFFFFC00, s22  }
0x4b: {  	[tilespmem:s18+$0x840 ss:$0x21] =	vst.msk $0xffff, v4;
	v58 =	vld [tilespmem:s17+$0xFFFFFFE0];
	s21 =	sand.u32 $0x380, s21;
	s19 =	sadd.s32 s20, s19;
	s22 =	sadd.s32 s22, s23  }
0x4c: {  	v59 =	vld [tilespmem:s17+$0xFFFFFFF0];
	[tilespmem:s18+$0xA50 ss:$0x21] =	vst.msk $0xffff, v3;
	s29 =	sor.u32 s21, s22;
	s21 =	smov.u32 s9;
	s22 =	sand.u32 s30, s9  }
0x4d: {  	v60 =	vld [tilespmem:s17+$0x0];
	[tilespmem:s18+$0xC60 ss:$0x21] =	vst.msk $0xffff, v2;
	s30 =	sand.u32 $0x7, s10;
	s20 =	sshrl.u32 s29, $0x7;
	s21 =	simm.s32 @!p1 $0xF41C0  }
0x4e: {  	v61 =	vld [tilespmem:s17+$0x10];
	[tilespmem:s18+$0x0 ss:$0x21] =	vst.msk $0xffff, v1;
	p1 =	sgt.s32 s10, $0x60;
	s24 =	ssub.s32 s21, s22;
	s21 =	smov.u32 s10  }
0x4f: {  	v62 =	vld [tilespmem:s17+$0x20];
	[tilespmem:s19+$0xE70 ss:$0x21] =	vst.msk $0xffff, v0;
	s31 =	smulhi.u32 $0x218DEF5, s20;
	s22 =	sand.u32 s25, s10;
	s21 =	simm.s32 @!p1 $0x60  }
0x50: {  	v63 =	vld [tilespmem:s17+$0xFFFFFFC0];
	[tilespmem:s19+$0x210 ss:$0x21] =	vst.msk $0xffff, v5;
	s26 =	sadd.s32 $0xFFF0BE40, s24;
	s17 =	ssub.s32 $0xF4240, s24;
	s21 =	ssub.s32 s21, s22  }
0x51: {  	[tilespmem:s19+$0x420 ss:$0x21] =	vst.msk $0xffff, v58;
	s23 =	sshrl.u32 s31, $0xD;
	p1 =	sgt.s32 s26, $0x7F;
	s27 =	sadd.s32 $0xFFFFFFA0, s21  }
0x52: {  	[tilespmem:s19+$0x630 ss:$0x21] =	vst.msk $0xffff, v59;
	s23 =	smul.u32 $0xF4240, s23;
	s18 =	ssub.s32 $0x80, s21;
	p2 =	sgt.s32 s27, $0x1F  }
.Ltmp4:
0x53: {  	[tilespmem:s19+$0x840 ss:$0x21] =	vst.msk $0xffff, v60;
	s17 =	simm.s32 @p1 $0x0;
	s18 =	simm.s32 @p2 $0x0;
	(pc) =	sbr.rel .LBB1_5-.Ltmp4, $4  }
0x54: {  	s29 =	sand.u32 $0xF, s28;
	[tilespmem:s19+$0xA50 ss:$0x21] =	vst.msk $0xffff, v61;
	s20 =	ssub.s32 s20, s23;
	s17 =	smul.u32 s18, s17  }
0x55: {  	[tilespmem:s19+$0xC60 ss:$0x21] =	vst.msk $0xffff, v62;
	s21 =	sshll.u32 s30, $0x12;
	s20 =	sshll.u32 s20, $0x4;
	s18 =	sadd.s32 s5, s29  }
0x56: {  	[tilespmem:s19+$0x0 ss:$0x21] =	vst.msk $0xffff, v63;
	s31 =	sor.u32 $0x20, s21;
	s18 =	sadd.s32 s20, s18;
	s17 =	sand.u32 $0x3FFFFFFF, s17  }
0x57: {  	[hbm4b:s18+s31] =	stream.strided.scatter [tilespmem:s16], [sflag:$0x2], s17, s8, s31, $0x10;
	[tilespmem:$0x4100] =	vst v63  }
.LBB1_6:
0x58: {  	_ =	sfence.sel $0x180000  }
0x59: {  	s2 =	simm.s32 $0x1;
	[bflag:$0x0] =	sbarrier.arrive $0xFFFF  }
0x5a: {  	s31 =	simm.s32 $0x2;
	[sflag:s2] =	ssyncpa.u1 $0x1  }
0x5b: {  	[sflag:s31] =	ssyncpa.u1 $0x1  }
0x5c: {  	p0 =	sne.s32 s1, $0x0;
	_ =	strace $0x90000047  }
0x5d: {  	s0 =	sadd.s32 @!p0 $0x100000, s0;
	[bflag:$0x2] =	sbarrier.arrive $0xFFFF  }
0x5e: {  	[sflag:s0] =	ssyncadd.tile.s32 @!p0 $0x1;
	_ =	shalt  }
.Lfunc_end1:
_tile_overlayer_lowered:
.L_overlay_start_2:
0x5f: {  	(tag) =	ssettag $0x2  }
0x60: {  	s0 =	rddreg [dreg:$0x0];
	s2 =	stileid.u32  }
0x61: {  	s1 =	rddreg [dreg:$0x1];
	p0 =	sne.s32 s2, $0x0  }
0x62: {  	s3 =	rddreg [dreg:$0x2];
	[bflag:$0x3] =	sbarrier.arrive $0xFFFF;
	s2 =	simm.s32 @!p0 $0x1C01  }
0x63: {  	[timem:s3], [sflag:s2] =	dma.local @!p0 [hbm:s0], s1  }
0x64: {  	s0 =	simm.s32 @!p0 $0x1  }
0x65: {  	_ =	swait.ge @!p0 [sflag:s0], s1  }
0x66: {  	s1 =	ssub.s32 @!p0 $0x0, s1;
	[sflag:s0] =	ssyncset.done @!p0 $0x0  }
0x67: {  	[sflag:s0] =	ssyncadd.s32 @!p0 s1  }
0x68: {  	[bflag:$0x3] =	sbarrier.arrive $0xFFFF  }
0x69: {  	_ =	shalt  }

// kernel: sparse-core-data-format-call.cloned.1.call-start
scs
called_computation_lowered:
.L_overlay_start_0:
0x0: {  	s2 =	sld [smem:$0x3FD9]  }
0x1: {  	s3 =	sld [smem:$0x3FFE];
	_ =	sdelay $0x1  }
0x2: {  	s1 =	srdreg.scid  }
0x3: {  	s0 =	sand.u32 $0x1, s1  }
0x4: {  	s18 =	sshll.u32 s0, $0xA;
	s2 =	sadd.s32 s3, s2  }
0x5: {  	s2 =	sadd.s32 s2, s18  }
0x6: {  	[smem:$0x3FC6] =	sst s2  }
0x7: {  	_ = 	snop  }
0x8: {  	s2 =	sld [smem:$0x3FD0];
	(tm) =	ssettm $0x1  }
0x9: {  	s19 =	sld [smem:$0x3FFB];
	_ =	sdelay $0x3  }
0xa: {  	_ =	strace s19  }
0xb: {  	s3 =	sld [smem:$0x3FFC];
	_ =	sdelay $0x3  }
0xc: {  	_ =	strace s3  }
0xd: {  	s3 =	sld [smem:$0x3FFD];
	_ =	sdelay $0x3  }
0xe: {  	_ =	strace s3  }
0xf: {  	_ =	strace $0x8FFFFFFF  }
0x10: {  	s20 =	sld [smem:$0x3FDB];
	_ =	sdelay $0x1  }
0x11: {  	s4 =	simm.s32 $_scs_section_size  }
0x12: {  	s5 =	simm.s32 $_size__tile_overlayer_lowered;
	s6 =	simm.s32 $_tile_overlayer_lowered  }
0x13: {  	s23 =	simm.s32 $0x1BFF;
	s22 =	sshll.u32 s6, $0x1;
	s3 =	sadd.s32 s4, s20  }
0x14: {  	s7 =	simm.s32 $0x0;
	s21 =	sshll.u32 s5, $0x1;
	s5 =	sadd.s32 s22, s3  }
0x15: {  	[timem:s7], [sflag:s23] =	dma.local [hbm:s5], s21  }
0x16: {  	_ =	swait.ge [sflag:s23], s21  }
0x17: {  	s4 =	ssub.s32 $0x0, s21;
	[sflag:s23] =	ssyncset.done $0x0  }
0x18: {  	[sflag:s23] =	ssyncadd.s32 s4;
	_ =	sdelay $0x1  }
0x19: {  	s24 =	simm.s32 $0x1B8B  }
0x1a: {  	_ =	swait.ge [sflag:s24], $0x1  }
0x1b: {  	[sflag:s24] =	ssyncset.done $0x0  }
0x1c: {  	s26 =	simm.s32 $0x1B8E;
	s25 =	sld [smem:$0x3FFE];
	[sflag:s24] =	ssyncadd.s32 $0xFFFFFFFF  }
0x1d: {  	s27 =	simm.s32 $execute0_lowered;
	[smem:$0x3FD2] =	sst s26  }
0x1e: {  	s5 =	sshll.u32 s27, $0x1;
	_ =	strace $0x8000004C;
	[dreg:$0x1] =	wrdreg $0xFFFFFFFF  }
0x1f: {  	s28 =	simm.s32 $_size_execute0_lowered;
	s3 =	sadd.s32 s3, s5;
	[dreg:$0x0] =	wrdreg $0x0  }
0x20: {  	s5 =	sshll.u32 s28, $0x1;
	[dreg:$0x2] =	wrdreg s3  }
0x21: {  	[dreg:$0x3] =	wrdreg s5  }
0x22: {  	[dreg:$0x4] =	wrdreg $0xC0  }
0x23: {  	_ =	task [dreg:s7], $0x5FFFF  }
0x24: {  	[dreg:$0x1] =	wrdreg $0xFFFFFFFF  }
0x25: {  	[dreg:$0x0] =	wrdreg $0x60  }
0x26: {  	[dreg:$0x2] =	wrdreg s25  }
0x27: {  	[dreg:$0x3] =	wrdreg s2  }
0x28: {  	[dreg:$0x4] =	wrdreg $0x9  }
0x29: {  	_ =	task.clear_ibuf [dreg:s7], $0x5FFFF;
	_ =	strace $0x9000004C  }
0x2a: {  	s29 =	simm.s32 $0x9;
	_ =	strace $0x8000004E  }
0x2b: {  	_ =	swait.ge [sflag:s29], $0x1  }
0x2c: {  	[sflag:s29] =	ssyncadd.s32 $0xFFFFFFFF  }
0x2d: {  	_ =	strace $0x9000004E  }
0x2e: {  	_ =	sfence  }
0x2f: {  	s30 =	sld [smem:$0x0];
	_ =	sdelay $0x2  }
0x30: {  	s31 =	sshll.u32 s1, $0xD;
	s1 =	sshrl.u32 s1, $0x2  }
0x31: {  	s3 =	sand.u32 $0x4000, s31;
	s1 =	sadd.s32 s1, s30  }
0x32: {  	s0 =	sor.u32 s3, s0;
	s1 =	sshll.u32 s1, $0x11  }
0x33: {  	s0 =	sor.u32 s1, s0  }
0x34: {  	s0 =	sadd.s32 $0x8F2B, s0  }
0x35: {  	[sflag:s0] =	ssyncadd.remote.s32 $0x1  }
0x36: {  	_ =	sfence.sel $0xFFFF  }
0x37: {  	[dreg:$0x0] =	wrdreg $0xFFFFFFFF;
	(pc) =	sbr.abs _section_cstart, $3  }
0x38: {  	[dreg:$0x1] =	wrdreg $0xFFFFFFFF  }
0x39: {  	_ =	task.clear_ibuf [dreg:s7], $0x2FFFF;
	_ =	strace $0x9FFFFFFF  }
0x3a: {  	(tm) =	ssettm $0x7FFFFFFF  }
0x3b: {  	_ =	shalt  }
tec
execute0_lowered:
.L_overlay_start_1:
0x0: {  	(tag) =	ssettag $0x1  }
0x1: {  	s0 =	srdreg.scid  }
0x2: {  	s1 =	sshll.u32 s0, $0x4  }
0x3: {  	s0 =	stileid.u32;
	s1 =	sand.u32 $0x10, s1  }
0x4: {  	s1 =	sor.u32 s0, s1  }
0x5: {  	s6 =	rddreg [dreg:$0x0];
	s4 =	simm.s32 $0x1;
	s2 =	sshll.u32 s1, $0x7  }
0x6: {  	s7 =	simm.s32 $0x2;
	s12 =	simm.s32 $0x0;
	s1 =	ssub.s32 $0x4000, s2  }
0x7: {  	s8 =	simm.s32 $0x20000;
	s13 =	simm.s32 $0x0;
	s3 =	sand.u32 $0xF80, s1  }
0x8: {  	s9 =	simm.s32 $0x0;
	s5 =	sshrl.u32 s1, $0xC;
	p0 =	sne.s32 s3, $0x0  }
.Ltmp0:
0x9: {  	s1 =	rddreg [dreg:$0x2];
	s4 =	simm.s32 @!p0 $0x0;
	(pc) =	sbr.rel .LBB1_1-.Ltmp0, $4  }
0xa: {  	s11 =	simm.s32 $0x0;
	s3 =	rddreg [dreg:$0x1];
	s5 =	sadd.s32 s4, s5  }
0xb: {  	_ =	strace $0x8000004D;
	s4 =	simm.s32 $0x1;
	s5 =	smul.u32 $0x32, s5  }
0xc: {  	s6 =	sadd.s32 $0xE00, s6;
	s10 =	smov.u32 s2;
	[sflag:s4] =	ssyncpa.u1 $0x0  }
0xd: {  	p0 =	por $0x0, $0x0;
	[sflag:s7] =	ssyncpa.u1 $0x0;
	s7 =	sor.u32 $0x1, s5  }
.LBB1_4:
0xe: {  	s16 =	sshll.u32 s13, $0x3;
	s17 =	sand.u32 $0x78, s13  }
0xf: {  	s30 =	sand.u32 $0xF800, s13;
	s12 =	sshll.u32 s12, $0x10;
	s16 =	sand.u32 $0x3C00, s16  }
0x10: {  	s31 =	sand.u32 $0x7, s13;
	s16 =	sor.u32 s17, s16;
	s17 =	sadd.s32 s3, s30  }
0x11: {  	s13 =	sshll.u32 s31, $0x12;
	s16 =	sshrl.u32 s16, $0x3;
	s12 =	sadd.s32 s12, s17  }
0x12: {  	[tilespmem:s15+$0x0 ss:$0x81] =	vst.msk $0xffff, v0;
	s13 =	sor.u32 $0x400, s13;
	s12 =	sadd.s32 s16, s12  }
0x13: {  	[hbm4b:s12+s13] =	stream.strided.scatter [tilespmem:s14], [sflag:$0x2], $0x1000, s8, s13, $0x20;
	[tilespmem:$0x4040] =	vst v63  }
.LBB1_5:
0x14: {  	s14 =	sadd.s32 $0x1, s9  }
0x15: {  	s12 =	sadd.s32 $0x1000, s10;
	s16 =	smov.u32 s10;
	p2 =	sgt.s32 s14, $0x31  }
0x16: {  	s16 =	smov.u32 @p2 s12  }
0x17: {  	s14 =	simm.s32 @p2 $0x0;
	p2 =	sgt.s32 s16, $0x3FFF  }
0x18: {  	s16 =	smov.u32 @p2 s2;
	p2 =	sne.s32 s11, s7  }
.Ltmp1:
0x19: {  	p1 =	slt.u32 s11, $0x2;
	(pc) =	sbr.rel @!p2 .LBB1_6-.Ltmp1, $4  }
0x1a: {  	s15 =	simm.s32 @!p1 $0x2  }
0x1b: {  	s13 =	smov.u32 s10;
	p0 =	por !p0, !p0;
	_ =	swait.ge @!p1 [sflag:s15], $0x1000  }
0x1c: {  	s12 =	smov.u32 s9;
	[sflag:s15] =	ssyncset.done @!p1 $0x0;
	s9 =	smov.u32 s14  }
0x1d: {  	s11 =	sadd.s32 $0x1, s11;
	[sflag:s15] =	ssyncadd.s32 @!p1 $0xFFFFF000;
	s10 =	smov.u32 s16  }
.LBB1_1:
0x1e: {  	p1 =	sge.u32 s11, s5  }
0x1f: {  	s14 =	sand.u32 @!p1 $0x1FFFFFF, s9  }
0x20: {  	s15 =	smulhi.u32 @!p1 $0x4924925, s14;
	_ =	sdelay $0x1  }
0x21: {  	s15 =	smul.u32 @!p1 $0x38, s15  }
0x22: {  	s16 =	sxor.u32 @!p1 $0xFFFFFFFF, s11;
	s17 =	smul.u32 @!p1 $0x380, s10  }
0x23: {  	s31 =	sadd.s32 $0xFFFFFFFF, s11;
	s16 =	sshll.u32 @!p1 s16, $0xC;
	s14 =	ssub.s32 @!p1 s14, s15  }
0x24: {  	s15 =	sand.u32 @!p1 $0x1000, s16;
	s16 =	sadd.s32 @!p1 s6, s17;
	s14 =	sshll.u32 @!p1 s14, $0x4  }
0x25: {  	s17 =	simm.s32 @!p1 $0x1C00;
	s14 =	sadd.s32 @!p1 s14, s16;
	s16 =	simm.s32 @!p1 $0x20  }
0x26: {  	[tilespmem:s15], [sflag:$0x1] =	stream.strided.gather @!p1 [hbm4b:s14+s16], $0x1000, s17, s16, $0x38;
	[tilespmem:$0x4040] =	vst v63  }
0x27: {  	p1 =	sge.u32 s31, s5  }
.Ltmp2:
0x28: {  	_ = 	snop;
	(pc) =	sbr.rel @p1 .LBB1_5-.Ltmp2, $1  }
0x29: {  	_ =	sdelay $0x3  }
0x2a: {  	s14 =	simm.s32 $0x1  }
0x2b: {  	_ =	swait.ge [sflag:s4], $0x1000;
	s14 =	simm.s32 @!p0 $0x0  }
0x2c: {  	[sflag:s4] =	ssyncset.done $0x0;
	s15 =	sshll.u32 s14, $0xC  }
0x2d: {  	[sflag:s4] =	ssyncadd.s32 $0xFFFFF000;
	s18 =	sor.u32 $0x10, s15  }
0x2e: {  	s14 =	smul.u32 $0x4080, s14;
	v1 =	vld [tilespmem:s18+$0x0]  }
0x2f: {  	s30 =	sand.u32 $0x1, s11;
	v0 =	vld [tilespmem:s18+$0xFFFFFFF0]  }
0x30: {  	s15 =	smul.u32 $0x4080, s30;
	s14 =	sshrl.u32 s14, $0x2  }
0x31: {  	s16 =	sor.u32 $0x2000, s14  }
0x32: {  	s31 =	sshrl.u32 s15, $0x2;
	s15 =	sadd.s32 $0x0, s16  }
0x33: {  	s17 =	simm.s32 $0x4;
	s18 =	sadd.s32 $0x20, s18;
	s14 =	sor.u32 $0x2000, s31;
	[tilespmem:s15+$0x810 ss:$0x81] =	vst.msk $0xffff, v1  }
.LBB1_3:
0x34: {  	v1 =	vld [tilespmem:s18+$0x0];
	p1 =	sne.s32 s17, $0x1FC;
	[tilespmem:s15+$0x0 ss:$0x81] =	vst.msk $0xffff, v0;
	s15 =	smov.u32 s17;
	s17 =	sadd.s32 $0x4, s17  }
.Ltmp3:
0x35: {  	v0 =	vld [tilespmem:s18+$0xFFFFFFF0];
	(pc) =	sbr.rel @p1 .LBB1_3-.Ltmp3, $4  }
0x36: {  	_ = 	snop  }
0x37: {  	s15 =	sshra.s32 s15, $0x2  }
0x38: {  	s15 =	sadd.s32 s15, s16  }
0x39: {  	s18 =	sadd.s32 $0x20, s18;
	[tilespmem:s15+$0x810 ss:$0x81] =	vst.msk $0xffff, v1  }
.Ltmp4:
0x3a: {  	_ = 	snop;
	(pc) =	sbr.rel .LBB1_4-.Ltmp4, $1  }
0x3b: {  	_ =	sdelay $0x3  }
.LBB1_6:
0x3c: {  	_ =	sfence.sel $0x180000  }
0x3d: {  	s2 =	simm.s32 $0x1;
	[bflag:$0x0] =	sbarrier.arrive $0xFFFF  }
0x3e: {  	s31 =	simm.s32 $0x2;
	[sflag:s2] =	ssyncpa.u1 $0x1  }
0x3f: {  	[sflag:s31] =	ssyncpa.u1 $0x1  }
0x40: {  	p0 =	sne.s32 s0, $0x0;
	_ =	strace $0x9000004D  }
0x41: {  	s0 =	sadd.s32 @!p0 $0x100000, s1;
	[bflag:$0x2] =	sbarrier.arrive $0xFFFF  }
0x42: {  	[sflag:s0] =	ssyncadd.tile.s32 @!p0 $0x1;
	_ =	shalt  }
.Lfunc_end1:
_tile_overlayer_lowered:
.L_overlay_start_2:
0x43: {  	(tag) =	ssettag $0x2  }
0x44: {  	s0 =	rddreg [dreg:$0x0];
	s2 =	stileid.u32  }
0x45: {  	s1 =	rddreg [dreg:$0x1];
	p0 =	sne.s32 s2, $0x0  }
0x46: {  	s3 =	rddreg [dreg:$0x2];
	[bflag:$0x3] =	sbarrier.arrive $0xFFFF;
	s2 =	simm.s32 @!p0 $0x1C01  }
0x47: {  	[timem:s3], [sflag:s2] =	dma.local @!p0 [hbm:s0], s1  }
0x48: {  	s0 =	simm.s32 @!p0 $0x1  }
0x49: {  	_ =	swait.ge @!p0 [sflag:s0], s1  }
0x4a: {  	s1 =	ssub.s32 @!p0 $0x0, s1;
	[sflag:s0] =	ssyncset.done @!p0 $0x0  }
0x4b: {  	[sflag:s0] =	ssyncadd.s32 @!p0 s1  }
0x4c: {  	[bflag:$0x3] =	sbarrier.arrive $0xFFFF  }
0x4d: {  	_ =	shalt  }

</sc_bundles>
